<compile_context>
chip_gen: v7x
topology: tpu7x:2x2x1
jax: 0.10.2.dev20260603
libtpu: 0.0.44.dev20260713+nightly
codegen_flags: <defaults>
</compile_context>

<pallas_src>
import functools

import jax
import jax.numpy as jnp
from jax import lax
from jax.experimental import pallas as pl
from jax.experimental.pallas import tpu as pltpu
from jax.experimental.pallas import tpu_sc as plsc

NC = 2
NS = 16
NW = NC * NS
CHUNK = 128
BLK = 1000
LANES = 16
AGG_SPLIT = 0.875


def _sc_deg_body(chunks, rows_per_tile, dst_hbm, out_hbm, d0, d1, d2, d3,
                 ones_v, zrow_v, isem, ssem0, ssem1, shared_deg):
  cid = lax.axis_index("c")
  sid = lax.axis_index("s")
  wid = cid * NS + sid
  base = wid * chunks * CHUNK
  didxs = (d0, d1, d2, d3)
  ssems = (ssem0, ssem1)

  def initc(i, _):
    ones_v[pl.ds(i * LANES, LANES)] = jnp.ones((LANES,), jnp.float32)
    return _

  lax.fori_loop(0, CHUNK // LANES, initc, None)

  def initz(i, _):
    zrow_v[pl.ds(i * LANES, LANES)] = jnp.zeros((LANES,), jnp.float32)
    return _

  lax.fori_loop(0, rows_per_tile // LANES, initz, None)
  pltpu.sync_copy(zrow_v, shared_deg.at[pl.ds(sid * rows_per_tile,
                                              rows_per_tile)])
  plsc.subcore_barrier()

  pltpu.async_copy(dst_hbm.at[pl.ds(base, CHUNK)], didxs[0], isem)
  pltpu.async_copy(dst_hbm.at[pl.ds(base + CHUNK, CHUNK)], didxs[1], isem)

  def quad(g, _):
    for half in range(2):
      k0 = g * 4 + 2 * half
      sa = 2 * half
      sb = sa + 1
      na = (sa + 2) % 4
      nb = (na + 1) % 4
      pltpu.make_async_copy(dst_hbm.at[pl.ds(base, CHUNK)], didxs[0],
                            isem).wait()
      pltpu.make_async_copy(dst_hbm.at[pl.ds(base, CHUNK)], didxs[0],
                            isem).wait()
      dsca = pltpu.async_copy(ones_v, shared_deg.at[didxs[sa]], ssems[0],
                              add=True)
      dscb = pltpu.async_copy(ones_v, shared_deg.at[didxs[sb]], ssems[1],
                              add=True)
      pltpu.async_copy(dst_hbm.at[pl.ds(base + (k0 + 2) * CHUNK, CHUNK)],
                       didxs[na], isem)
      pltpu.async_copy(dst_hbm.at[pl.ds(base + (k0 + 3) * CHUNK, CHUNK)],
                       didxs[nb], isem)
      dsca.wait()
      dscb.wait()
    return _

  lax.fori_loop(0, chunks // 4, quad, None)
  pltpu.make_async_copy(dst_hbm.at[pl.ds(base, CHUNK)], didxs[0], isem).wait()
  pltpu.make_async_copy(dst_hbm.at[pl.ds(base, CHUNK)], didxs[0], isem).wait()
  plsc.subcore_barrier()
  n_pad = rows_per_tile * NS
  pltpu.sync_copy(shared_deg.at[pl.ds(sid * rows_per_tile, rows_per_tile)],
                  zrow_v)
  pltpu.sync_copy(
      zrow_v,
      out_hbm.at[pl.ds(cid * n_pad + sid * rows_per_tile, rows_per_tile)])


def _sc_agg_body(c_core, rows_per_tile, d_hid, src_hbm, dst_hbm, hs_hbm,
                 out_hbm, s0, s1, s2, s3, d0, d1, d2, d3, rows, gsem0, gsem1,
                 ssem0, ssem1, isem, shared_acc):
  cid = lax.axis_index("c")
  sid = lax.axis_index("s")
  per_row = d_hid // LANES
  sidxs = (s0, s1, s2, s3)
  didxs = (d0, d1, d2, d3)
  gsem = (gsem0, gsem1)
  ssem = (ssem0, ssem1)
  nz = rows_per_tile // CHUNK

  def run_core(cc, base, oc):
    def initz(i, _):
      rows[0, i // per_row, pl.ds((i % per_row) * LANES, LANES)] = (
          jnp.zeros((LANES,), jnp.float32))
      return _

    lax.fori_loop(0, CHUNK * per_row, initz, None)
    zds = []
    for j in range(nz):
      zds.append(pltpu.async_copy(
          rows.at[0],
          shared_acc.at[pl.ds(sid * rows_per_tile + j * CHUNK, CHUNK), :],
          isem))
    for d in zds:
      d.wait()
    plsc.subcore_barrier()

    pltpu.async_copy(src_hbm.at[pl.ds(base, CHUNK)], sidxs[0], isem)
    pltpu.async_copy(dst_hbm.at[pl.ds(base, CHUNK)], didxs[0], isem)
    pltpu.async_copy(src_hbm.at[pl.ds(base + CHUNK, CHUNK)], sidxs[1], isem)
    pltpu.async_copy(dst_hbm.at[pl.ds(base + CHUNK, CHUNK)], didxs[1], isem)

    def quad(g, _):
      for half in range(2):
        k0 = g * 4 + 2 * half
        sa = 2 * half
        sb = sa + 1
        na = (sa + 2) % 4
        nb = (na + 1) % 4
        for _i in range(4):
          pltpu.make_async_copy(src_hbm.at[pl.ds(base, CHUNK)], sidxs[0],
                                isem).wait()
        dga = pltpu.async_copy(hs_hbm.at[sidxs[sa]], rows.at[0], gsem[0])
        dgb = pltpu.async_copy(hs_hbm.at[sidxs[sb]], rows.at[1], gsem[1])
        offa = base + (k0 + 2) * CHUNK
        offb = base + (k0 + 3) * CHUNK
        pltpu.async_copy(src_hbm.at[pl.ds(offa, CHUNK)], sidxs[na], isem)
        pltpu.async_copy(dst_hbm.at[pl.ds(offa, CHUNK)], didxs[na], isem)
        pltpu.async_copy(src_hbm.at[pl.ds(offb, CHUNK)], sidxs[nb], isem)
        pltpu.async_copy(dst_hbm.at[pl.ds(offb, CHUNK)], didxs[nb], isem)
        dga.wait()
        dsa = pltpu.async_copy(rows.at[0], shared_acc.at[didxs[sa]], ssem[0],
                               add=True)
        dgb.wait()
        dsb = pltpu.async_copy(rows.at[1], shared_acc.at[didxs[sb]], ssem[1],
                               add=True)
        dsa.wait()
        dsb.wait()
      return _

    lax.fori_loop(0, cc // 4, quad, None)
    for _i in range(4):
      pltpu.make_async_copy(src_hbm.at[pl.ds(base, CHUNK)], sidxs[0],
                            isem).wait()
    plsc.subcore_barrier()

    outd = [None] * nz
    for j in range(nz):
      p = j % 2
      if j >= 2:
        outd[j - 2].wait()
      row0 = sid * rows_per_tile + j * CHUNK
      pltpu.async_copy(shared_acc.at[pl.ds(row0, CHUNK), :], rows.at[p],
                       gsem[p]).wait()
      outd[j] = pltpu.async_copy(rows.at[p],
                                 out_hbm.at[oc, pl.ds(row0, CHUNK), :],
                                 ssem[p])
    outd[nz - 2].wait()
    outd[nz - 1].wait()

  @pl.when(cid == 0)
  def _():
    run_core(c_core[0], (sid * c_core[0]) * CHUNK, 0)

  if c_core[1] > 0:
    @pl.when(cid == 1)
    def _():
      run_core(c_core[1], (NS * c_core[0] + sid * c_core[1]) * CHUNK, 1)


def _tc_hs_body(x_ref, w1_ref, degt_ref, hs_ref):
  deg = degt_ref[:, 0] + degt_ref[:, 1] + 1.0
  dinv = 1.0 / jnp.sqrt(deg)
  h = jnp.dot(x_ref[...], w1_ref[...], preferred_element_type=jnp.float32)
  hs_ref[...] = h * dinv[:, None]


def _tc_out_body1(a0_ref, hs_ref, degt_ref, b1_ref, w2_ref, b2_ref, out_ref):
  deg = degt_ref[:, 0] + degt_ref[:, 1] + 1.0
  dinv = 1.0 / jnp.sqrt(deg)
  t = (a0_ref[0] + hs_ref[...]) * dinv[:, None] + b1_ref[...]
  t = jnp.maximum(t, 0.0)
  out_ref[...] = jnp.dot(t, w2_ref[...],
                         preferred_element_type=jnp.float32) + b2_ref[...]


def _tc_out_body2(a0_ref, a1_ref, hs_ref, degt_ref, b1_ref, w2_ref, b2_ref,
                  out_ref):
  deg = degt_ref[:, 0] + degt_ref[:, 1] + 1.0
  dinv = 1.0 / jnp.sqrt(deg)
  t = (a0_ref[0] + a1_ref[0] + hs_ref[...]) * dinv[:, None] + b1_ref[...]
  t = jnp.maximum(t, 0.0)
  out_ref[...] = jnp.dot(t, w2_ref[...],
                         preferred_element_type=jnp.float32) + b2_ref[...]


def kernel(x, edge_index, W1, b1, W2, b2):
  n = x.shape[0]
  e = edge_index.shape[1]
  d_in = x.shape[1]
  d_hid = W1.shape[1]
  d_out = W2.shape[1]

  rows_per_tile = -(-(n + 1) // (NS * CHUNK)) * CHUNK
  n_pad = rows_per_tile * NS

  src = edge_index[0].astype(jnp.int32)
  dst = edge_index[1].astype(jnp.int32)
  tchunks = -(-e // (NW * CHUNK))
  tchunks = -(-tchunks // 4) * 4
  total = NW * tchunks
  c0 = (int(total * AGG_SPLIT) // 64) * 4
  c_core = (c0, total // NS - c0)
  pad = (total + 2) * CHUNK - e
  src_p = jnp.concatenate([src, jnp.zeros((pad,), jnp.int32)])
  pad_dst = n + jnp.arange(pad, dtype=jnp.int32) % (n_pad - n)
  dst_p = jnp.concatenate([dst, pad_dst])

  mesh = plsc.VectorSubcoreMesh(core_axis_name="c", subcore_axis_name="s")

  sc_deg = pl.kernel(
      functools.partial(_sc_deg_body, tchunks, rows_per_tile),
      out_type=jax.ShapeDtypeStruct((NC * n_pad,), jnp.float32),
      mesh=mesh,
      scratch_types=[
          pltpu.VMEM((CHUNK,), jnp.int32),
          pltpu.VMEM((CHUNK,), jnp.int32),
          pltpu.VMEM((CHUNK,), jnp.int32),
          pltpu.VMEM((CHUNK,), jnp.int32),
          pltpu.VMEM((CHUNK,), jnp.float32),
          pltpu.VMEM((rows_per_tile,), jnp.float32),
          pltpu.SemaphoreType.DMA,
          pltpu.SemaphoreType.DMA,
          pltpu.SemaphoreType.DMA,
          pltpu.VMEM_SHARED((n_pad,), jnp.float32),
      ],
  )
  degp = sc_deg(dst_p).reshape(NC, n_pad)
  degt = degp.T

  grid = n // BLK
  tc_hs = pl.pallas_call(
      _tc_hs_body,
      grid=(grid,),
      in_specs=[
          pl.BlockSpec((BLK, d_in), lambda i: (i, 0)),
          pl.BlockSpec((d_in, d_hid), lambda i: (0, 0)),
          pl.BlockSpec((BLK, NC), lambda i: (i, 0)),
      ],
      out_specs=pl.BlockSpec((BLK, d_hid), lambda i: (i, 0)),
      out_shape=jax.ShapeDtypeStruct((n, d_hid), jnp.float32),
  )
  hs = tc_hs(x, W1, degt)

  nca = 2 if c_core[1] > 0 else 1
  sc_agg = pl.kernel(
      functools.partial(_sc_agg_body, c_core, rows_per_tile, d_hid),
      out_type=jax.ShapeDtypeStruct((nca, n_pad, d_hid), jnp.float32),
      mesh=mesh,
      scratch_types=[
          pltpu.VMEM((CHUNK,), jnp.int32),
          pltpu.VMEM((CHUNK,), jnp.int32),
          pltpu.VMEM((CHUNK,), jnp.int32),
          pltpu.VMEM((CHUNK,), jnp.int32),
          pltpu.VMEM((CHUNK,), jnp.int32),
          pltpu.VMEM((CHUNK,), jnp.int32),
          pltpu.VMEM((CHUNK,), jnp.int32),
          pltpu.VMEM((CHUNK,), jnp.int32),
          pltpu.VMEM((2, CHUNK, d_hid), jnp.float32),
          pltpu.SemaphoreType.DMA,
          pltpu.SemaphoreType.DMA,
          pltpu.SemaphoreType.DMA,
          pltpu.SemaphoreType.DMA,
          pltpu.SemaphoreType.DMA,
          pltpu.VMEM_SHARED((n_pad, d_hid), jnp.float32),
      ],
  )
  aggp = sc_agg(src_p, dst_p, hs)

  a_spec = pl.BlockSpec((1, BLK, d_hid), lambda i: (0, i, 0))
  common_specs = [
      pl.BlockSpec((BLK, d_hid), lambda i: (i, 0)),
      pl.BlockSpec((BLK, NC), lambda i: (i, 0)),
      pl.BlockSpec((d_hid,), lambda i: (0,)),
      pl.BlockSpec((d_hid, d_out), lambda i: (0, 0)),
      pl.BlockSpec((d_out,), lambda i: (0,)),
  ]
  if nca == 1:
    tc_out = pl.pallas_call(
        _tc_out_body1,
        grid=(grid,),
        in_specs=[a_spec] + common_specs,
        out_specs=pl.BlockSpec((BLK, d_out), lambda i: (i, 0)),
        out_shape=jax.ShapeDtypeStruct((n, d_out), jnp.float32),
    )
    return tc_out(aggp, hs, degt, b1, W2, b2)
  tc_out = pl.pallas_call(
      _tc_out_body2,
      grid=(grid,),
      in_specs=[a_spec,
                pl.BlockSpec((1, BLK, d_hid), lambda i: (1, i, 0))]
      + common_specs,
      out_specs=pl.BlockSpec((BLK, d_out), lambda i: (i, 0)),
      out_shape=jax.ShapeDtypeStruct((n, d_out), jnp.float32),
  )
  return tc_out(aggp, aggp, hs, degt, b1, W2, b2)

# --- scband reference (transcript-rebuilt; emitter-appended) ---
"""Pipeline reference for scband-gcnmlpencoder-35330400977114 (READ-ONLY COPY).

The authoritative reference and input builder live on the scoring server;
editing this copy changes nothing except your own understanding.
"""

import jax, jax.numpy as jnp
import numpy as np

N_NODES = 10000
N_EDGES = 320000
D_IN = 128
D_HID = 128
D_OUT = 64


def setup_inputs(seed: int = 0) -> dict:
    key = jax.random.key(seed)
    k_x, k_ei, k_w1, k_b1, k_w2, k_b2 = jax.random.split(key, 6)
    x = jax.random.normal(k_x, (N_NODES, D_IN), dtype=jnp.float32)
    edge_index = jax.random.randint(k_ei, (2, N_EDGES), 0, N_NODES, dtype=jnp.int64)
    # GCNConv weight (glorot) and bias (zeros in PyG, use small random here)
    W1 = jax.random.normal(k_w1, (D_IN, D_HID), dtype=jnp.float32) * (1.0 / np.sqrt(D_IN))
    b1 = jax.random.normal(k_b1, (D_HID,), dtype=jnp.float32) * 0.01
    # nn.Linear weight/bias
    W2 = jax.random.normal(k_w2, (D_HID, D_OUT), dtype=jnp.float32) * (1.0 / np.sqrt(D_HID))
    b2 = jax.random.normal(k_b2, (D_OUT,), dtype=jnp.float32) * 0.01
    return {"x": x, "edge_index": edge_index, "W1": W1, "b1": b1, "W2": W2, "b2": b2}


def _gcn_conv(x, edge_index, W, b):
    # Faithful PyG GCNConv: add self-loops, symmetric normalization, scatter-add aggregation.
    N = x.shape[0]
    src = edge_index[0]
    dst = edge_index[1]
    loop = jnp.arange(N, dtype=edge_index.dtype)
    src = jnp.concatenate([src, loop])
    dst = jnp.concatenate([dst, loop])
    edge_weight = jnp.ones(src.shape[0], dtype=x.dtype)
    deg = jnp.zeros((N,), dtype=x.dtype).at[dst].add(edge_weight)
    deg_inv_sqrt = jnp.where(deg > 0, deg ** -0.5, 0.0)
    norm = deg_inv_sqrt[src] * edge_weight * deg_inv_sqrt[dst]
    h = x @ W  # linear transform first (standard GCNConv)
    msg = h[src] * norm[:, None]  # gather + scale
    out = jnp.zeros((N, W.shape[1]), dtype=x.dtype).at[dst].add(msg)  # scatter-add
    return out + b


def reference(x, edge_index, W1, b1, W2, b2):
    out = jax.nn.relu(_gcn_conv(x, edge_index, W1, b1))
    out = out @ W2 + b2
    return out

if __name__ == "__main__":
    import jax
    _d = setup_inputs()
    print(jax.jit(kernel)(*tuple(_d.values())))

</pallas_src>

<mosaic_0001>
#map = affine_map<(d0, d1) -> (0)>
module attributes {stable_mosaic.version = 14 : i64} {
  func.func @_sc_deg_body(%arg0: i32, %arg1: i32, %arg2: memref<327936xi32, #tpu.memory_space<hbm>>, %arg3: memref<20480xf32, #tpu.memory_space<hbm>>, %arg4: memref<128xi32, #tpu.memory_space<vmem>>, %arg5: memref<128xi32, #tpu.memory_space<vmem>>, %arg6: memref<128xi32, #tpu.memory_space<vmem>>, %arg7: memref<128xi32, #tpu.memory_space<vmem>>, %arg8: memref<128xf32, #tpu.memory_space<vmem>>, %arg9: memref<640xf32, #tpu.memory_space<vmem>>, %arg10: memref<!tpu.dma_semaphore, #tpu.memory_space<semaphore_mem>>, %arg11: memref<!tpu.dma_semaphore, #tpu.memory_space<semaphore_mem>>, %arg12: memref<!tpu.dma_semaphore, #tpu.memory_space<semaphore_mem>>, %arg13: memref<10240xf32, #tpu.memory_space<vmem_shared>>) attributes {dimension_semantics = [#tpu.dimension_semantics<core_parallel>, #tpu.dimension_semantics<subcore_parallel>], iteration_bounds = array<i64: 2, 16>, scalar_prefetch = 0 : i64, scratch_operands = 10 : i64, tpu.core_type = #tpu.core_type<sc_vector_subcore>, window_params = [{transform_indices = #map}, {transform_indices = #map}]} {
    %mul3A = arith.constant 16 : i32
    %mul3A_0 = arith.muli %arg0, %mul3A : i32
    %add3A = arith.addi %mul3A_0, %arg1 : i32
    %mul3A_1 = arith.constant 80 : i32
    %mul3A_2 = arith.muli %add3A, %mul3A_1 : i32
    %mul3A_3 = arith.constant 128 : i32
    %mul3A_4 = arith.muli %mul3A_2, %mul3A_3 : i32
    %scan3A = arith.constant 0 : i32
    %scan3A_5 = arith.constant 8 : i32
    %scan3A_6 = arith.addi %scan3A, %scan3A_5 : i32
    %scan3A_7 = arith.constant 1 : i32
    scf.for %scan3A_37 = %scan3A to %scan3A_6 step %scan3A_7  : i32 {
      %broadcast_in_dim3A = arith.constant 1.000000e+00 : f32
      %broadcast_in_dim3A_38 = vector.broadcast %broadcast_in_dim3A : f32 to vector<16xf32>
      %mul3A_39 = arith.constant 16 : i32
      %mul3A_40 = arith.muli %scan3A_37, %mul3A_39 : i32
      %swap3A = arith.index_cast %mul3A_40 : i32 to index
      %swap3A_41 = tpu.vector_load %arg8[%swap3A] {strides = array<i32>} : memref<128xf32, #tpu.memory_space<vmem>>, vector<16xf32>,
      %swap3A_42 = vector.shape_cast %swap3A_41 : vector<16xf32> to vector<16xf32>
      %swap3A_43 = vector.shape_cast %broadcast_in_dim3A_38 : vector<16xf32> to vector<16xf32>
      tpu.vector_store %arg8[%swap3A], %swap3A_43 {strides = array<i32>} : memref<128xf32, #tpu.memory_space<vmem>>, vector<16xf32>,
    }
    %scan3A_8 = arith.constant 8 : i32
    %scan3A_9 = arith.constant 0 : i32
    %scan3A_10 = arith.constant 40 : i32
    %scan3A_11 = arith.addi %scan3A_9, %scan3A_10 : i32
    %scan3A_12 = arith.constant 1 : i32
    scf.for %scan3A_37 = %scan3A_9 to %scan3A_11 step %scan3A_12  : i32 {
      %broadcast_in_dim3A = arith.constant 0.000000e+00 : f32
      %broadcast_in_dim3A_38 = vector.broadcast %broadcast_in_dim3A : f32 to vector<16xf32>
      %mul3A_39 = arith.constant 16 : i32
      %mul3A_40 = arith.muli %scan3A_37, %mul3A_39 : i32
      %swap3A = arith.index_cast %mul3A_40 : i32 to index
      %swap3A_41 = tpu.vector_load %arg9[%swap3A] {strides = array<i32>} : memref<640xf32, #tpu.memory_space<vmem>>, vector<16xf32>,
      %swap3A_42 = vector.shape_cast %swap3A_41 : vector<16xf32> to vector<16xf32>
      %swap3A_43 = vector.shape_cast %broadcast_in_dim3A_38 : vector<16xf32> to vector<16xf32>
      tpu.vector_store %arg9[%swap3A], %swap3A_43 {strides = array<i32>} : memref<640xf32, #tpu.memory_space<vmem>>, vector<16xf32>,
    }
    %scan3A_13 = arith.constant 40 : i32
    %mul3A_14 = arith.constant 640 : i32
    %mul3A_15 = arith.muli %arg1, %mul3A_14 : i32
    "tpu.region"() ({
      %run_scoped3A = tpu.sem_alloc : memref<!tpu.dma_semaphore, #tpu.memory_space<semaphore_mem>>
      %dma_start3A_37 = tpu.memref_slice %arg13[%mul3A_15] : memref<10240xf32, #tpu.memory_space<vmem_shared>> -> memref<640xf32, #tpu.memory_space<vmem_shared>>
      %dma_start3A_38 = tpu.memref_slice %arg13[%mul3A_15] : memref<10240xf32, #tpu.memory_space<vmem_shared>> -> memref<640xf32, #tpu.memory_space<vmem_shared>>
      tpu.enqueue_dma source(%arg9 : memref<640xf32, #tpu.memory_space<vmem>>) target(%dma_start3A_38 : memref<640xf32, #tpu.memory_space<vmem_shared>>) target_semaphore(%run_scoped3A : memref<!tpu.dma_semaphore, #tpu.memory_space<semaphore_mem>>)
      %dma_wait3A_39 = tpu.memref_slice %arg13[%mul3A_15] : memref<10240xf32, #tpu.memory_space<vmem_shared>> -> memref<640xf32, #tpu.memory_space<vmem_shared>>
      %dma_wait3A_40 = tpu.memref_slice %arg13[%mul3A_15] : memref<10240xf32, #tpu.memory_space<vmem_shared>> -> memref<640xf32, #tpu.memory_space<vmem_shared>>
      tpu.wait_dma2 semaphore(%run_scoped3A : memref<!tpu.dma_semaphore, #tpu.memory_space<semaphore_mem>>) src(%arg9 : memref<640xf32, #tpu.memory_space<vmem>>) dst(%dma_wait3A_40 : memref<640xf32, #tpu.memory_space<vmem_shared>>)
      tpu.yield
    }) : () -> ()
    %barrier3A = arith.constant 0 : index
    tpu.barrier barrier_id(%barrier3A)
    %dma_start3A = tpu.memref_slice %arg2[%mul3A_4] : memref<327936xi32, #tpu.memory_space<hbm>> -> memref<128xi32, #tpu.memory_space<hbm>>
    %dma_start3A_16 = tpu.memref_slice %arg2[%mul3A_4] : memref<327936xi32, #tpu.memory_space<hbm>> -> memref<128xi32, #tpu.memory_space<hbm>>
    tpu.enqueue_dma source(%dma_start3A_16 : memref<128xi32, #tpu.memory_space<hbm>>) target(%arg4 : memref<128xi32, #tpu.memory_space<vmem>>) target_semaphore(%arg10 : memref<!tpu.dma_semaphore, #tpu.memory_space<semaphore_mem>>)
    %add3A_17 = arith.constant 128 : i32
    %add3A_18 = arith.addi %mul3A_4, %add3A_17 : i32
    %dma_start3A_19 = tpu.memref_slice %arg2[%add3A_18] : memref<327936xi32, #tpu.memory_space<hbm>> -> memref<128xi32, #tpu.memory_space<hbm>>
    %dma_start3A_20 = tpu.memref_slice %arg2[%add3A_18] : memref<327936xi32, #tpu.memory_space<hbm>> -> memref<128xi32, #tpu.memory_space<hbm>>
    tpu.enqueue_dma source(%dma_start3A_20 : memref<128xi32, #tpu.memory_space<hbm>>) target(%arg5 : memref<128xi32, #tpu.memory_space<vmem>>) target_semaphore(%arg10 : memref<!tpu.dma_semaphore, #tpu.memory_space<semaphore_mem>>)
    %scan3A_21 = arith.constant 0 : i32
    %scan3A_22 = arith.constant 20 : i32
    %scan3A_23 = arith.addi %scan3A_21, %scan3A_22 : i32
    %scan3A_24 = arith.constant 1 : i32
    scf.for %scan3A_37 = %scan3A_21 to %scan3A_23 step %scan3A_24  : i32 {
      %mul3A_38 = arith.constant 4 : i32
      %mul3A_39 = arith.muli %scan3A_37, %mul3A_38 : i32
      %add3A_40 = arith.constant 0 : i32
      %add3A_41 = arith.addi %mul3A_39, %add3A_40 : i32
      %dma_wait3A_42 = tpu.memref_slice %arg2[%mul3A_4] : memref<327936xi32, #tpu.memory_space<hbm>> -> memref<128xi32, #tpu.memory_space<hbm>>
      %dma_wait3A_43 = tpu.memref_slice %arg2[%mul3A_4] : memref<327936xi32, #tpu.memory_space<hbm>> -> memref<128xi32, #tpu.memory_space<hbm>>
      tpu.wait_dma2 semaphore(%arg10 : memref<!tpu.dma_semaphore, #tpu.memory_space<semaphore_mem>>) src(%dma_wait3A_43 : memref<128xi32, #tpu.memory_space<hbm>>) dst(%arg4 : memref<128xi32, #tpu.memory_space<vmem>>)
      %dma_wait3A_44 = tpu.memref_slice %arg2[%mul3A_4] : memref<327936xi32, #tpu.memory_space<hbm>> -> memref<128xi32, #tpu.memory_space<hbm>>
      %dma_wait3A_45 = tpu.memref_slice %arg2[%mul3A_4] : memref<327936xi32, #tpu.memory_space<hbm>> -> memref<128xi32, #tpu.memory_space<hbm>>
      tpu.wait_dma2 semaphore(%arg10 : memref<!tpu.dma_semaphore, #tpu.memory_space<semaphore_mem>>) src(%dma_wait3A_45 : memref<128xi32, #tpu.memory_space<hbm>>) dst(%arg4 : memref<128xi32, #tpu.memory_space<vmem>>)
      %dma_start3A_46 = arith.constant 0 : i32
      %dma_start3A_47 = tpu.memref_slice %arg13[%dma_start3A_46] : memref<10240xf32, #tpu.memory_space<vmem_shared>> -> memref<10240xf32, #tpu.memory_space<vmem_shared>>
      tpu.enqueue_indirect_dma source(%arg8 : memref<128xf32, #tpu.memory_space<vmem>>) target(%dma_start3A_47 : memref<10240xf32, #tpu.memory_space<vmem_shared>>) offsets(%arg4 : memref<128xi32, #tpu.memory_space<vmem>>) semaphore(%arg11 : memref<!tpu.dma_semaphore, #tpu.memory_space<semaphore_mem>>) {add = true}
      %dma_start3A_48 = arith.constant 0 : i32
      %dma_start3A_49 = tpu.memref_slice %arg13[%dma_start3A_48] : memref<10240xf32, #tpu.memory_space<vmem_shared>> -> memref<10240xf32, #tpu.memory_space<vmem_shared>>
      tpu.enqueue_indirect_dma source(%arg8 : memref<128xf32, #tpu.memory_space<vmem>>) target(%dma_start3A_49 : memref<10240xf32, #tpu.memory_space<vmem_shared>>) offsets(%arg5 : memref<128xi32, #tpu.memory_space<vmem>>) semaphore(%arg12 : memref<!tpu.dma_semaphore, #tpu.memory_space<semaphore_mem>>) {add = true}
      %add3A_50 = arith.constant 2 : i32
      %add3A_51 = arith.addi %add3A_41, %add3A_50 : i32
      %mul3A_52 = arith.constant 128 : i32
      %mul3A_53 = arith.muli %add3A_51, %mul3A_52 : i32
      %add3A_54 = arith.addi %mul3A_4, %mul3A_53 : i32
      %dma_start3A_55 = tpu.memref_slice %arg2[%add3A_54] : memref<327936xi32, #tpu.memory_space<hbm>> -> memref<128xi32, #tpu.memory_space<hbm>>
      %dma_start3A_56 = tpu.memref_slice %arg2[%add3A_54] : memref<327936xi32, #tpu.memory_space<hbm>> -> memref<128xi32, #tpu.memory_space<hbm>>
      tpu.enqueue_dma source(%dma_start3A_56 : memref<128xi32, #tpu.memory_space<hbm>>) target(%arg6 : memref<128xi32, #tpu.memory_space<vmem>>) target_semaphore(%arg10 : memref<!tpu.dma_semaphore, #tpu.memory_space<semaphore_mem>>)
      %add3A_57 = arith.constant 3 : i32
      %add3A_58 = arith.addi %add3A_41, %add3A_57 : i32
      %mul3A_59 = arith.constant 128 : i32
      %mul3A_60 = arith.muli %add3A_58, %mul3A_59 : i32
      %add3A_61 = arith.addi %mul3A_4, %mul3A_60 : i32
      %dma_start3A_62 = tpu.memref_slice %arg2[%add3A_61] : memref<327936xi32, #tpu.memory_space<hbm>> -> memref<128xi32, #tpu.memory_space<hbm>>
      %dma_start3A_63 = tpu.memref_slice %arg2[%add3A_61] : memref<327936xi32, #tpu.memory_space<hbm>> -> memref<128xi32, #tpu.memory_space<hbm>>
      tpu.enqueue_dma source(%dma_start3A_63 : memref<128xi32, #tpu.memory_space<hbm>>) target(%arg7 : memref<128xi32, #tpu.memory_space<vmem>>) target_semaphore(%arg10 : memref<!tpu.dma_semaphore, #tpu.memory_space<semaphore_mem>>)
      %dma_wait3A_64 = arith.constant 0 : i32
      %dma_wait3A_65 = tpu.memref_slice %arg13[%dma_wait3A_64] : memref<10240xf32, #tpu.memory_space<vmem_shared>> -> memref<10240xf32, #tpu.memory_space<vmem_shared>>
      tpu.wait_indirect_dma semaphore(%arg11 : memref<!tpu.dma_semaphore, #tpu.memory_space<semaphore_mem>>) src(%arg8 : memref<128xf32, #tpu.memory_space<vmem>>) dst(%dma_wait3A_65 : memref<10240xf32, #tpu.memory_space<vmem_shared>>)
      %dma_wait3A_66 = arith.constant 0 : i32
      %dma_wait3A_67 = tpu.memref_slice %arg13[%dma_wait3A_66] : memref<10240xf32, #tpu.memory_space<vmem_shared>> -> memref<10240xf32, #tpu.memory_space<vmem_shared>>
      tpu.wait_indirect_dma semaphore(%arg12 : memref<!tpu.dma_semaphore, #tpu.memory_space<semaphore_mem>>) src(%arg8 : memref<128xf32, #tpu.memory_space<vmem>>) dst(%dma_wait3A_67 : memref<10240xf32, #tpu.memory_space<vmem_shared>>)
      %mul3A_68 = arith.constant 4 : i32
      %mul3A_69 = arith.muli %scan3A_37, %mul3A_68 : i32
      %add3A_70 = arith.constant 2 : i32
      %add3A_71 = arith.addi %mul3A_69, %add3A_70 : i32
      %dma_wait3A_72 = tpu.memref_slice %arg2[%mul3A_4] : memref<327936xi32, #tpu.memory_space<hbm>> -> memref<128xi32, #tpu.memory_space<hbm>>
      %dma_wait3A_73 = tpu.memref_slice %arg2[%mul3A_4] : memref<327936xi32, #tpu.memory_space<hbm>> -> memref<128xi32, #tpu.memory_space<hbm>>
      tpu.wait_dma2 semaphore(%arg10 : memref<!tpu.dma_semaphore, #tpu.memory_space<semaphore_mem>>) src(%dma_wait3A_73 : memref<128xi32, #tpu.memory_space<hbm>>) dst(%arg4 : memref<128xi32, #tpu.memory_space<vmem>>)
      %dma_wait3A_74 = tpu.memref_slice %arg2[%mul3A_4] : memref<327936xi32, #tpu.memory_space<hbm>> -> memref<128xi32, #tpu.memory_space<hbm>>
      %dma_wait3A_75 = tpu.memref_slice %arg2[%mul3A_4] : memref<327936xi32, #tpu.memory_space<hbm>> -> memref<128xi32, #tpu.memory_space<hbm>>
      tpu.wait_dma2 semaphore(%arg10 : memref<!tpu.dma_semaphore, #tpu.memory_space<semaphore_mem>>) src(%dma_wait3A_75 : memref<128xi32, #tpu.memory_space<hbm>>) dst(%arg4 : memref<128xi32, #tpu.memory_space<vmem>>)
      %dma_start3A_76 = arith.constant 0 : i32
      %dma_start3A_77 = tpu.memref_slice %arg13[%dma_start3A_76] : memref<10240xf32, #tpu.memory_space<vmem_shared>> -> memref<10240xf32, #tpu.memory_space<vmem_shared>>
      tpu.enqueue_indirect_dma source(%arg8 : memref<128xf32, #tpu.memory_space<vmem>>) target(%dma_start3A_77 : memref<10240xf32, #tpu.memory_space<vmem_shared>>) offsets(%arg6 : memref<128xi32, #tpu.memory_space<vmem>>) semaphore(%arg11 : memref<!tpu.dma_semaphore, #tpu.memory_space<semaphore_mem>>) {add = true}
      %dma_start3A_78 = arith.constant 0 : i32
      %dma_start3A_79 = tpu.memref_slice %arg13[%dma_start3A_78] : memref<10240xf32, #tpu.memory_space<vmem_shared>> -> memref<10240xf32, #tpu.memory_space<vmem_shared>>
      tpu.enqueue_indirect_dma source(%arg8 : memref<128xf32, #tpu.memory_space<vmem>>) target(%dma_start3A_79 : memref<10240xf32, #tpu.memory_space<vmem_shared>>) offsets(%arg7 : memref<128xi32, #tpu.memory_space<vmem>>) semaphore(%arg12 : memref<!tpu.dma_semaphore, #tpu.memory_space<semaphore_mem>>) {add = true}
      %add3A_80 = arith.constant 2 : i32
      %add3A_81 = arith.addi %add3A_71, %add3A_80 : i32
      %mul3A_82 = arith.constant 128 : i32
      %mul3A_83 = arith.muli %add3A_81, %mul3A_82 : i32
      %add3A_84 = arith.addi %mul3A_4, %mul3A_83 : i32
      %dma_start3A_85 = tpu.memref_slice %arg2[%add3A_84] : memref<327936xi32, #tpu.memory_space<hbm>> -> memref<128xi32, #tpu.memory_space<hbm>>
      %dma_start3A_86 = tpu.memref_slice %arg2[%add3A_84] : memref<327936xi32, #tpu.memory_space<hbm>> -> memref<128xi32, #tpu.memory_space<hbm>>
      tpu.enqueue_dma source(%dma_start3A_86 : memref<128xi32, #tpu.memory_space<hbm>>) target(%arg4 : memref<128xi32, #tpu.memory_space<vmem>>) target_semaphore(%arg10 : memref<!tpu.dma_semaphore, #tpu.memory_space<semaphore_mem>>)
      %add3A_87 = arith.constant 3 : i32
      %add3A_88 = arith.addi %add3A_71, %add3A_87 : i32
      %mul3A_89 = arith.constant 128 : i32
      %mul3A_90 = arith.muli %add3A_88, %mul3A_89 : i32
      %add3A_91 = arith.addi %mul3A_4, %mul3A_90 : i32
      %dma_start3A_92 = tpu.memref_slice %arg2[%add3A_91] : memref<327936xi32, #tpu.memory_space<hbm>> -> memref<128xi32, #tpu.memory_space<hbm>>
      %dma_start3A_93 = tpu.memref_slice %arg2[%add3A_91] : memref<327936xi32, #tpu.memory_space<hbm>> -> memref<128xi32, #tpu.memory_space<hbm>>
      tpu.enqueue_dma source(%dma_start3A_93 : memref<128xi32, #tpu.memory_space<hbm>>) target(%arg5 : memref<128xi32, #tpu.memory_space<vmem>>) target_semaphore(%arg10 : memref<!tpu.dma_semaphore, #tpu.memory_space<semaphore_mem>>)
      %dma_wait3A_94 = arith.constant 0 : i32
      %dma_wait3A_95 = tpu.memref_slice %arg13[%dma_wait3A_94] : memref<10240xf32, #tpu.memory_space<vmem_shared>> -> memref<10240xf32, #tpu.memory_space<vmem_shared>>
      tpu.wait_indirect_dma semaphore(%arg11 : memref<!tpu.dma_semaphore, #tpu.memory_space<semaphore_mem>>) src(%arg8 : memref<128xf32, #tpu.memory_space<vmem>>) dst(%dma_wait3A_95 : memref<10240xf32, #tpu.memory_space<vmem_shared>>)
      %dma_wait3A_96 = arith.constant 0 : i32
      %dma_wait3A_97 = tpu.memref_slice %arg13[%dma_wait3A_96] : memref<10240xf32, #tpu.memory_space<vmem_shared>> -> memref<10240xf32, #tpu.memory_space<vmem_shared>>
      tpu.wait_indirect_dma semaphore(%arg12 : memref<!tpu.dma_semaphore, #tpu.memory_space<semaphore_mem>>) src(%arg8 : memref<128xf32, #tpu.memory_space<vmem>>) dst(%dma_wait3A_97 : memref<10240xf32, #tpu.memory_space<vmem_shared>>)
    }
    %scan3A_25 = arith.constant 20 : i32
    %dma_wait3A = tpu.memref_slice %arg2[%mul3A_4] : memref<327936xi32, #tpu.memory_space<hbm>> -> memref<128xi32, #tpu.memory_space<hbm>>
    %dma_wait3A_26 = tpu.memref_slice %arg2[%mul3A_4] : memref<327936xi32, #tpu.memory_space<hbm>> -> memref<128xi32, #tpu.memory_space<hbm>>
    tpu.wait_dma2 semaphore(%arg10 : memref<!tpu.dma_semaphore, #tpu.memory_space<semaphore_mem>>) src(%dma_wait3A_26 : memref<128xi32, #tpu.memory_space<hbm>>) dst(%arg4 : memref<128xi32, #tpu.memory_space<vmem>>)
    %dma_wait3A_27 = tpu.memref_slice %arg2[%mul3A_4] : memref<327936xi32, #tpu.memory_space<hbm>> -> memref<128xi32, #tpu.memory_space<hbm>>
    %dma_wait3A_28 = tpu.memref_slice %arg2[%mul3A_4] : memref<327936xi32, #tpu.memory_space<hbm>> -> memref<128xi32, #tpu.memory_space<hbm>>
    tpu.wait_dma2 semaphore(%arg10 : memref<!tpu.dma_semaphore, #tpu.memory_space<semaphore_mem>>) src(%dma_wait3A_28 : memref<128xi32, #tpu.memory_space<hbm>>) dst(%arg4 : memref<128xi32, #tpu.memory_space<vmem>>)
    %barrier3A_29 = arith.constant 0 : index
    tpu.barrier barrier_id(%barrier3A_29)
    %mul3A_30 = arith.constant 640 : i32
    %mul3A_31 = arith.muli %arg1, %mul3A_30 : i32
    "tpu.region"() ({
      %run_scoped3A = tpu.sem_alloc : memref<!tpu.dma_semaphore, #tpu.memory_space<semaphore_mem>>
      %dma_start3A_37 = tpu.memref_slice %arg13[%mul3A_31] : memref<10240xf32, #tpu.memory_space<vmem_shared>> -> memref<640xf32, #tpu.memory_space<vmem_shared>>
      %dma_start3A_38 = tpu.memref_slice %arg13[%mul3A_31] : memref<10240xf32, #tpu.memory_space<vmem_shared>> -> memref<640xf32, #tpu.memory_space<vmem_shared>>
      tpu.enqueue_dma source(%dma_start3A_38 : memref<640xf32, #tpu.memory_space<vmem_shared>>) target(%arg9 : memref<640xf32, #tpu.memory_space<vmem>>) target_semaphore(%run_scoped3A : memref<!tpu.dma_semaphore, #tpu.memory_space<semaphore_mem>>)
      %dma_wait3A_39 = tpu.memref_slice %arg13[%mul3A_31] : memref<10240xf32, #tpu.memory_space<vmem_shared>> -> memref<640xf32, #tpu.memory_space<vmem_shared>>
      %dma_wait3A_40 = tpu.memref_slice %arg13[%mul3A_31] : memref<10240xf32, #tpu.memory_space<vmem_shared>> -> memref<640xf32, #tpu.memory_space<vmem_shared>>
      tpu.wait_dma2 semaphore(%run_scoped3A : memref<!tpu.dma_semaphore, #tpu.memory_space<semaphore_mem>>) src(%dma_wait3A_40 : memref<640xf32, #tpu.memory_space<vmem_shared>>) dst(%arg9 : memref<640xf32, #tpu.memory_space<vmem>>)
      tpu.yield
    }) : () -> ()
    %mul3A_32 = arith.constant 10240 : i32
    %mul3A_33 = arith.muli %arg0, %mul3A_32 : i32
    %mul3A_34 = arith.constant 640 : i32
    %mul3A_35 = arith.muli %arg1, %mul3A_34 : i32
    %add3A_36 = arith.addi %mul3A_33, %mul3A_35 : i32
    "tpu.region"() ({
      %run_scoped3A = tpu.sem_alloc : memref<!tpu.dma_semaphore, #tpu.memory_space<semaphore_mem>>
      %dma_start3A_37 = tpu.memref_slice %arg3[%add3A_36] : memref<20480xf32, #tpu.memory_space<hbm>> -> memref<640xf32, #tpu.memory_space<hbm>>
      %dma_start3A_38 = tpu.memref_slice %arg3[%add3A_36] : memref<20480xf32, #tpu.memory_space<hbm>> -> memref<640xf32, #tpu.memory_space<hbm>>
      tpu.enqueue_dma source(%arg9 : memref<640xf32, #tpu.memory_space<vmem>>) target(%dma_start3A_38 : memref<640xf32, #tpu.memory_space<hbm>>) target_semaphore(%run_scoped3A : memref<!tpu.dma_semaphore, #tpu.memory_space<semaphore_mem>>)
      %dma_wait3A_39 = tpu.memref_slice %arg3[%add3A_36] : memref<20480xf32, #tpu.memory_space<hbm>> -> memref<640xf32, #tpu.memory_space<hbm>>
      %dma_wait3A_40 = tpu.memref_slice %arg3[%add3A_36] : memref<20480xf32, #tpu.memory_space<hbm>> -> memref<640xf32, #tpu.memory_space<hbm>>
      tpu.wait_dma2 semaphore(%run_scoped3A : memref<!tpu.dma_semaphore, #tpu.memory_space<semaphore_mem>>) src(%arg9 : memref<640xf32, #tpu.memory_space<vmem>>) dst(%dma_wait3A_40 : memref<640xf32, #tpu.memory_space<hbm>>)
      tpu.yield
    }) : () -> ()
    return
  }
}

#map = affine_map<(d0, d1) -> (0)>
#map1 = affine_map<(d0, d1) -> (0, 0)>
#map2 = affine_map<(d0, d1) -> (0, 0, 0)>
module attributes {stable_mosaic.version = 14 : i64} {
  func.func @_sc_agg_body(%arg0: i32, %arg1: i32, %arg2: memref<327936xi32, #tpu.memory_space<hbm>>, %arg3: memref<327936xi32, #tpu.memory_space<hbm>>, %arg4: memref<10000x128xf32, #tpu.memory_space<hbm>>, %arg5: memref<2x10240x128xf32, #tpu.memory_space<hbm>>, %arg6: memref<128xi32, #tpu.memory_space<vmem>>, %arg7: memref<128xi32, #tpu.memory_space<vmem>>, %arg8: memref<128xi32, #tpu.memory_space<vmem>>, %arg9: memref<128xi32, #tpu.memory_space<vmem>>, %arg10: memref<128xi32, #tpu.memory_space<vmem>>, %arg11: memref<128xi32, #tpu.memory_space<vmem>>, %arg12: memref<128xi32, #tpu.memory_space<vmem>>, %arg13: memref<128xi32, #tpu.memory_space<vmem>>, %arg14: memref<2x128x128xf32, #tpu.memory_space<vmem>>, %arg15: memref<!tpu.dma_semaphore, #tpu.memory_space<semaphore_mem>>, %arg16: memref<!tpu.dma_semaphore, #tpu.memory_space<semaphore_mem>>, %arg17: memref<!tpu.dma_semaphore, #tpu.memory_space<semaphore_mem>>, %arg18: memref<!tpu.dma_semaphore, #tpu.memory_space<semaphore_mem>>, %arg19: memref<!tpu.dma_semaphore, #tpu.memory_space<semaphore_mem>>, %arg20: memref<10240x128xf32, #tpu.memory_space<vmem_shared>>) attributes {dimension_semantics = [#tpu.dimension_semantics<core_parallel>, #tpu.dimension_semantics<subcore_parallel>], iteration_bounds = array<i64: 2, 16>, scalar_prefetch = 0 : i64, scratch_operands = 15 : i64, tpu.core_type = #tpu.core_type<sc_vector_subcore>, window_params = [{transform_indices = #map}, {transform_indices = #map}, {transform_indices = #map1}, {transform_indices = #map2}]} {
    %eq3A = arith.constant 0 : i32
    %eq3A_0 = arith.cmpi eq, %arg0, %eq3A : i32
    %convert_element_type3A = arith.extui %eq3A_0 : i1 to i32
    %cond3A = arith.constant 0 : i32
    %cond3A_1 = arith.cmpi ne, %convert_element_type3A, %cond3A : i32
    scf.if %cond3A_1 {
      %mul3A = arith.constant 140 : i32
      %mul3A_7 = arith.muli %arg1, %mul3A : i32
      %mul3A_8 = arith.constant 128 : i32
      %mul3A_9 = arith.muli %mul3A_7, %mul3A_8 : i32
      %scan3A = arith.constant 0 : i32
      %scan3A_10 = arith.constant 1024 : i32
      %scan3A_11 = arith.addi %scan3A, %scan3A_10 : i32
      %scan3A_12 = arith.constant 1 : i32
      scf.for %scan3A_497 = %scan3A to %scan3A_11 step %scan3A_12  : i32 {
        %broadcast_in_dim3A = arith.constant 0.000000e+00 : f32
        %broadcast_in_dim3A_498 = vector.broadcast %broadcast_in_dim3A : f32 to vector<16xf32>
        %jit3A = arith.constant 8 : i32
        %div3A = arith.divsi %scan3A_497, %jit3A : i32
        %sign3A = arith.constant 0 : i32
        %sign3A_499 = arith.cmpi sgt, %scan3A_497, %sign3A : i32
        %sign3A_500 = arith.extui %sign3A_499 : i1 to i32
        %sign3A_501 = arith.constant 0 : i32
        %sign3A_502 = arith.cmpi slt, %scan3A_497, %sign3A_501 : i32
        %sign3A_503 = arith.extui %sign3A_502 : i1 to i32
        %sign3A_504 = arith.subi %sign3A_500, %sign3A_503 : i32
        %sign3A_505 = arith.constant 0 : i32
        %sign3A_506 = arith.cmpi sgt, %jit3A, %sign3A_505 : i32
        %sign3A_507 = arith.extui %sign3A_506 : i1 to i32
        %sign3A_508 = arith.constant 0 : i32
        %sign3A_509 = arith.cmpi slt, %jit3A, %sign3A_508 : i32
        %sign3A_510 = arith.extui %sign3A_509 : i1 to i32
        %sign3A_511 = arith.subi %sign3A_507, %sign3A_510 : i32
        %ne3A = arith.cmpi ne, %sign3A_504, %sign3A_511 : i32
        %rem3A = arith.remsi %scan3A_497, %jit3A : i32
        %ne3A_512 = arith.constant 0 : i32
        %ne3A_513 = arith.cmpi ne, %rem3A, %ne3A_512 : i32
        %and3A = arith.andi %ne3A, %ne3A_513 : i1
        %sub3A = arith.constant 1 : i32
        %sub3A_514 = arith.subi %div3A, %sub3A : i32
        %select_n3A = arith.select %and3A, %sub3A_514, %div3A : i32
        %jit3A_515 = arith.constant 8 : i32
        %eq3A_516 = arith.constant 0 : i32
        %eq3A_517 = arith.cmpi eq, %jit3A_515, %eq3A_516 : i32
        %jit3A_518 = arith.constant 1 : i32
        %select_n3A_519 = arith.select %eq3A_517, %jit3A_518, %jit3A_515 : i32
        %rem3A_520 = arith.remsi %scan3A_497, %select_n3A_519 : i32
        %ne3A_521 = arith.constant 0 : i32
        %ne3A_522 = arith.cmpi ne, %rem3A_520, %ne3A_521 : i32
        %lt3A = arith.constant 0 : i32
        %lt3A_523 = arith.cmpi slt, %rem3A_520, %lt3A : i32
        %lt3A_524 = arith.constant 0 : i32
        %lt3A_525 = arith.cmpi slt, %select_n3A_519, %lt3A_524 : i32
        %ne3A_526 = arith.xori %lt3A_523, %lt3A_525 : i1
        %and3A_527 = arith.andi %ne3A_526, %ne3A_522 : i1
        %add3A_528 = arith.addi %rem3A_520, %select_n3A_519 : i32
        %select_n3A_529 = arith.select %and3A_527, %add3A_528, %rem3A_520 : i32
        %mul3A_530 = arith.constant 16 : i32
        %mul3A_531 = arith.muli %select_n3A_529, %mul3A_530 : i32
        %swap3A = arith.constant 0 : i32
        %swap3A_532 = arith.index_cast %swap3A : i32 to index
        %swap3A_533 = arith.index_cast %select_n3A : i32 to index
        %swap3A_534 = arith.index_cast %mul3A_531 : i32 to index
        %swap3A_535 = tpu.vector_load %arg14[%swap3A_532, %swap3A_533, %swap3A_534] {strides = array<i32>} : memref<2x128x128xf32, #tpu.memory_space<vmem>>, vector<1x1x16xf32>,
        %swap3A_536 = vector.shape_cast %swap3A_535 : vector<1x1x16xf32> to vector<16xf32>
        %swap3A_537 = vector.shape_cast %broadcast_in_dim3A_498 : vector<16xf32> to vector<1x1x16xf32>
        tpu.vector_store %arg14[%swap3A_532, %swap3A_533, %swap3A_534], %swap3A_537 {strides = array<i32>} : memref<2x128x128xf32, #tpu.memory_space<vmem>>, vector<1x1x16xf32>,
      }
      %scan3A_13 = arith.constant 1024 : i32
      %mul3A_14 = arith.constant 640 : i32
      %mul3A_15 = arith.muli %arg1, %mul3A_14 : i32
      %add3A = arith.constant 0 : i32
      %add3A_16 = arith.addi %mul3A_15, %add3A : i32
      %dma_start3A = arith.constant 0 : i32
      %dma_start3A_17 = arith.constant 0 : i32
      %dma_start3A_18 = arith.constant 0 : i32
      %dma_start3A_19 = tpu.memref_slice %arg14[%dma_start3A, %dma_start3A_17, %dma_start3A_18] : memref<2x128x128xf32, #tpu.memory_space<vmem>> -> memref<1x128x128xf32, #tpu.memory_space<vmem>>
      %dma_start3A_20 = tpu.memref_squeeze %dma_start3A_19 : memref<1x128x128xf32, #tpu.memory_space<vmem>> -> memref<128x128xf32, #tpu.memory_space<vmem>>
      %dma_start3A_21 = arith.constant 0 : i32
      %dma_start3A_22 = tpu.memref_slice %arg20[%add3A_16, %dma_start3A_21] : memref<10240x128xf32, #tpu.memory_space<vmem_shared>> -> memref<128x128xf32, #tpu.memory_space<vmem_shared>>
      %dma_start3A_23 = arith.constant 0 : i32
      %dma_start3A_24 = tpu.memref_slice %arg20[%add3A_16, %dma_start3A_23] : memref<10240x128xf32, #tpu.memory_space<vmem_shared>> -> memref<128x128xf32, #tpu.memory_space<vmem_shared>>
      %dma_start3A_25 = arith.constant 0 : i32
      %dma_start3A_26 = arith.constant 0 : i32
      %dma_start3A_27 = tpu.memref_slice %arg14[%dma_start3A, %dma_start3A_25, %dma_start3A_26] : memref<2x128x128xf32, #tpu.memory_space<vmem>> -> memref<1x128x128xf32, #tpu.memory_space<vmem>>
      %dma_start3A_28 = tpu.memref_squeeze %dma_start3A_27 : memref<1x128x128xf32, #tpu.memory_space<vmem>> -> memref<128x128xf32, #tpu.memory_space<vmem>>
      tpu.enqueue_dma source(%dma_start3A_28 : memref<128x128xf32, #tpu.memory_space<vmem>>) target(%dma_start3A_24 : memref<128x128xf32, #tpu.memory_space<vmem_shared>>) target_semaphore(%arg19 : memref<!tpu.dma_semaphore, #tpu.memory_space<semaphore_mem>>)
      %mul3A_29 = arith.constant 640 : i32
      %mul3A_30 = arith.muli %arg1, %mul3A_29 : i32
      %add3A_31 = arith.constant 128 : i32
      %add3A_32 = arith.addi %mul3A_30, %add3A_31 : i32
      %dma_start3A_33 = arith.constant 0 : i32
      %dma_start3A_34 = arith.constant 0 : i32
      %dma_start3A_35 = arith.constant 0 : i32
      %dma_start3A_36 = tpu.memref_slice %arg14[%dma_start3A_33, %dma_start3A_34, %dma_start3A_35] : memref<2x128x128xf32, #tpu.memory_space<vmem>> -> memref<1x128x128xf32, #tpu.memory_space<vmem>>
      %dma_start3A_37 = tpu.memref_squeeze %dma_start3A_36 : memref<1x128x128xf32, #tpu.memory_space<vmem>> -> memref<128x128xf32, #tpu.memory_space<vmem>>
      %dma_start3A_38 = arith.constant 0 : i32
      %dma_start3A_39 = tpu.memref_slice %arg20[%add3A_32, %dma_start3A_38] : memref<10240x128xf32, #tpu.memory_space<vmem_shared>> -> memref<128x128xf32, #tpu.memory_space<vmem_shared>>
      %dma_start3A_40 = arith.constant 0 : i32
      %dma_start3A_41 = tpu.memref_slice %arg20[%add3A_32, %dma_start3A_40] : memref<10240x128xf32, #tpu.memory_space<vmem_shared>> -> memref<128x128xf32, #tpu.memory_space<vmem_shared>>
      %dma_start3A_42 = arith.constant 0 : i32
      %dma_start3A_43 = arith.constant 0 : i32
      %dma_start3A_44 = tpu.memref_slice %arg14[%dma_start3A_33, %dma_start3A_42, %dma_start3A_43] : memref<2x128x128xf32, #tpu.memory_space<vmem>> -> memref<1x128x128xf32, #tpu.memory_space<vmem>>
      %dma_start3A_45 = tpu.memref_squeeze %dma_start3A_44 : memref<1x128x128xf32, #tpu.memory_space<vmem>> -> memref<128x128xf32, #tpu.memory_space<vmem>>
      tpu.enqueue_dma source(%dma_start3A_45 : memref<128x128xf32, #tpu.memory_space<vmem>>) target(%dma_start3A_41 : memref<128x128xf32, #tpu.memory_space<vmem_shared>>) target_semaphore(%arg19 : memref<!tpu.dma_semaphore, #tpu.memory_space<semaphore_mem>>)
      %mul3A_46 = arith.constant 640 : i32
      %mul3A_47 = arith.muli %arg1, %mul3A_46 : i32
      %add3A_48 = arith.constant 256 : i32
      %add3A_49 = arith.addi %mul3A_47, %add3A_48 : i32
      %dma_start3A_50 = arith.constant 0 : i32
      %dma_start3A_51 = arith.constant 0 : i32
      %dma_start3A_52 = arith.constant 0 : i32
      %dma_start3A_53 = tpu.memref_slice %arg14[%dma_start3A_50, %dma_start3A_51, %dma_start3A_52] : memref<2x128x128xf32, #tpu.memory_space<vmem>> -> memref<1x128x128xf32, #tpu.memory_space<vmem>>
      %dma_start3A_54 = tpu.memref_squeeze %dma_start3A_53 : memref<1x128x128xf32, #tpu.memory_space<vmem>> -> memref<128x128xf32, #tpu.memory_space<vmem>>
      %dma_start3A_55 = arith.constant 0 : i32
      %dma_start3A_56 = tpu.memref_slice %arg20[%add3A_49, %dma_start3A_55] : memref<10240x128xf32, #tpu.memory_space<vmem_shared>> -> memref<128x128xf32, #tpu.memory_space<vmem_shared>>
      %dma_start3A_57 = arith.constant 0 : i32
      %dma_start3A_58 = tpu.memref_slice %arg20[%add3A_49, %dma_start3A_57] : memref<10240x128xf32, #tpu.memory_space<vmem_shared>> -> memref<128x128xf32, #tpu.memory_space<vmem_shared>>
      %dma_start3A_59 = arith.constant 0 : i32
      %dma_start3A_60 = arith.constant 0 : i32
      %dma_start3A_61 = tpu.memref_slice %arg14[%dma_start3A_50, %dma_start3A_59, %dma_start3A_60] : memref<2x128x128xf32, #tpu.memory_space<vmem>> -> memref<1x128x128xf32, #tpu.memory_space<vmem>>
      %dma_start3A_62 = tpu.memref_squeeze %dma_start3A_61 : memref<1x128x128xf32, #tpu.memory_space<vmem>> -> memref<128x128xf32, #tpu.memory_space<vmem>>
      tpu.enqueue_dma source(%dma_start3A_62 : memref<128x128xf32, #tpu.memory_space<vmem>>) target(%dma_start3A_58 : memref<128x128xf32, #tpu.memory_space<vmem_shared>>) target_semaphore(%arg19 : memref<!tpu.dma_semaphore, #tpu.memory_space<semaphore_mem>>)
      %mul3A_63 = arith.constant 640 : i32
      %mul3A_64 = arith.muli %arg1, %mul3A_63 : i32
      %add3A_65 = arith.constant 384 : i32
      %add3A_66 = arith.addi %mul3A_64, %add3A_65 : i32
      %dma_start3A_67 = arith.constant 0 : i32
      %dma_start3A_68 = arith.constant 0 : i32
      %dma_start3A_69 = arith.constant 0 : i32
      %dma_start3A_70 = tpu.memref_slice %arg14[%dma_start3A_67, %dma_start3A_68, %dma_start3A_69] : memref<2x128x128xf32, #tpu.memory_space<vmem>> -> memref<1x128x128xf32, #tpu.memory_space<vmem>>
      %dma_start3A_71 = tpu.memref_squeeze %dma_start3A_70 : memref<1x128x128xf32, #tpu.memory_space<vmem>> -> memref<128x128xf32, #tpu.memory_space<vmem>>
      %dma_start3A_72 = arith.constant 0 : i32
      %dma_start3A_73 = tpu.memref_slice %arg20[%add3A_66, %dma_start3A_72] : memref<10240x128xf32, #tpu.memory_space<vmem_shared>> -> memref<128x128xf32, #tpu.memory_space<vmem_shared>>
      %dma_start3A_74 = arith.constant 0 : i32
      %dma_start3A_75 = tpu.memref_slice %arg20[%add3A_66, %dma_start3A_74] : memref<10240x128xf32, #tpu.memory_space<vmem_shared>> -> memref<128x128xf32, #tpu.memory_space<vmem_shared>>
      %dma_start3A_76 = arith.constant 0 : i32
      %dma_start3A_77 = arith.constant 0 : i32
      %dma_start3A_78 = tpu.memref_slice %arg14[%dma_start3A_67, %dma_start3A_76, %dma_start3A_77] : memref<2x128x128xf32, #tpu.memory_space<vmem>> -> memref<1x128x128xf32, #tpu.memory_space<vmem>>
      %dma_start3A_79 = tpu.memref_squeeze %dma_start3A_78 : memref<1x128x128xf32, #tpu.memory_space<vmem>> -> memref<128x128xf32, #tpu.memory_space<vmem>>
      tpu.enqueue_dma source(%dma_start3A_79 : memref<128x128xf32, #tpu.memory_space<vmem>>) target(%dma_start3A_75 : memref<128x128xf32, #tpu.memory_space<vmem_shared>>) target_semaphore(%arg19 : memref<!tpu.dma_semaphore, #tpu.memory_space<semaphore_mem>>)
      %mul3A_80 = arith.constant 640 : i32
      %mul3A_81 = arith.muli %arg1, %mul3A_80 : i32
      %add3A_82 = arith.constant 512 : i32
      %add3A_83 = arith.addi %mul3A_81, %add3A_82 : i32
      %dma_start3A_84 = arith.constant 0 : i32
      %dma_start3A_85 = arith.constant 0 : i32
      %dma_start3A_86 = arith.constant 0 : i32
      %dma_start3A_87 = tpu.memref_slice %arg14[%dma_start3A_84, %dma_start3A_85, %dma_start3A_86] : memref<2x128x128xf32, #tpu.memory_space<vmem>> -> memref<1x128x128xf32, #tpu.memory_space<vmem>>
      %dma_start3A_88 = tpu.memref_squeeze %dma_start3A_87 : memref<1x128x128xf32, #tpu.memory_space<vmem>> -> memref<128x128xf32, #tpu.memory_space<vmem>>
      %dma_start3A_89 = arith.constant 0 : i32
      %dma_start3A_90 = tpu.memref_slice %arg20[%add3A_83, %dma_start3A_89] : memref<10240x128xf32, #tpu.memory_space<vmem_shared>> -> memref<128x128xf32, #tpu.memory_space<vmem_shared>>
      %dma_start3A_91 = arith.constant 0 : i32
      %dma_start3A_92 = tpu.memref_slice %arg20[%add3A_83, %dma_start3A_91] : memref<10240x128xf32, #tpu.memory_space<vmem_shared>> -> memref<128x128xf32, #tpu.memory_space<vmem_shared>>
      %dma_start3A_93 = arith.constant 0 : i32
      %dma_start3A_94 = arith.constant 0 : i32
      %dma_start3A_95 = tpu.memref_slice %arg14[%dma_start3A_84, %dma_start3A_93, %dma_start3A_94] : memref<2x128x128xf32, #tpu.memory_space<vmem>> -> memref<1x128x128xf32, #tpu.memory_space<vmem>>
      %dma_start3A_96 = tpu.memref_squeeze %dma_start3A_95 : memref<1x128x128xf32, #tpu.memory_space<vmem>> -> memref<128x128xf32, #tpu.memory_space<vmem>>
      tpu.enqueue_dma source(%dma_start3A_96 : memref<128x128xf32, #tpu.memory_space<vmem>>) target(%dma_start3A_92 : memref<128x128xf32, #tpu.memory_space<vmem_shared>>) target_semaphore(%arg19 : memref<!tpu.dma_semaphore, #tpu.memory_space<semaphore_mem>>)
      %dma_wait3A = arith.constant 0 : i32
      %dma_wait3A_97 = arith.constant 0 : i32
      %dma_wait3A_98 = arith.constant 0 : i32
      %dma_wait3A_99 = tpu.memref_slice %arg14[%dma_wait3A, %dma_wait3A_97, %dma_wait3A_98] : memref<2x128x128xf32, #tpu.memory_space<vmem>> -> memref<1x128x128xf32, #tpu.memory_space<vmem>>
      %dma_wait3A_100 = tpu.memref_squeeze %dma_wait3A_99 : memref<1x128x128xf32, #tpu.memory_space<vmem>> -> memref<128x128xf32, #tpu.memory_space<vmem>>
      %dma_wait3A_101 = arith.constant 0 : i32
      %dma_wait3A_102 = tpu.memref_slice %arg20[%add3A_16, %dma_wait3A_101] : memref<10240x128xf32, #tpu.memory_space<vmem_shared>> -> memref<128x128xf32, #tpu.memory_space<vmem_shared>>
      %dma_wait3A_103 = arith.constant 0 : i32
      %dma_wait3A_104 = tpu.memref_slice %arg20[%add3A_16, %dma_wait3A_103] : memref<10240x128xf32, #tpu.memory_space<vmem_shared>> -> memref<128x128xf32, #tpu.memory_space<vmem_shared>>
      %dma_wait3A_105 = arith.constant 0 : i32
      %dma_wait3A_106 = arith.constant 0 : i32
      %dma_wait3A_107 = tpu.memref_slice %arg14[%dma_wait3A, %dma_wait3A_105, %dma_wait3A_106] : memref<2x128x128xf32, #tpu.memory_space<vmem>> -> memref<1x128x128xf32, #tpu.memory_space<vmem>>
      %dma_wait3A_108 = tpu.memref_squeeze %dma_wait3A_107 : memref<1x128x128xf32, #tpu.memory_space<vmem>> -> memref<128x128xf32, #tpu.memory_space<vmem>>
      tpu.wait_dma2 semaphore(%arg19 : memref<!tpu.dma_semaphore, #tpu.memory_space<semaphore_mem>>) src(%dma_wait3A_108 : memref<128x128xf32, #tpu.memory_space<vmem>>) dst(%dma_wait3A_104 : memref<128x128xf32, #tpu.memory_space<vmem_shared>>)
      %dma_wait3A_109 = arith.constant 0 : i32
      %dma_wait3A_110 = arith.constant 0 : i32
      %dma_wait3A_111 = arith.constant 0 : i32
      %dma_wait3A_112 = tpu.memref_slice %arg14[%dma_wait3A_109, %dma_wait3A_110, %dma_wait3A_111] : memref<2x128x128xf32, #tpu.memory_space<vmem>> -> memref<1x128x128xf32, #tpu.memory_space<vmem>>
      %dma_wait3A_113 = tpu.memref_squeeze %dma_wait3A_112 : memref<1x128x128xf32, #tpu.memory_space<vmem>> -> memref<128x128xf32, #tpu.memory_space<vmem>>
      %dma_wait3A_114 = arith.constant 0 : i32
      %dma_wait3A_115 = tpu.memref_slice %arg20[%add3A_32, %dma_wait3A_114] : memref<10240x128xf32, #tpu.memory_space<vmem_shared>> -> memref<128x128xf32, #tpu.memory_space<vmem_shared>>
      %dma_wait3A_116 = arith.constant 0 : i32
      %dma_wait3A_117 = tpu.memref_slice %arg20[%add3A_32, %dma_wait3A_116] : memref<10240x128xf32, #tpu.memory_space<vmem_shared>> -> memref<128x128xf32, #tpu.memory_space<vmem_shared>>
      %dma_wait3A_118 = arith.constant 0 : i32
      %dma_wait3A_119 = arith.constant 0 : i32
      %dma_wait3A_120 = tpu.memref_slice %arg14[%dma_wait3A_109, %dma_wait3A_118, %dma_wait3A_119] : memref<2x128x128xf32, #tpu.memory_space<vmem>> -> memref<1x128x128xf32, #tpu.memory_space<vmem>>
      %dma_wait3A_121 = tpu.memref_squeeze %dma_wait3A_120 : memref<1x128x128xf32, #tpu.memory_space<vmem>> -> memref<128x128xf32, #tpu.memory_space<vmem>>
      tpu.wait_dma2 semaphore(%arg19 : memref<!tpu.dma_semaphore, #tpu.memory_space<semaphore_mem>>) src(%dma_wait3A_121 : memref<128x128xf32, #tpu.memory_space<vmem>>) dst(%dma_wait3A_117 : memref<128x128xf32, #tpu.memory_space<vmem_shared>>)
      %dma_wait3A_122 = arith.constant 0 : i32
      %dma_wait3A_123 = arith.constant 0 : i32
      %dma_wait3A_124 = arith.constant 0 : i32
      %dma_wait3A_125 = tpu.memref_slice %arg14[%dma_wait3A_122, %dma_wait3A_123, %dma_wait3A_124] : memref<2x128x128xf32, #tpu.memory_space<vmem>> -> memref<1x128x128xf32, #tpu.memory_space<vmem>>
      %dma_wait3A_126 = tpu.memref_squeeze %dma_wait3A_125 : memref<1x128x128xf32, #tpu.memory_space<vmem>> -> memref<128x128xf32, #tpu.memory_space<vmem>>
      %dma_wait3A_127 = arith.constant 0 : i32
      %dma_wait3A_128 = tpu.memref_slice %arg20[%add3A_49, %dma_wait3A_127] : memref<10240x128xf32, #tpu.memory_space<vmem_shared>> -> memref<128x128xf32, #tpu.memory_space<vmem_shared>>
      %dma_wait3A_129 = arith.constant 0 : i32
      %dma_wait3A_130 = tpu.memref_slice %arg20[%add3A_49, %dma_wait3A_129] : memref<10240x128xf32, #tpu.memory_space<vmem_shared>> -> memref<128x128xf32, #tpu.memory_space<vmem_shared>>
      %dma_wait3A_131 = arith.constant 0 : i32
      %dma_wait3A_132 = arith.constant 0 : i32
      %dma_wait3A_133 = tpu.memref_slice %arg14[%dma_wait3A_122, %dma_wait3A_131, %dma_wait3A_132] : memref<2x128x128xf32, #tpu.memory_space<vmem>> -> memref<1x128x128xf32, #tpu.memory_space<vmem>>
      %dma_wait3A_134 = tpu.memref_squeeze %dma_wait3A_133 : memref<1x128x128xf32, #tpu.memory_space<vmem>> -> memref<128x128xf32, #tpu.memory_space<vmem>>
      tpu.wait_dma2 semaphore(%arg19 : memref<!tpu.dma_semaphore, #tpu.memory_space<semaphore_mem>>) src(%dma_wait3A_134 : memref<128x128xf32, #tpu.memory_space<vmem>>) dst(%dma_wait3A_130 : memref<128x128xf32, #tpu.memory_space<vmem_shared>>)
      %dma_wait3A_135 = arith.constant 0 : i32
      %dma_wait3A_136 = arith.constant 0 : i32
      %dma_wait3A_137 = arith.constant 0 : i32
      %dma_wait3A_138 = tpu.memref_slice %arg14[%dma_wait3A_135, %dma_wait3A_136, %dma_wait3A_137] : memref<2x128x128xf32, #tpu.memory_space<vmem>> -> memref<1x128x128xf32, #tpu.memory_space<vmem>>
      %dma_wait3A_139 = tpu.memref_squeeze %dma_wait3A_138 : memref<1x128x128xf32, #tpu.memory_space<vmem>> -> memref<128x128xf32, #tpu.memory_space<vmem>>
      %dma_wait3A_140 = arith.constant 0 : i32
      %dma_wait3A_141 = tpu.memref_slice %arg20[%add3A_66, %dma_wait3A_140] : memref<10240x128xf32, #tpu.memory_space<vmem_shared>> -> memref<128x128xf32, #tpu.memory_space<vmem_shared>>
      %dma_wait3A_142 = arith.constant 0 : i32
      %dma_wait3A_143 = tpu.memref_slice %arg20[%add3A_66, %dma_wait3A_142] : memref<10240x128xf32, #tpu.memory_space<vmem_shared>> -> memref<128x128xf32, #tpu.memory_space<vmem_shared>>
      %dma_wait3A_144 = arith.constant 0 : i32
      %dma_wait3A_145 = arith.constant 0 : i32
      %dma_wait3A_146 = tpu.memref_slice %arg14[%dma_wait3A_135, %dma_wait3A_144, %dma_wait3A_145] : memref<2x128x128xf32, #tpu.memory_space<vmem>> -> memref<1x128x128xf32, #tpu.memory_space<vmem>>
      %dma_wait3A_147 = tpu.memref_squeeze %dma_wait3A_146 : memref<1x128x128xf32, #tpu.memory_space<vmem>> -> memref<128x128xf32, #tpu.memory_space<vmem>>
      tpu.wait_dma2 semaphore(%arg19 : memref<!tpu.dma_semaphore, #tpu.memory_space<semaphore_mem>>) src(%dma_wait3A_147 : memref<128x128xf32, #tpu.memory_space<vmem>>) dst(%dma_wait3A_143 : memref<128x128xf32, #tpu.memory_space<vmem_shared>>)
      %dma_wait3A_148 = arith.constant 0 : i32
      %dma_wait3A_149 = arith.constant 0 : i32
      %dma_wait3A_150 = arith.constant 0 : i32
      %dma_wait3A_151 = tpu.memref_slice %arg14[%dma_wait3A_148, %dma_wait3A_149, %dma_wait3A_150] : memref<2x128x128xf32, #tpu.memory_space<vmem>> -> memref<1x128x128xf32, #tpu.memory_space<vmem>>
      %dma_wait3A_152 = tpu.memref_squeeze %dma_wait3A_151 : memref<1x128x128xf32, #tpu.memory_space<vmem>> -> memref<128x128xf32, #tpu.memory_space<vmem>>
      %dma_wait3A_153 = arith.constant 0 : i32
      %dma_wait3A_154 = tpu.memref_slice %arg20[%add3A_83, %dma_wait3A_153] : memref<10240x128xf32, #tpu.memory_space<vmem_shared>> -> memref<128x128xf32, #tpu.memory_space<vmem_shared>>
      %dma_wait3A_155 = arith.constant 0 : i32
      %dma_wait3A_156 = tpu.memref_slice %arg20[%add3A_83, %dma_wait3A_155] : memref<10240x128xf32, #tpu.memory_space<vmem_shared>> -> memref<128x128xf32, #tpu.memory_space<vmem_shared>>
      %dma_wait3A_157 = arith.constant 0 : i32
      %dma_wait3A_158 = arith.constant 0 : i32
      %dma_wait3A_159 = tpu.memref_slice %arg14[%dma_wait3A_148, %dma_wait3A_157, %dma_wait3A_158] : memref<2x128x128xf32, #tpu.memory_space<vmem>> -> memref<1x128x128xf32, #tpu.memory_space<vmem>>
      %dma_wait3A_160 = tpu.memref_squeeze %dma_wait3A_159 : memref<1x128x128xf32, #tpu.memory_space<vmem>> -> memref<128x128xf32, #tpu.memory_space<vmem>>
      tpu.wait_dma2 semaphore(%arg19 : memref<!tpu.dma_semaphore, #tpu.memory_space<semaphore_mem>>) src(%dma_wait3A_160 : memref<128x128xf32, #tpu.memory_space<vmem>>) dst(%dma_wait3A_156 : memref<128x128xf32, #tpu.memory_space<vmem_shared>>)
      %barrier3A = arith.constant 0 : index
      tpu.barrier barrier_id(%barrier3A)
      %dma_start3A_161 = tpu.memref_slice %arg2[%mul3A_9] : memref<327936xi32, #tpu.memory_space<hbm>> -> memref<128xi32, #tpu.memory_space<hbm>>
      %dma_start3A_162 = tpu.memref_slice %arg2[%mul3A_9] : memref<327936xi32, #tpu.memory_space<hbm>> -> memref<128xi32, #tpu.memory_space<hbm>>
      tpu.enqueue_dma source(%dma_start3A_162 : memref<128xi32, #tpu.memory_space<hbm>>) target(%arg6 : memref<128xi32, #tpu.memory_space<vmem>>) target_semaphore(%arg19 : memref<!tpu.dma_semaphore, #tpu.memory_space<semaphore_mem>>)
      %dma_start3A_163 = tpu.memref_slice %arg3[%mul3A_9] : memref<327936xi32, #tpu.memory_space<hbm>> -> memref<128xi32, #tpu.memory_space<hbm>>
      %dma_start3A_164 = tpu.memref_slice %arg3[%mul3A_9] : memref<327936xi32, #tpu.memory_space<hbm>> -> memref<128xi32, #tpu.memory_space<hbm>>
      tpu.enqueue_dma source(%dma_start3A_164 : memref<128xi32, #tpu.memory_space<hbm>>) target(%arg10 : memref<128xi32, #tpu.memory_space<vmem>>) target_semaphore(%arg19 : memref<!tpu.dma_semaphore, #tpu.memory_space<semaphore_mem>>)
      %add3A_165 = arith.constant 128 : i32
      %add3A_166 = arith.addi %mul3A_9, %add3A_165 : i32
      %dma_start3A_167 = tpu.memref_slice %arg2[%add3A_166] : memref<327936xi32, #tpu.memory_space<hbm>> -> memref<128xi32, #tpu.memory_space<hbm>>
      %dma_start3A_168 = tpu.memref_slice %arg2[%add3A_166] : memref<327936xi32, #tpu.memory_space<hbm>> -> memref<128xi32, #tpu.memory_space<hbm>>
      tpu.enqueue_dma source(%dma_start3A_168 : memref<128xi32, #tpu.memory_space<hbm>>) target(%arg7 : memref<128xi32, #tpu.memory_space<vmem>>) target_semaphore(%arg19 : memref<!tpu.dma_semaphore, #tpu.memory_space<semaphore_mem>>)
      %add3A_169 = arith.constant 128 : i32
      %add3A_170 = arith.addi %mul3A_9, %add3A_169 : i32
      %dma_start3A_171 = tpu.memref_slice %arg3[%add3A_170] : memref<327936xi32, #tpu.memory_space<hbm>> -> memref<128xi32, #tpu.memory_space<hbm>>
      %dma_start3A_172 = tpu.memref_slice %arg3[%add3A_170] : memref<327936xi32, #tpu.memory_space<hbm>> -> memref<128xi32, #tpu.memory_space<hbm>>
      tpu.enqueue_dma source(%dma_start3A_172 : memref<128xi32, #tpu.memory_space<hbm>>) target(%arg11 : memref<128xi32, #tpu.memory_space<vmem>>) target_semaphore(%arg19 : memref<!tpu.dma_semaphore, #tpu.memory_space<semaphore_mem>>)
      %scan3A_173 = arith.constant 0 : i32
      %scan3A_174 = arith.constant 35 : i32
      %scan3A_175 = arith.addi %scan3A_173, %scan3A_174 : i32
      %scan3A_176 = arith.constant 1 : i32
      scf.for %scan3A_497 = %scan3A_173 to %scan3A_175 step %scan3A_176  : i32 {
        %mul3A_498 = arith.constant 4 : i32
        %mul3A_499 = arith.muli %scan3A_497, %mul3A_498 : i32
        %add3A_500 = arith.constant 0 : i32
        %add3A_501 = arith.addi %mul3A_499, %add3A_500 : i32
        %dma_wait3A_502 = tpu.memref_slice %arg2[%mul3A_9] : memref<327936xi32, #tpu.memory_space<hbm>> -> memref<128xi32, #tpu.memory_space<hbm>>
        %dma_wait3A_503 = tpu.memref_slice %arg2[%mul3A_9] : memref<327936xi32, #tpu.memory_space<hbm>> -> memref<128xi32, #tpu.memory_space<hbm>>
        tpu.wait_dma2 semaphore(%arg19 : memref<!tpu.dma_semaphore, #tpu.memory_space<semaphore_mem>>) src(%dma_wait3A_503 : memref<128xi32, #tpu.memory_space<hbm>>) dst(%arg6 : memref<128xi32, #tpu.memory_space<vmem>>)
        %dma_wait3A_504 = tpu.memref_slice %arg2[%mul3A_9] : memref<327936xi32, #tpu.memory_space<hbm>> -> memref<128xi32, #tpu.memory_space<hbm>>
        %dma_wait3A_505 = tpu.memref_slice %arg2[%mul3A_9] : memref<327936xi32, #tpu.memory_space<hbm>> -> memref<128xi32, #tpu.memory_space<hbm>>
        tpu.wait_dma2 semaphore(%arg19 : memref<!tpu.dma_semaphore, #tpu.memory_space<semaphore_mem>>) src(%dma_wait3A_505 : memref<128xi32, #tpu.memory_space<hbm>>) dst(%arg6 : memref<128xi32, #tpu.memory_space<vmem>>)
        %dma_wait3A_506 = tpu.memref_slice %arg2[%mul3A_9] : memref<327936xi32, #tpu.memory_space<hbm>> -> memref<128xi32, #tpu.memory_space<hbm>>
        %dma_wait3A_507 = tpu.memref_slice %arg2[%mul3A_9] : memref<327936xi32, #tpu.memory_space<hbm>> -> memref<128xi32, #tpu.memory_space<hbm>>
        tpu.wait_dma2 semaphore(%arg19 : memref<!tpu.dma_semaphore, #tpu.memory_space<semaphore_mem>>) src(%dma_wait3A_507 : memref<128xi32, #tpu.memory_space<hbm>>) dst(%arg6 : memref<128xi32, #tpu.memory_space<vmem>>)
        %dma_wait3A_508 = tpu.memref_slice %arg2[%mul3A_9] : memref<327936xi32, #tpu.memory_space<hbm>> -> memref<128xi32, #tpu.memory_space<hbm>>
        %dma_wait3A_509 = tpu.memref_slice %arg2[%mul3A_9] : memref<327936xi32, #tpu.memory_space<hbm>> -> memref<128xi32, #tpu.memory_space<hbm>>
        tpu.wait_dma2 semaphore(%arg19 : memref<!tpu.dma_semaphore, #tpu.memory_space<semaphore_mem>>) src(%dma_wait3A_509 : memref<128xi32, #tpu.memory_space<hbm>>) dst(%arg6 : memref<128xi32, #tpu.memory_space<vmem>>)
        %dma_start3A_510 = arith.constant 0 : i32
        %dma_start3A_511 = arith.constant 0 : i32
        %dma_start3A_512 = arith.constant 0 : i32
        %dma_start3A_513 = tpu.memref_slice %arg14[%dma_start3A_510, %dma_start3A_511, %dma_start3A_512] : memref<2x128x128xf32, #tpu.memory_space<vmem>> -> memref<1x128x128xf32, #tpu.memory_space<vmem>>
        %dma_start3A_514 = tpu.memref_squeeze %dma_start3A_513 : memref<1x128x128xf32, #tpu.memory_space<vmem>> -> memref<128x128xf32, #tpu.memory_space<vmem>>
        %dma_start3A_515 = arith.constant 0 : i32
        %dma_start3A_516 = arith.constant 0 : i32
        %dma_start3A_517 = tpu.memref_slice %arg4[%dma_start3A_515, %dma_start3A_516] : memref<10000x128xf32, #tpu.memory_space<hbm>> -> memref<10000x128xf32, #tpu.memory_space<hbm>>
        tpu.enqueue_indirect_dma source(%dma_start3A_517 : memref<10000x128xf32, #tpu.memory_space<hbm>>) target(%dma_start3A_514 : memref<128x128xf32, #tpu.memory_space<vmem>>) offsets(%arg6 : memref<128xi32, #tpu.memory_space<vmem>>) semaphore(%arg15 : memref<!tpu.dma_semaphore, #tpu.memory_space<semaphore_mem>>)
        %dma_start3A_518 = arith.constant 1 : i32
        %dma_start3A_519 = arith.constant 0 : i32
        %dma_start3A_520 = arith.constant 0 : i32
        %dma_start3A_521 = tpu.memref_slice %arg14[%dma_start3A_518, %dma_start3A_519, %dma_start3A_520] : memref<2x128x128xf32, #tpu.memory_space<vmem>> -> memref<1x128x128xf32, #tpu.memory_space<vmem>>
        %dma_start3A_522 = tpu.memref_squeeze %dma_start3A_521 : memref<1x128x128xf32, #tpu.memory_space<vmem>> -> memref<128x128xf32, #tpu.memory_space<vmem>>
        %dma_start3A_523 = arith.constant 0 : i32
        %dma_start3A_524 = arith.constant 0 : i32
        %dma_start3A_525 = tpu.memref_slice %arg4[%dma_start3A_523, %dma_start3A_524] : memref<10000x128xf32, #tpu.memory_space<hbm>> -> memref<10000x128xf32, #tpu.memory_space<hbm>>
        tpu.enqueue_indirect_dma source(%dma_start3A_525 : memref<10000x128xf32, #tpu.memory_space<hbm>>) target(%dma_start3A_522 : memref<128x128xf32, #tpu.memory_space<vmem>>) offsets(%arg7 : memref<128xi32, #tpu.memory_space<vmem>>) semaphore(%arg16 : memref<!tpu.dma_semaphore, #tpu.memory_space<semaphore_mem>>)
        %add3A_526 = arith.constant 2 : i32
        %add3A_527 = arith.addi %add3A_501, %add3A_526 : i32
        %mul3A_528 = arith.constant 128 : i32
        %mul3A_529 = arith.muli %add3A_527, %mul3A_528 : i32
        %add3A_530 = arith.addi %mul3A_9, %mul3A_529 : i32
        %add3A_531 = arith.constant 3 : i32
        %add3A_532 = arith.addi %add3A_501, %add3A_531 : i32
        %mul3A_533 = arith.constant 128 : i32
        %mul3A_534 = arith.muli %add3A_532, %mul3A_533 : i32
        %add3A_535 = arith.addi %mul3A_9, %mul3A_534 : i32
        %dma_start3A_536 = tpu.memref_slice %arg2[%add3A_530] : memref<327936xi32, #tpu.memory_space<hbm>> -> memref<128xi32, #tpu.memory_space<hbm>>
        %dma_start3A_537 = tpu.memref_slice %arg2[%add3A_530] : memref<327936xi32, #tpu.memory_space<hbm>> -> memref<128xi32, #tpu.memory_space<hbm>>
        tpu.enqueue_dma source(%dma_start3A_537 : memref<128xi32, #tpu.memory_space<hbm>>) target(%arg8 : memref<128xi32, #tpu.memory_space<vmem>>) target_semaphore(%arg19 : memref<!tpu.dma_semaphore, #tpu.memory_space<semaphore_mem>>)
        %dma_start3A_538 = tpu.memref_slice %arg3[%add3A_530] : memref<327936xi32, #tpu.memory_space<hbm>> -> memref<128xi32, #tpu.memory_space<hbm>>
        %dma_start3A_539 = tpu.memref_slice %arg3[%add3A_530] : memref<327936xi32, #tpu.memory_space<hbm>> -> memref<128xi32, #tpu.memory_space<hbm>>
        tpu.enqueue_dma source(%dma_start3A_539 : memref<128xi32, #tpu.memory_space<hbm>>) target(%arg12 : memref<128xi32, #tpu.memory_space<vmem>>) target_semaphore(%arg19 : memref<!tpu.dma_semaphore, #tpu.memory_space<semaphore_mem>>)
        %dma_start3A_540 = tpu.memref_slice %arg2[%add3A_535] : memref<327936xi32, #tpu.memory_space<hbm>> -> memref<128xi32, #tpu.memory_space<hbm>>
        %dma_start3A_541 = tpu.memref_slice %arg2[%add3A_535] : memref<327936xi32, #tpu.memory_space<hbm>> -> memref<128xi32, #tpu.memory_space<hbm>>
        tpu.enqueue_dma source(%dma_start3A_541 : memref<128xi32, #tpu.memory_space<hbm>>) target(%arg9 : memref<128xi32, #tpu.memory_space<vmem>>) target_semaphore(%arg19 : memref<!tpu.dma_semaphore, #tpu.memory_space<semaphore_mem>>)
        %dma_start3A_542 = tpu.memref_slice %arg3[%add3A_535] : memref<327936xi32, #tpu.memory_space<hbm>> -> memref<128xi32, #tpu.memory_space<hbm>>
        %dma_start3A_543 = tpu.memref_slice %arg3[%add3A_535] : memref<327936xi32, #tpu.memory_space<hbm>> -> memref<128xi32, #tpu.memory_space<hbm>>
        tpu.enqueue_dma source(%dma_start3A_543 : memref<128xi32, #tpu.memory_space<hbm>>) target(%arg13 : memref<128xi32, #tpu.memory_space<vmem>>) target_semaphore(%arg19 : memref<!tpu.dma_semaphore, #tpu.memory_space<semaphore_mem>>)
        %dma_wait3A_544 = arith.constant 0 : i32
        %dma_wait3A_545 = arith.constant 0 : i32
        %dma_wait3A_546 = arith.constant 0 : i32
        %dma_wait3A_547 = tpu.memref_slice %arg14[%dma_wait3A_544, %dma_wait3A_545, %dma_wait3A_546] : memref<2x128x128xf32, #tpu.memory_space<vmem>> -> memref<1x128x128xf32, #tpu.memory_space<vmem>>
        %dma_wait3A_548 = tpu.memref_squeeze %dma_wait3A_547 : memref<1x128x128xf32, #tpu.memory_space<vmem>> -> memref<128x128xf32, #tpu.memory_space<vmem>>
        %dma_wait3A_549 = arith.constant 0 : i32
        %dma_wait3A_550 = arith.constant 0 : i32
        %dma_wait3A_551 = tpu.memref_slice %arg4[%dma_wait3A_549, %dma_wait3A_550] : memref<10000x128xf32, #tpu.memory_space<hbm>> -> memref<10000x128xf32, #tpu.memory_space<hbm>>
        tpu.wait_indirect_dma semaphore(%arg15 : memref<!tpu.dma_semaphore, #tpu.memory_space<semaphore_mem>>) src(%dma_wait3A_551 : memref<10000x128xf32, #tpu.memory_space<hbm>>) dst(%dma_wait3A_548 : memref<128x128xf32, #tpu.memory_space<vmem>>)
        %dma_start3A_552 = arith.constant 0 : i32
        %dma_start3A_553 = arith.constant 0 : i32
        %dma_start3A_554 = arith.constant 0 : i32
        %dma_start3A_555 = tpu.memref_slice %arg14[%dma_start3A_552, %dma_start3A_553, %dma_start3A_554] : memref<2x128x128xf32, #tpu.memory_space<vmem>> -> memref<1x128x128xf32, #tpu.memory_space<vmem>>
        %dma_start3A_556 = tpu.memref_squeeze %dma_start3A_555 : memref<1x128x128xf32, #tpu.memory_space<vmem>> -> memref<128x128xf32, #tpu.memory_space<vmem>>
        %dma_start3A_557 = arith.constant 0 : i32
        %dma_start3A_558 = arith.constant 0 : i32
        %dma_start3A_559 = tpu.memref_slice %arg20[%dma_start3A_557, %dma_start3A_558] : memref<10240x128xf32, #tpu.memory_space<vmem_shared>> -> memref<10240x128xf32, #tpu.memory_space<vmem_shared>>
        tpu.enqueue_indirect_dma source(%dma_start3A_556 : memref<128x128xf32, #tpu.memory_space<vmem>>) target(%dma_start3A_559 : memref<10240x128xf32, #tpu.memory_space<vmem_shared>>) offsets(%arg10 : memref<128xi32, #tpu.memory_space<vmem>>) semaphore(%arg17 : memref<!tpu.dma_semaphore, #tpu.memory_space<semaphore_mem>>) {add = true}
        %dma_wait3A_560 = arith.constant 1 : i32
        %dma_wait3A_561 = arith.constant 0 : i32
        %dma_wait3A_562 = arith.constant 0 : i32
        %dma_wait3A_563 = tpu.memref_slice %arg14[%dma_wait3A_560, %dma_wait3A_561, %dma_wait3A_562] : memref<2x128x128xf32, #tpu.memory_space<vmem>> -> memref<1x128x128xf32, #tpu.memory_space<vmem>>
        %dma_wait3A_564 = tpu.memref_squeeze %dma_wait3A_563 : memref<1x128x128xf32, #tpu.memory_space<vmem>> -> memref<128x128xf32, #tpu.memory_space<vmem>>
        %dma_wait3A_565 = arith.constant 0 : i32
        %dma_wait3A_566 = arith.constant 0 : i32
        %dma_wait3A_567 = tpu.memref_slice %arg4[%dma_wait3A_565, %dma_wait3A_566] : memref<10000x128xf32, #tpu.memory_space<hbm>> -> memref<10000x128xf32, #tpu.memory_space<hbm>>
        tpu.wait_indirect_dma semaphore(%arg16 : memref<!tpu.dma_semaphore, #tpu.memory_space<semaphore_mem>>) src(%dma_wait3A_567 : memref<10000x128xf32, #tpu.memory_space<hbm>>) dst(%dma_wait3A_564 : memref<128x128xf32, #tpu.memory_space<vmem>>)
        %dma_start3A_568 = arith.constant 1 : i32
        %dma_start3A_569 = arith.constant 0 : i32
        %dma_start3A_570 = arith.constant 0 : i32
        %dma_start3A_571 = tpu.memref_slice %arg14[%dma_start3A_568, %dma_start3A_569, %dma_start3A_570] : memref<2x128x128xf32, #tpu.memory_space<vmem>> -> memref<1x128x128xf32, #tpu.memory_space<vmem>>
        %dma_start3A_572 = tpu.memref_squeeze %dma_start3A_571 : memref<1x128x128xf32, #tpu.memory_space<vmem>> -> memref<128x128xf32, #tpu.memory_space<vmem>>
        %dma_start3A_573 = arith.constant 0 : i32
        %dma_start3A_574 = arith.constant 0 : i32
        %dma_start3A_575 = tpu.memref_slice %arg20[%dma_start3A_573, %dma_start3A_574] : memref<10240x128xf32, #tpu.memory_space<vmem_shared>> -> memref<10240x128xf32, #tpu.memory_space<vmem_shared>>
        tpu.enqueue_indirect_dma source(%dma_start3A_572 : memref<128x128xf32, #tpu.memory_space<vmem>>) target(%dma_start3A_575 : memref<10240x128xf32, #tpu.memory_space<vmem_shared>>) offsets(%arg11 : memref<128xi32, #tpu.memory_space<vmem>>) semaphore(%arg18 : memref<!tpu.dma_semaphore, #tpu.memory_space<semaphore_mem>>) {add = true}
        %dma_wait3A_576 = arith.constant 0 : i32
        %dma_wait3A_577 = arith.constant 0 : i32
        %dma_wait3A_578 = arith.constant 0 : i32
        %dma_wait3A_579 = tpu.memref_slice %arg14[%dma_wait3A_576, %dma_wait3A_577, %dma_wait3A_578] : memref<2x128x128xf32, #tpu.memory_space<vmem>> -> memref<1x128x128xf32, #tpu.memory_space<vmem>>
        %dma_wait3A_580 = tpu.memref_squeeze %dma_wait3A_579 : memref<1x128x128xf32, #tpu.memory_space<vmem>> -> memref<128x128xf32, #tpu.memory_space<vmem>>
        %dma_wait3A_581 = arith.constant 0 : i32
        %dma_wait3A_582 = arith.constant 0 : i32
        %dma_wait3A_583 = tpu.memref_slice %arg20[%dma_wait3A_581, %dma_wait3A_582] : memref<10240x128xf32, #tpu.memory_space<vmem_shared>> -> memref<10240x128xf32, #tpu.memory_space<vmem_shared>>
        tpu.wait_indirect_dma semaphore(%arg17 : memref<!tpu.dma_semaphore, #tpu.memory_space<semaphore_mem>>) src(%dma_wait3A_580 : memref<128x128xf32, #tpu.memory_space<vmem>>) dst(%dma_wait3A_583 : memref<10240x128xf32, #tpu.memory_space<vmem_shared>>)
        %dma_wait3A_584 = arith.constant 1 : i32
        %dma_wait3A_585 = arith.constant 0 : i32
        %dma_wait3A_586 = arith.constant 0 : i32
        %dma_wait3A_587 = tpu.memref_slice %arg14[%dma_wait3A_584, %dma_wait3A_585, %dma_wait3A_586] : memref<2x128x128xf32, #tpu.memory_space<vmem>> -> memref<1x128x128xf32, #tpu.memory_space<vmem>>
        %dma_wait3A_588 = tpu.memref_squeeze %dma_wait3A_587 : memref<1x128x128xf32, #tpu.memory_space<vmem>> -> memref<128x128xf32, #tpu.memory_space<vmem>>
        %dma_wait3A_589 = arith.constant 0 : i32
        %dma_wait3A_590 = arith.constant 0 : i32
        %dma_wait3A_591 = tpu.memref_slice %arg20[%dma_wait3A_589, %dma_wait3A_590] : memref<10240x128xf32, #tpu.memory_space<vmem_shared>> -> memref<10240x128xf32, #tpu.memory_space<vmem_shared>>
        tpu.wait_indirect_dma semaphore(%arg18 : memref<!tpu.dma_semaphore, #tpu.memory_space<semaphore_mem>>) src(%dma_wait3A_588 : memref<128x128xf32, #tpu.memory_space<vmem>>) dst(%dma_wait3A_591 : memref<10240x128xf32, #tpu.memory_space<vmem_shared>>)
        %mul3A_592 = arith.constant 4 : i32
        %mul3A_593 = arith.muli %scan3A_497, %mul3A_592 : i32
        %add3A_594 = arith.constant 2 : i32
        %add3A_595 = arith.addi %mul3A_593, %add3A_594 : i32
        %dma_wait3A_596 = tpu.memref_slice %arg2[%mul3A_9] : memref<327936xi32, #tpu.memory_space<hbm>> -> memref<128xi32, #tpu.memory_space<hbm>>
        %dma_wait3A_597 = tpu.memref_slice %arg2[%mul3A_9] : memref<327936xi32, #tpu.memory_space<hbm>> -> memref<128xi32, #tpu.memory_space<hbm>>
        tpu.wait_dma2 semaphore(%arg19 : memref<!tpu.dma_semaphore, #tpu.memory_space<semaphore_mem>>) src(%dma_wait3A_597 : memref<128xi32, #tpu.memory_space<hbm>>) dst(%arg6 : memref<128xi32, #tpu.memory_space<vmem>>)
        %dma_wait3A_598 = tpu.memref_slice %arg2[%mul3A_9] : memref<327936xi32, #tpu.memory_space<hbm>> -> memref<128xi32, #tpu.memory_space<hbm>>
        %dma_wait3A_599 = tpu.memref_slice %arg2[%mul3A_9] : memref<327936xi32, #tpu.memory_space<hbm>> -> memref<128xi32, #tpu.memory_space<hbm>>
        tpu.wait_dma2 semaphore(%arg19 : memref<!tpu.dma_semaphore, #tpu.memory_space<semaphore_mem>>) src(%dma_wait3A_599 : memref<128xi32, #tpu.memory_space<hbm>>) dst(%arg6 : memref<128xi32, #tpu.memory_space<vmem>>)
        %dma_wait3A_600 = tpu.memref_slice %arg2[%mul3A_9] : memref<327936xi32, #tpu.memory_space<hbm>> -> memref<128xi32, #tpu.memory_space<hbm>>
        %dma_wait3A_601 = tpu.memref_slice %arg2[%mul3A_9] : memref<327936xi32, #tpu.memory_space<hbm>> -> memref<128xi32, #tpu.memory_space<hbm>>
        tpu.wait_dma2 semaphore(%arg19 : memref<!tpu.dma_semaphore, #tpu.memory_space<semaphore_mem>>) src(%dma_wait3A_601 : memref<128xi32, #tpu.memory_space<hbm>>) dst(%arg6 : memref<128xi32, #tpu.memory_space<vmem>>)
        %dma_wait3A_602 = tpu.memref_slice %arg2[%mul3A_9] : memref<327936xi32, #tpu.memory_space<hbm>> -> memref<128xi32, #tpu.memory_space<hbm>>
        %dma_wait3A_603 = tpu.memref_slice %arg2[%mul3A_9] : memref<327936xi32, #tpu.memory_space<hbm>> -> memref<128xi32, #tpu.memory_space<hbm>>
        tpu.wait_dma2 semaphore(%arg19 : memref<!tpu.dma_semaphore, #tpu.memory_space<semaphore_mem>>) src(%dma_wait3A_603 : memref<128xi32, #tpu.memory_space<hbm>>) dst(%arg6 : memref<128xi32, #tpu.memory_space<vmem>>)
        %dma_start3A_604 = arith.constant 0 : i32
        %dma_start3A_605 = arith.constant 0 : i32
        %dma_start3A_606 = arith.constant 0 : i32
        %dma_start3A_607 = tpu.memref_slice %arg14[%dma_start3A_604, %dma_start3A_605, %dma_start3A_606] : memref<2x128x128xf32, #tpu.memory_space<vmem>> -> memref<1x128x128xf32, #tpu.memory_space<vmem>>
        %dma_start3A_608 = tpu.memref_squeeze %dma_start3A_607 : memref<1x128x128xf32, #tpu.memory_space<vmem>> -> memref<128x128xf32, #tpu.memory_space<vmem>>
        %dma_start3A_609 = arith.constant 0 : i32
        %dma_start3A_610 = arith.constant 0 : i32
        %dma_start3A_611 = tpu.memref_slice %arg4[%dma_start3A_609, %dma_start3A_610] : memref<10000x128xf32, #tpu.memory_space<hbm>> -> memref<10000x128xf32, #tpu.memory_space<hbm>>
        tpu.enqueue_indirect_dma source(%dma_start3A_611 : memref<10000x128xf32, #tpu.memory_space<hbm>>) target(%dma_start3A_608 : memref<128x128xf32, #tpu.memory_space<vmem>>) offsets(%arg8 : memref<128xi32, #tpu.memory_space<vmem>>) semaphore(%arg15 : memref<!tpu.dma_semaphore, #tpu.memory_space<semaphore_mem>>)
        %dma_start3A_612 = arith.constant 1 : i32
        %dma_start3A_613 = arith.constant 0 : i32
        %dma_start3A_614 = arith.constant 0 : i32
        %dma_start3A_615 = tpu.memref_slice %arg14[%dma_start3A_612, %dma_start3A_613, %dma_start3A_614] : memref<2x128x128xf32, #tpu.memory_space<vmem>> -> memref<1x128x128xf32, #tpu.memory_space<vmem>>
        %dma_start3A_616 = tpu.memref_squeeze %dma_start3A_615 : memref<1x128x128xf32, #tpu.memory_space<vmem>> -> memref<128x128xf32, #tpu.memory_space<vmem>>
        %dma_start3A_617 = arith.constant 0 : i32
        %dma_start3A_618 = arith.constant 0 : i32
        %dma_start3A_619 = tpu.memref_slice %arg4[%dma_start3A_617, %dma_start3A_618] : memref<10000x128xf32, #tpu.memory_space<hbm>> -> memref<10000x128xf32, #tpu.memory_space<hbm>>
        tpu.enqueue_indirect_dma source(%dma_start3A_619 : memref<10000x128xf32, #tpu.memory_space<hbm>>) target(%dma_start3A_616 : memref<128x128xf32, #tpu.memory_space<vmem>>) offsets(%arg9 : memref<128xi32, #tpu.memory_space<vmem>>) semaphore(%arg16 : memref<!tpu.dma_semaphore, #tpu.memory_space<semaphore_mem>>)
        %add3A_620 = arith.constant 2 : i32
        %add3A_621 = arith.addi %add3A_595, %add3A_620 : i32
        %mul3A_622 = arith.constant 128 : i32
        %mul3A_623 = arith.muli %add3A_621, %mul3A_622 : i32
        %add3A_624 = arith.addi %mul3A_9, %mul3A_623 : i32
        %add3A_625 = arith.constant 3 : i32
        %add3A_626 = arith.addi %add3A_595, %add3A_625 : i32
        %mul3A_627 = arith.constant 128 : i32
        %mul3A_628 = arith.muli %add3A_626, %mul3A_627 : i32
        %add3A_629 = arith.addi %mul3A_9, %mul3A_628 : i32
        %dma_start3A_630 = tpu.memref_slice %arg2[%add3A_624] : memref<327936xi32, #tpu.memory_space<hbm>> -> memref<128xi32, #tpu.memory_space<hbm>>
        %dma_start3A_631 = tpu.memref_slice %arg2[%add3A_624] : memref<327936xi32, #tpu.memory_space<hbm>> -> memref<128xi32, #tpu.memory_space<hbm>>
        tpu.enqueue_dma source(%dma_start3A_631 : memref<128xi32, #tpu.memory_space<hbm>>) target(%arg6 : memref<128xi32, #tpu.memory_space<vmem>>) target_semaphore(%arg19 : memref<!tpu.dma_semaphore, #tpu.memory_space<semaphore_mem>>)
        %dma_start3A_632 = tpu.memref_slice %arg3[%add3A_624] : memref<327936xi32, #tpu.memory_space<hbm>> -> memref<128xi32, #tpu.memory_space<hbm>>
        %dma_start3A_633 = tpu.memref_slice %arg3[%add3A_624] : memref<327936xi32, #tpu.memory_space<hbm>> -> memref<128xi32, #tpu.memory_space<hbm>>
        tpu.enqueue_dma source(%dma_start3A_633 : memref<128xi32, #tpu.memory_space<hbm>>) target(%arg10 : memref<128xi32, #tpu.memory_space<vmem>>) target_semaphore(%arg19 : memref<!tpu.dma_semaphore, #tpu.memory_space<semaphore_mem>>)
        %dma_start3A_634 = tpu.memref_slice %arg2[%add3A_629] : memref<327936xi32, #tpu.memory_space<hbm>> -> memref<128xi32, #tpu.memory_space<hbm>>
        %dma_start3A_635 = tpu.memref_slice %arg2[%add3A_629] : memref<327936xi32, #tpu.memory_space<hbm>> -> memref<128xi32, #tpu.memory_space<hbm>>
        tpu.enqueue_dma source(%dma_start3A_635 : memref<128xi32, #tpu.memory_space<hbm>>) target(%arg7 : memref<128xi32, #tpu.memory_space<vmem>>) target_semaphore(%arg19 : memref<!tpu.dma_semaphore, #tpu.memory_space<semaphore_mem>>)
        %dma_start3A_636 = tpu.memref_slice %arg3[%add3A_629] : memref<327936xi32, #tpu.memory_space<hbm>> -> memref<128xi32, #tpu.memory_space<hbm>>
        %dma_start3A_637 = tpu.memref_slice %arg3[%add3A_629] : memref<327936xi32, #tpu.memory_space<hbm>> -> memref<128xi32, #tpu.memory_space<hbm>>
        tpu.enqueue_dma source(%dma_start3A_637 : memref<128xi32, #tpu.memory_space<hbm>>) target(%arg11 : memref<128xi32, #tpu.memory_space<vmem>>) target_semaphore(%arg19 : memref<!tpu.dma_semaphore, #tpu.memory_space<semaphore_mem>>)
        %dma_wait3A_638 = arith.constant 0 : i32
        %dma_wait3A_639 = arith.constant 0 : i32
        %dma_wait3A_640 = arith.constant 0 : i32
        %dma_wait3A_641 = tpu.memref_slice %arg14[%dma_wait3A_638, %dma_wait3A_639, %dma_wait3A_640] : memref<2x128x128xf32, #tpu.memory_space<vmem>> -> memref<1x128x128xf32, #tpu.memory_space<vmem>>
        %dma_wait3A_642 = tpu.memref_squeeze %dma_wait3A_641 : memref<1x128x128xf32, #tpu.memory_space<vmem>> -> memref<128x128xf32, #tpu.memory_space<vmem>>
        %dma_wait3A_643 = arith.constant 0 : i32
        %dma_wait3A_644 = arith.constant 0 : i32
        %dma_wait3A_645 = tpu.memref_slice %arg4[%dma_wait3A_643, %dma_wait3A_644] : memref<10000x128xf32, #tpu.memory_space<hbm>> -> memref<10000x128xf32, #tpu.memory_space<hbm>>
        tpu.wait_indirect_dma semaphore(%arg15 : memref<!tpu.dma_semaphore, #tpu.memory_space<semaphore_mem>>) src(%dma_wait3A_645 : memref<10000x128xf32, #tpu.memory_space<hbm>>) dst(%dma_wait3A_642 : memref<128x128xf32, #tpu.memory_space<vmem>>)
        %dma_start3A_646 = arith.constant 0 : i32
        %dma_start3A_647 = arith.constant 0 : i32
        %dma_start3A_648 = arith.constant 0 : i32
        %dma_start3A_649 = tpu.memref_slice %arg14[%dma_start3A_646, %dma_start3A_647, %dma_start3A_648] : memref<2x128x128xf32, #tpu.memory_space<vmem>> -> memref<1x128x128xf32, #tpu.memory_space<vmem>>
        %dma_start3A_650 = tpu.memref_squeeze %dma_start3A_649 : memref<1x128x128xf32, #tpu.memory_space<vmem>> -> memref<128x128xf32, #tpu.memory_space<vmem>>
        %dma_start3A_651 = arith.constant 0 : i32
        %dma_start3A_652 = arith.constant 0 : i32
        %dma_start3A_653 = tpu.memref_slice %arg20[%dma_start3A_651, %dma_start3A_652] : memref<10240x128xf32, #tpu.memory_space<vmem_shared>> -> memref<10240x128xf32, #tpu.memory_space<vmem_shared>>
        tpu.enqueue_indirect_dma source(%dma_start3A_650 : memref<128x128xf32, #tpu.memory_space<vmem>>) target(%dma_start3A_653 : memref<10240x128xf32, #tpu.memory_space<vmem_shared>>) offsets(%arg12 : memref<128xi32, #tpu.memory_space<vmem>>) semaphore(%arg17 : memref<!tpu.dma_semaphore, #tpu.memory_space<semaphore_mem>>) {add = true}
        %dma_wait3A_654 = arith.constant 1 : i32
        %dma_wait3A_655 = arith.constant 0 : i32
        %dma_wait3A_656 = arith.constant 0 : i32
        %dma_wait3A_657 = tpu.memref_slice %arg14[%dma_wait3A_654, %dma_wait3A_655, %dma_wait3A_656] : memref<2x128x128xf32, #tpu.memory_space<vmem>> -> memref<1x128x128xf32, #tpu.memory_space<vmem>>
        %dma_wait3A_658 = tpu.memref_squeeze %dma_wait3A_657 : memref<1x128x128xf32, #tpu.memory_space<vmem>> -> memref<128x128xf32, #tpu.memory_space<vmem>>
        %dma_wait3A_659 = arith.constant 0 : i32
        %dma_wait3A_660 = arith.constant 0 : i32
        %dma_wait3A_661 = tpu.memref_slice %arg4[%dma_wait3A_659, %dma_wait3A_660] : memref<10000x128xf32, #tpu.memory_space<hbm>> -> memref<10000x128xf32, #tpu.memory_space<hbm>>
        tpu.wait_indirect_dma semaphore(%arg16 : memref<!tpu.dma_semaphore, #tpu.memory_space<semaphore_mem>>) src(%dma_wait3A_661 : memref<10000x128xf32, #tpu.memory_space<hbm>>) dst(%dma_wait3A_658 : memref<128x128xf32, #tpu.memory_space<vmem>>)
        %dma_start3A_662 = arith.constant 1 : i32
        %dma_start3A_663 = arith.constant 0 : i32
        %dma_start3A_664 = arith.constant 0 : i32
        %dma_start3A_665 = tpu.memref_slice %arg14[%dma_start3A_662, %dma_start3A_663, %dma_start3A_664] : memref<2x128x128xf32, #tpu.memory_space<vmem>> -> memref<1x128x128xf32, #tpu.memory_space<vmem>>
        %dma_start3A_666 = tpu.memref_squeeze %dma_start3A_665 : memref<1x128x128xf32, #tpu.memory_space<vmem>> -> memref<128x128xf32, #tpu.memory_space<vmem>>
        %dma_start3A_667 = arith.constant 0 : i32
        %dma_start3A_668 = arith.constant 0 : i32
        %dma_start3A_669 = tpu.memref_slice %arg20[%dma_start3A_667, %dma_start3A_668] : memref<10240x128xf32, #tpu.memory_space<vmem_shared>> -> memref<10240x128xf32, #tpu.memory_space<vmem_shared>>
        tpu.enqueue_indirect_dma source(%dma_start3A_666 : memref<128x128xf32, #tpu.memory_space<vmem>>) target(%dma_start3A_669 : memref<10240x128xf32, #tpu.memory_space<vmem_shared>>) offsets(%arg13 : memref<128xi32, #tpu.memory_space<vmem>>) semaphore(%arg18 : memref<!tpu.dma_semaphore, #tpu.memory_space<semaphore_mem>>) {add = true}
        %dma_wait3A_670 = arith.constant 0 : i32
        %dma_wait3A_671 = arith.constant 0 : i32
        %dma_wait3A_672 = arith.constant 0 : i32
        %dma_wait3A_673 = tpu.memref_slice %arg14[%dma_wait3A_670, %dma_wait3A_671, %dma_wait3A_672] : memref<2x128x128xf32, #tpu.memory_space<vmem>> -> memref<1x128x128xf32, #tpu.memory_space<vmem>>
        %dma_wait3A_674 = tpu.memref_squeeze %dma_wait3A_673 : memref<1x128x128xf32, #tpu.memory_space<vmem>> -> memref<128x128xf32, #tpu.memory_space<vmem>>
        %dma_wait3A_675 = arith.constant 0 : i32
        %dma_wait3A_676 = arith.constant 0 : i32
        %dma_wait3A_677 = tpu.memref_slice %arg20[%dma_wait3A_675, %dma_wait3A_676] : memref<10240x128xf32, #tpu.memory_space<vmem_shared>> -> memref<10240x128xf32, #tpu.memory_space<vmem_shared>>
        tpu.wait_indirect_dma semaphore(%arg17 : memref<!tpu.dma_semaphore, #tpu.memory_space<semaphore_mem>>) src(%dma_wait3A_674 : memref<128x128xf32, #tpu.memory_space<vmem>>) dst(%dma_wait3A_677 : memref<10240x128xf32, #tpu.memory_space<vmem_shared>>)
        %dma_wait3A_678 = arith.constant 1 : i32
        %dma_wait3A_679 = arith.constant 0 : i32
        %dma_wait3A_680 = arith.constant 0 : i32
        %dma_wait3A_681 = tpu.memref_slice %arg14[%dma_wait3A_678, %dma_wait3A_679, %dma_wait3A_680] : memref<2x128x128xf32, #tpu.memory_space<vmem>> -> memref<1x128x128xf32, #tpu.memory_space<vmem>>
        %dma_wait3A_682 = tpu.memref_squeeze %dma_wait3A_681 : memref<1x128x128xf32, #tpu.memory_space<vmem>> -> memref<128x128xf32, #tpu.memory_space<vmem>>
        %dma_wait3A_683 = arith.constant 0 : i32
        %dma_wait3A_684 = arith.constant 0 : i32
        %dma_wait3A_685 = tpu.memref_slice %arg20[%dma_wait3A_683, %dma_wait3A_684] : memref<10240x128xf32, #tpu.memory_space<vmem_shared>> -> memref<10240x128xf32, #tpu.memory_space<vmem_shared>>
        tpu.wait_indirect_dma semaphore(%arg18 : memref<!tpu.dma_semaphore, #tpu.memory_space<semaphore_mem>>) src(%dma_wait3A_682 : memref<128x128xf32, #tpu.memory_space<vmem>>) dst(%dma_wait3A_685 : memref<10240x128xf32, #tpu.memory_space<vmem_shared>>)
      }
      %scan3A_177 = arith.constant 35 : i32
      %dma_wait3A_178 = tpu.memref_slice %arg2[%mul3A_9] : memref<327936xi32, #tpu.memory_space<hbm>> -> memref<128xi32, #tpu.memory_space<hbm>>
      %dma_wait3A_179 = tpu.memref_slice %arg2[%mul3A_9] : memref<327936xi32, #tpu.memory_space<hbm>> -> memref<128xi32, #tpu.memory_space<hbm>>
      tpu.wait_dma2 semaphore(%arg19 : memref<!tpu.dma_semaphore, #tpu.memory_space<semaphore_mem>>) src(%dma_wait3A_179 : memref<128xi32, #tpu.memory_space<hbm>>) dst(%arg6 : memref<128xi32, #tpu.memory_space<vmem>>)
      %dma_wait3A_180 = tpu.memref_slice %arg2[%mul3A_9] : memref<327936xi32, #tpu.memory_space<hbm>> -> memref<128xi32, #tpu.memory_space<hbm>>
      %dma_wait3A_181 = tpu.memref_slice %arg2[%mul3A_9] : memref<327936xi32, #tpu.memory_space<hbm>> -> memref<128xi32, #tpu.memory_space<hbm>>
      tpu.wait_dma2 semaphore(%arg19 : memref<!tpu.dma_semaphore, #tpu.memory_space<semaphore_mem>>) src(%dma_wait3A_181 : memref<128xi32, #tpu.memory_space<hbm>>) dst(%arg6 : memref<128xi32, #tpu.memory_space<vmem>>)
      %dma_wait3A_182 = tpu.memref_slice %arg2[%mul3A_9] : memref<327936xi32, #tpu.memory_space<hbm>> -> memref<128xi32, #tpu.memory_space<hbm>>
      %dma_wait3A_183 = tpu.memref_slice %arg2[%mul3A_9] : memref<327936xi32, #tpu.memory_space<hbm>> -> memref<128xi32, #tpu.memory_space<hbm>>
      tpu.wait_dma2 semaphore(%arg19 : memref<!tpu.dma_semaphore, #tpu.memory_space<semaphore_mem>>) src(%dma_wait3A_183 : memref<128xi32, #tpu.memory_space<hbm>>) dst(%arg6 : memref<128xi32, #tpu.memory_space<vmem>>)
      %dma_wait3A_184 = tpu.memref_slice %arg2[%mul3A_9] : memref<327936xi32, #tpu.memory_space<hbm>> -> memref<128xi32, #tpu.memory_space<hbm>>
      %dma_wait3A_185 = tpu.memref_slice %arg2[%mul3A_9] : memref<327936xi32, #tpu.memory_space<hbm>> -> memref<128xi32, #tpu.memory_space<hbm>>
      tpu.wait_dma2 semaphore(%arg19 : memref<!tpu.dma_semaphore, #tpu.memory_space<semaphore_mem>>) src(%dma_wait3A_185 : memref<128xi32, #tpu.memory_space<hbm>>) dst(%arg6 : memref<128xi32, #tpu.memory_space<vmem>>)
      %barrier3A_186 = arith.constant 0 : index
      tpu.barrier barrier_id(%barrier3A_186)
      %mul3A_187 = arith.constant 640 : i32
      %mul3A_188 = arith.muli %arg1, %mul3A_187 : i32
      %add3A_189 = arith.constant 0 : i32
      %add3A_190 = arith.addi %mul3A_188, %add3A_189 : i32
      %dma_start3A_191 = arith.constant 0 : i32
      %dma_start3A_192 = arith.constant 0 : i32
      %dma_start3A_193 = arith.constant 0 : i32
      %dma_start3A_194 = tpu.memref_slice %arg14[%dma_start3A_191, %dma_start3A_192, %dma_start3A_193] : memref<2x128x128xf32, #tpu.memory_space<vmem>> -> memref<1x128x128xf32, #tpu.memory_space<vmem>>
      %dma_start3A_195 = tpu.memref_squeeze %dma_start3A_194 : memref<1x128x128xf32, #tpu.memory_space<vmem>> -> memref<128x128xf32, #tpu.memory_space<vmem>>
      %dma_start3A_196 = arith.constant 0 : i32
      %dma_start3A_197 = tpu.memref_slice %arg20[%add3A_190, %dma_start3A_196] : memref<10240x128xf32, #tpu.memory_space<vmem_shared>> -> memref<128x128xf32, #tpu.memory_space<vmem_shared>>
      %dma_start3A_198 = arith.constant 0 : i32
      %dma_start3A_199 = arith.constant 0 : i32
      %dma_start3A_200 = tpu.memref_slice %arg14[%dma_start3A_191, %dma_start3A_198, %dma_start3A_199] : memref<2x128x128xf32, #tpu.memory_space<vmem>> -> memref<1x128x128xf32, #tpu.memory_space<vmem>>
      %dma_start3A_201 = tpu.memref_squeeze %dma_start3A_200 : memref<1x128x128xf32, #tpu.memory_space<vmem>> -> memref<128x128xf32, #tpu.memory_space<vmem>>
      %dma_start3A_202 = arith.constant 0 : i32
      %dma_start3A_203 = tpu.memref_slice %arg20[%add3A_190, %dma_start3A_202] : memref<10240x128xf32, #tpu.memory_space<vmem_shared>> -> memref<128x128xf32, #tpu.memory_space<vmem_shared>>
      tpu.enqueue_dma source(%dma_start3A_203 : memref<128x128xf32, #tpu.memory_space<vmem_shared>>) target(%dma_start3A_201 : memref<128x128xf32, #tpu.memory_space<vmem>>) target_semaphore(%arg15 : memref<!tpu.dma_semaphore, #tpu.memory_space<semaphore_mem>>)
      %dma_wait3A_204 = arith.constant 0 : i32
      %dma_wait3A_205 = arith.constant 0 : i32
      %dma_wait3A_206 = arith.constant 0 : i32
      %dma_wait3A_207 = tpu.memref_slice %arg14[%dma_wait3A_204, %dma_wait3A_205, %dma_wait3A_206] : memref<2x128x128xf32, #tpu.memory_space<vmem>> -> memref<1x128x128xf32, #tpu.memory_space<vmem>>
      %dma_wait3A_208 = tpu.memref_squeeze %dma_wait3A_207 : memref<1x128x128xf32, #tpu.memory_space<vmem>> -> memref<128x128xf32, #tpu.memory_space<vmem>>
      %dma_wait3A_209 = arith.constant 0 : i32
      %dma_wait3A_210 = tpu.memref_slice %arg20[%add3A_190, %dma_wait3A_209] : memref<10240x128xf32, #tpu.memory_space<vmem_shared>> -> memref<128x128xf32, #tpu.memory_space<vmem_shared>>
      %dma_wait3A_211 = arith.constant 0 : i32
      %dma_wait3A_212 = arith.constant 0 : i32
      %dma_wait3A_213 = tpu.memref_slice %arg14[%dma_wait3A_204, %dma_wait3A_211, %dma_wait3A_212] : memref<2x128x128xf32, #tpu.memory_space<vmem>> -> memref<1x128x128xf32, #tpu.memory_space<vmem>>
      %dma_wait3A_214 = tpu.memref_squeeze %dma_wait3A_213 : memref<1x128x128xf32, #tpu.memory_space<vmem>> -> memref<128x128xf32, #tpu.memory_space<vmem>>
      %dma_wait3A_215 = arith.constant 0 : i32
      %dma_wait3A_216 = tpu.memref_slice %arg20[%add3A_190, %dma_wait3A_215] : memref<10240x128xf32, #tpu.memory_space<vmem_shared>> -> memref<128x128xf32, #tpu.memory_space<vmem_shared>>
      tpu.wait_dma2 semaphore(%arg15 : memref<!tpu.dma_semaphore, #tpu.memory_space<semaphore_mem>>) src(%dma_wait3A_216 : memref<128x128xf32, #tpu.memory_space<vmem_shared>>) dst(%dma_wait3A_214 : memref<128x128xf32, #tpu.memory_space<vmem>>)
      %dma_start3A_217 = arith.constant 0 : i32
      %dma_start3A_218 = arith.constant 0 : i32
      %dma_start3A_219 = arith.constant 0 : i32
      %dma_start3A_220 = arith.constant 0 : i32
      %dma_start3A_221 = tpu.memref_slice %arg14[%dma_start3A_217, %dma_start3A_219, %dma_start3A_220] : memref<2x128x128xf32, #tpu.memory_space<vmem>> -> memref<1x128x128xf32, #tpu.memory_space<vmem>>
      %dma_start3A_222 = tpu.memref_squeeze %dma_start3A_221 : memref<1x128x128xf32, #tpu.memory_space<vmem>> -> memref<128x128xf32, #tpu.memory_space<vmem>>
      %dma_start3A_223 = arith.constant 0 : i32
      %dma_start3A_224 = tpu.memref_slice %arg5[%dma_start3A_218, %add3A_190, %dma_start3A_223] : memref<2x10240x128xf32, #tpu.memory_space<hbm>> -> memref<1x128x128xf32, #tpu.memory_space<hbm>>
      %dma_start3A_225 = tpu.memref_squeeze %dma_start3A_224 : memref<1x128x128xf32, #tpu.memory_space<hbm>> -> memref<128x128xf32, #tpu.memory_space<hbm>>
      %dma_start3A_226 = arith.constant 0 : i32
      %dma_start3A_227 = tpu.memref_slice %arg5[%dma_start3A_218, %add3A_190, %dma_start3A_226] : memref<2x10240x128xf32, #tpu.memory_space<hbm>> -> memref<1x128x128xf32, #tpu.memory_space<hbm>>
      %dma_start3A_228 = tpu.memref_squeeze %dma_start3A_227 : memref<1x128x128xf32, #tpu.memory_space<hbm>> -> memref<128x128xf32, #tpu.memory_space<hbm>>
      %dma_start3A_229 = arith.constant 0 : i32
      %dma_start3A_230 = arith.constant 0 : i32
      %dma_start3A_231 = tpu.memref_slice %arg14[%dma_start3A_217, %dma_start3A_229, %dma_start3A_230] : memref<2x128x128xf32, #tpu.memory_space<vmem>> -> memref<1x128x128xf32, #tpu.memory_space<vmem>>
      %dma_start3A_232 = tpu.memref_squeeze %dma_start3A_231 : memref<1x128x128xf32, #tpu.memory_space<vmem>> -> memref<128x128xf32, #tpu.memory_space<vmem>>
      tpu.enqueue_dma source(%dma_start3A_232 : memref<128x128xf32, #tpu.memory_space<vmem>>) target(%dma_start3A_228 : memref<128x128xf32, #tpu.memory_space<hbm>>) target_semaphore(%arg17 : memref<!tpu.dma_semaphore, #tpu.memory_space<semaphore_mem>>)
      %mul3A_233 = arith.constant 640 : i32
      %mul3A_234 = arith.muli %arg1, %mul3A_233 : i32
      %add3A_235 = arith.constant 128 : i32
      %add3A_236 = arith.addi %mul3A_234, %add3A_235 : i32
      %dma_start3A_237 = arith.constant 1 : i32
      %dma_start3A_238 = arith.constant 0 : i32
      %dma_start3A_239 = arith.constant 0 : i32
      %dma_start3A_240 = tpu.memref_slice %arg14[%dma_start3A_237, %dma_start3A_238, %dma_start3A_239] : memref<2x128x128xf32, #tpu.memory_space<vmem>> -> memref<1x128x128xf32, #tpu.memory_space<vmem>>
      %dma_start3A_241 = tpu.memref_squeeze %dma_start3A_240 : memref<1x128x128xf32, #tpu.memory_space<vmem>> -> memref<128x128xf32, #tpu.memory_space<vmem>>
      %dma_start3A_242 = arith.constant 0 : i32
      %dma_start3A_243 = tpu.memref_slice %arg20[%add3A_236, %dma_start3A_242] : memref<10240x128xf32, #tpu.memory_space<vmem_shared>> -> memref<128x128xf32, #tpu.memory_space<vmem_shared>>
      %dma_start3A_244 = arith.constant 0 : i32
      %dma_start3A_245 = arith.constant 0 : i32
      %dma_start3A_246 = tpu.memref_slice %arg14[%dma_start3A_237, %dma_start3A_244, %dma_start3A_245] : memref<2x128x128xf32, #tpu.memory_space<vmem>> -> memref<1x128x128xf32, #tpu.memory_space<vmem>>
      %dma_start3A_247 = tpu.memref_squeeze %dma_start3A_246 : memref<1x128x128xf32, #tpu.memory_space<vmem>> -> memref<128x128xf32, #tpu.memory_space<vmem>>
      %dma_start3A_248 = arith.constant 0 : i32
      %dma_start3A_249 = tpu.memref_slice %arg20[%add3A_236, %dma_start3A_248] : memref<10240x128xf32, #tpu.memory_space<vmem_shared>> -> memref<128x128xf32, #tpu.memory_space<vmem_shared>>
      tpu.enqueue_dma source(%dma_start3A_249 : memref<128x128xf32, #tpu.memory_space<vmem_shared>>) target(%dma_start3A_247 : memref<128x128xf32, #tpu.memory_space<vmem>>) target_semaphore(%arg16 : memref<!tpu.dma_semaphore, #tpu.memory_space<semaphore_mem>>)
      %dma_wait3A_250 = arith.constant 1 : i32
      %dma_wait3A_251 = arith.constant 0 : i32
      %dma_wait3A_252 = arith.constant 0 : i32
      %dma_wait3A_253 = tpu.memref_slice %arg14[%dma_wait3A_250, %dma_wait3A_251, %dma_wait3A_252] : memref<2x128x128xf32, #tpu.memory_space<vmem>> -> memref<1x128x128xf32, #tpu.memory_space<vmem>>
      %dma_wait3A_254 = tpu.memref_squeeze %dma_wait3A_253 : memref<1x128x128xf32, #tpu.memory_space<vmem>> -> memref<128x128xf32, #tpu.memory_space<vmem>>
      %dma_wait3A_255 = arith.constant 0 : i32
      %dma_wait3A_256 = tpu.memref_slice %arg20[%add3A_236, %dma_wait3A_255] : memref<10240x128xf32, #tpu.memory_space<vmem_shared>> -> memref<128x128xf32, #tpu.memory_space<vmem_shared>>
      %dma_wait3A_257 = arith.constant 0 : i32
      %dma_wait3A_258 = arith.constant 0 : i32
      %dma_wait3A_259 = tpu.memref_slice %arg14[%dma_wait3A_250, %dma_wait3A_257, %dma_wait3A_258] : memref<2x128x128xf32, #tpu.memory_space<vmem>> -> memref<1x128x128xf32, #tpu.memory_space<vmem>>
      %dma_wait3A_260 = tpu.memref_squeeze %dma_wait3A_259 : memref<1x128x128xf32, #tpu.memory_space<vmem>> -> memref<128x128xf32, #tpu.memory_space<vmem>>
      %dma_wait3A_261 = arith.constant 0 : i32
      %dma_wait3A_262 = tpu.memref_slice %arg20[%add3A_236, %dma_wait3A_261] : memref<10240x128xf32, #tpu.memory_space<vmem_shared>> -> memref<128x128xf32, #tpu.memory_space<vmem_shared>>
      tpu.wait_dma2 semaphore(%arg16 : memref<!tpu.dma_semaphore, #tpu.memory_space<semaphore_mem>>) src(%dma_wait3A_262 : memref<128x128xf32, #tpu.memory_space<vmem_shared>>) dst(%dma_wait3A_260 : memref<128x128xf32, #tpu.memory_space<vmem>>)
      %dma_start3A_263 = arith.constant 1 : i32
      %dma_start3A_264 = arith.constant 0 : i32
      %dma_start3A_265 = arith.constant 0 : i32
      %dma_start3A_266 = arith.constant 0 : i32
      %dma_start3A_267 = tpu.memref_slice %arg14[%dma_start3A_263, %dma_start3A_265, %dma_start3A_266] : memref<2x128x128xf32, #tpu.memory_space<vmem>> -> memref<1x128x128xf32, #tpu.memory_space<vmem>>
      %dma_start3A_268 = tpu.memref_squeeze %dma_start3A_267 : memref<1x128x128xf32, #tpu.memory_space<vmem>> -> memref<128x128xf32, #tpu.memory_space<vmem>>
      %dma_start3A_269 = arith.constant 0 : i32
      %dma_start3A_270 = tpu.memref_slice %arg5[%dma_start3A_264, %add3A_236, %dma_start3A_269] : memref<2x10240x128xf32, #tpu.memory_space<hbm>> -> memref<1x128x128xf32, #tpu.memory_space<hbm>>
      %dma_start3A_271 = tpu.memref_squeeze %dma_start3A_270 : memref<1x128x128xf32, #tpu.memory_space<hbm>> -> memref<128x128xf32, #tpu.memory_space<hbm>>
      %dma_start3A_272 = arith.constant 0 : i32
      %dma_start3A_273 = tpu.memref_slice %arg5[%dma_start3A_264, %add3A_236, %dma_start3A_272] : memref<2x10240x128xf32, #tpu.memory_space<hbm>> -> memref<1x128x128xf32, #tpu.memory_space<hbm>>
      %dma_start3A_274 = tpu.memref_squeeze %dma_start3A_273 : memref<1x128x128xf32, #tpu.memory_space<hbm>> -> memref<128x128xf32, #tpu.memory_space<hbm>>
      %dma_start3A_275 = arith.constant 0 : i32
      %dma_start3A_276 = arith.constant 0 : i32
      %dma_start3A_277 = tpu.memref_slice %arg14[%dma_start3A_263, %dma_start3A_275, %dma_start3A_276] : memref<2x128x128xf32, #tpu.memory_space<vmem>> -> memref<1x128x128xf32, #tpu.memory_space<vmem>>
      %dma_start3A_278 = tpu.memref_squeeze %dma_start3A_277 : memref<1x128x128xf32, #tpu.memory_space<vmem>> -> memref<128x128xf32, #tpu.memory_space<vmem>>
      tpu.enqueue_dma source(%dma_start3A_278 : memref<128x128xf32, #tpu.memory_space<vmem>>) target(%dma_start3A_274 : memref<128x128xf32, #tpu.memory_space<hbm>>) target_semaphore(%arg18 : memref<!tpu.dma_semaphore, #tpu.memory_space<semaphore_mem>>)
      %dma_wait3A_279 = arith.constant 0 : i32
      %dma_wait3A_280 = arith.constant 0 : i32
      %dma_wait3A_281 = arith.constant 0 : i32
      %dma_wait3A_282 = arith.constant 0 : i32
      %dma_wait3A_283 = tpu.memref_slice %arg14[%dma_wait3A_279, %dma_wait3A_281, %dma_wait3A_282] : memref<2x128x128xf32, #tpu.memory_space<vmem>> -> memref<1x128x128xf32, #tpu.memory_space<vmem>>
      %dma_wait3A_284 = tpu.memref_squeeze %dma_wait3A_283 : memref<1x128x128xf32, #tpu.memory_space<vmem>> -> memref<128x128xf32, #tpu.memory_space<vmem>>
      %dma_wait3A_285 = arith.constant 0 : i32
      %dma_wait3A_286 = tpu.memref_slice %arg5[%dma_wait3A_280, %add3A_190, %dma_wait3A_285] : memref<2x10240x128xf32, #tpu.memory_space<hbm>> -> memref<1x128x128xf32, #tpu.memory_space<hbm>>
      %dma_wait3A_287 = tpu.memref_squeeze %dma_wait3A_286 : memref<1x128x128xf32, #tpu.memory_space<hbm>> -> memref<128x128xf32, #tpu.memory_space<hbm>>
      %dma_wait3A_288 = arith.constant 0 : i32
      %dma_wait3A_289 = tpu.memref_slice %arg5[%dma_wait3A_280, %add3A_190, %dma_wait3A_288] : memref<2x10240x128xf32, #tpu.memory_space<hbm>> -> memref<1x128x128xf32, #tpu.memory_space<hbm>>
      %dma_wait3A_290 = tpu.memref_squeeze %dma_wait3A_289 : memref<1x128x128xf32, #tpu.memory_space<hbm>> -> memref<128x128xf32, #tpu.memory_space<hbm>>
      %dma_wait3A_291 = arith.constant 0 : i32
      %dma_wait3A_292 = arith.constant 0 : i32
      %dma_wait3A_293 = tpu.memref_slice %arg14[%dma_wait3A_279, %dma_wait3A_291, %dma_wait3A_292] : memref<2x128x128xf32, #tpu.memory_space<vmem>> -> memref<1x128x128xf32, #tpu.memory_space<vmem>>
      %dma_wait3A_294 = tpu.memref_squeeze %dma_wait3A_293 : memref<1x128x128xf32, #tpu.memory_space<vmem>> -> memref<128x128xf32, #tpu.memory_space<vmem>>
      tpu.wait_dma2 semaphore(%arg17 : memref<!tpu.dma_semaphore, #tpu.memory_space<semaphore_mem>>) src(%dma_wait3A_294 : memref<128x128xf32, #tpu.memory_space<vmem>>) dst(%dma_wait3A_290 : memref<128x128xf32, #tpu.memory_space<hbm>>)
      %mul3A_295 = arith.constant 640 : i32
      %mul3A_296 = arith.muli %arg1, %mul3A_295 : i32
      %add3A_297 = arith.constant 256 : i32
      %add3A_298 = arith.addi %mul3A_296, %add3A_297 : i32
      %dma_start3A_299 = arith.constant 0 : i32
      %dma_start3A_300 = arith.constant 0 : i32
      %dma_start3A_301 = arith.constant 0 : i32
      %dma_start3A_302 = tpu.memref_slice %arg14[%dma_start3A_299, %dma_start3A_300, %dma_start3A_301] : memref<2x128x128xf32, #tpu.memory_space<vmem>> -> memref<1x128x128xf32, #tpu.memory_space<vmem>>
      %dma_start3A_303 = tpu.memref_squeeze %dma_start3A_302 : memref<1x128x128xf32, #tpu.memory_space<vmem>> -> memref<128x128xf32, #tpu.memory_space<vmem>>
      %dma_start3A_304 = arith.constant 0 : i32
      %dma_start3A_305 = tpu.memref_slice %arg20[%add3A_298, %dma_start3A_304] : memref<10240x128xf32, #tpu.memory_space<vmem_shared>> -> memref<128x128xf32, #tpu.memory_space<vmem_shared>>
      %dma_start3A_306 = arith.constant 0 : i32
      %dma_start3A_307 = arith.constant 0 : i32
      %dma_start3A_308 = tpu.memref_slice %arg14[%dma_start3A_299, %dma_start3A_306, %dma_start3A_307] : memref<2x128x128xf32, #tpu.memory_space<vmem>> -> memref<1x128x128xf32, #tpu.memory_space<vmem>>
      %dma_start3A_309 = tpu.memref_squeeze %dma_start3A_308 : memref<1x128x128xf32, #tpu.memory_space<vmem>> -> memref<128x128xf32, #tpu.memory_space<vmem>>
      %dma_start3A_310 = arith.constant 0 : i32
      %dma_start3A_311 = tpu.memref_slice %arg20[%add3A_298, %dma_start3A_310] : memref<10240x128xf32, #tpu.memory_space<vmem_shared>> -> memref<128x128xf32, #tpu.memory_space<vmem_shared>>
      tpu.enqueue_dma source(%dma_start3A_311 : memref<128x128xf32, #tpu.memory_space<vmem_shared>>) target(%dma_start3A_309 : memref<128x128xf32, #tpu.memory_space<vmem>>) target_semaphore(%arg15 : memref<!tpu.dma_semaphore, #tpu.memory_space<semaphore_mem>>)
      %dma_wait3A_312 = arith.constant 0 : i32
      %dma_wait3A_313 = arith.constant 0 : i32
      %dma_wait3A_314 = arith.constant 0 : i32
      %dma_wait3A_315 = tpu.memref_slice %arg14[%dma_wait3A_312, %dma_wait3A_313, %dma_wait3A_314] : memref<2x128x128xf32, #tpu.memory_space<vmem>> -> memref<1x128x128xf32, #tpu.memory_space<vmem>>
      %dma_wait3A_316 = tpu.memref_squeeze %dma_wait3A_315 : memref<1x128x128xf32, #tpu.memory_space<vmem>> -> memref<128x128xf32, #tpu.memory_space<vmem>>
      %dma_wait3A_317 = arith.constant 0 : i32
      %dma_wait3A_318 = tpu.memref_slice %arg20[%add3A_298, %dma_wait3A_317] : memref<10240x128xf32, #tpu.memory_space<vmem_shared>> -> memref<128x128xf32, #tpu.memory_space<vmem_shared>>
      %dma_wait3A_319 = arith.constant 0 : i32
      %dma_wait3A_320 = arith.constant 0 : i32
      %dma_wait3A_321 = tpu.memref_slice %arg14[%dma_wait3A_312, %dma_wait3A_319, %dma_wait3A_320] : memref<2x128x128xf32, #tpu.memory_space<vmem>> -> memref<1x128x128xf32, #tpu.memory_space<vmem>>
      %dma_wait3A_322 = tpu.memref_squeeze %dma_wait3A_321 : memref<1x128x128xf32, #tpu.memory_space<vmem>> -> memref<128x128xf32, #tpu.memory_space<vmem>>
      %dma_wait3A_323 = arith.constant 0 : i32
      %dma_wait3A_324 = tpu.memref_slice %arg20[%add3A_298, %dma_wait3A_323] : memref<10240x128xf32, #tpu.memory_space<vmem_shared>> -> memref<128x128xf32, #tpu.memory_space<vmem_shared>>
      tpu.wait_dma2 semaphore(%arg15 : memref<!tpu.dma_semaphore, #tpu.memory_space<semaphore_mem>>) src(%dma_wait3A_324 : memref<128x128xf32, #tpu.memory_space<vmem_shared>>) dst(%dma_wait3A_322 : memref<128x128xf32, #tpu.memory_space<vmem>>)
      %dma_start3A_325 = arith.constant 0 : i32
      %dma_start3A_326 = arith.constant 0 : i32
      %dma_start3A_327 = arith.constant 0 : i32
      %dma_start3A_328 = arith.constant 0 : i32
      %dma_start3A_329 = tpu.memref_slice %arg14[%dma_start3A_325, %dma_start3A_327, %dma_start3A_328] : memref<2x128x128xf32, #tpu.memory_space<vmem>> -> memref<1x128x128xf32, #tpu.memory_space<vmem>>
      %dma_start3A_330 = tpu.memref_squeeze %dma_start3A_329 : memref<1x128x128xf32, #tpu.memory_space<vmem>> -> memref<128x128xf32, #tpu.memory_space<vmem>>
      %dma_start3A_331 = arith.constant 0 : i32
      %dma_start3A_332 = tpu.memref_slice %arg5[%dma_start3A_326, %add3A_298, %dma_start3A_331] : memref<2x10240x128xf32, #tpu.memory_space<hbm>> -> memref<1x128x128xf32, #tpu.memory_space<hbm>>
      %dma_start3A_333 = tpu.memref_squeeze %dma_start3A_332 : memref<1x128x128xf32, #tpu.memory_space<hbm>> -> memref<128x128xf32, #tpu.memory_space<hbm>>
      %dma_start3A_334 = arith.constant 0 : i32
      %dma_start3A_335 = tpu.memref_slice %arg5[%dma_start3A_326, %add3A_298, %dma_start3A_334] : memref<2x10240x128xf32, #tpu.memory_space<hbm>> -> memref<1x128x128xf32, #tpu.memory_space<hbm>>
      %dma_start3A_336 = tpu.memref_squeeze %dma_start3A_335 : memref<1x128x128xf32, #tpu.memory_space<hbm>> -> memref<128x128xf32, #tpu.memory_space<hbm>>
      %dma_start3A_337 = arith.constant 0 : i32
      %dma_start3A_338 = arith.constant 0 : i32
      %dma_start3A_339 = tpu.memref_slice %arg14[%dma_start3A_325, %dma_start3A_337, %dma_start3A_338] : memref<2x128x128xf32, #tpu.memory_space<vmem>> -> memref<1x128x128xf32, #tpu.memory_space<vmem>>
      %dma_start3A_340 = tpu.memref_squeeze %dma_start3A_339 : memref<1x128x128xf32, #tpu.memory_space<vmem>> -> memref<128x128xf32, #tpu.memory_space<vmem>>
      tpu.enqueue_dma source(%dma_start3A_340 : memref<128x128xf32, #tpu.memory_space<vmem>>) target(%dma_start3A_336 : memref<128x128xf32, #tpu.memory_space<hbm>>) target_semaphore(%arg17 : memref<!tpu.dma_semaphore, #tpu.memory_space<semaphore_mem>>)
      %dma_wait3A_341 = arith.constant 1 : i32
      %dma_wait3A_342 = arith.constant 0 : i32
      %dma_wait3A_343 = arith.constant 0 : i32
      %dma_wait3A_344 = arith.constant 0 : i32
      %dma_wait3A_345 = tpu.memref_slice %arg14[%dma_wait3A_341, %dma_wait3A_343, %dma_wait3A_344] : memref<2x128x128xf32, #tpu.memory_space<vmem>> -> memref<1x128x128xf32, #tpu.memory_space<vmem>>
      %dma_wait3A_346 = tpu.memref_squeeze %dma_wait3A_345 : memref<1x128x128xf32, #tpu.memory_space<vmem>> -> memref<128x128xf32, #tpu.memory_space<vmem>>
      %dma_wait3A_347 = arith.constant 0 : i32
      %dma_wait3A_348 = tpu.memref_slice %arg5[%dma_wait3A_342, %add3A_236, %dma_wait3A_347] : memref<2x10240x128xf32, #tpu.memory_space<hbm>> -> memref<1x128x128xf32, #tpu.memory_space<hbm>>
      %dma_wait3A_349 = tpu.memref_squeeze %dma_wait3A_348 : memref<1x128x128xf32, #tpu.memory_space<hbm>> -> memref<128x128xf32, #tpu.memory_space<hbm>>
      %dma_wait3A_350 = arith.constant 0 : i32
      %dma_wait3A_351 = tpu.memref_slice %arg5[%dma_wait3A_342, %add3A_236, %dma_wait3A_350] : memref<2x10240x128xf32, #tpu.memory_space<hbm>> -> memref<1x128x128xf32, #tpu.memory_space<hbm>>
      %dma_wait3A_352 = tpu.memref_squeeze %dma_wait3A_351 : memref<1x128x128xf32, #tpu.memory_space<hbm>> -> memref<128x128xf32, #tpu.memory_space<hbm>>
      %dma_wait3A_353 = arith.constant 0 : i32
      %dma_wait3A_354 = arith.constant 0 : i32
      %dma_wait3A_355 = tpu.memref_slice %arg14[%dma_wait3A_341, %dma_wait3A_353, %dma_wait3A_354] : memref<2x128x128xf32, #tpu.memory_space<vmem>> -> memref<1x128x128xf32, #tpu.memory_space<vmem>>
      %dma_wait3A_356 = tpu.memref_squeeze %dma_wait3A_355 : memref<1x128x128xf32, #tpu.memory_space<vmem>> -> memref<128x128xf32, #tpu.memory_space<vmem>>
      tpu.wait_dma2 semaphore(%arg18 : memref<!tpu.dma_semaphore, #tpu.memory_space<semaphore_mem>>) src(%dma_wait3A_356 : memref<128x128xf32, #tpu.memory_space<vmem>>) dst(%dma_wait3A_352 : memref<128x128xf32, #tpu.memory_space<hbm>>)
      %mul3A_357 = arith.constant 640 : i32
      %mul3A_358 = arith.muli %arg1, %mul3A_357 : i32
      %add3A_359 = arith.constant 384 : i32
      %add3A_360 = arith.addi %mul3A_358, %add3A_359 : i32
      %dma_start3A_361 = arith.constant 1 : i32
      %dma_start3A_362 = arith.constant 0 : i32
      %dma_start3A_363 = arith.constant 0 : i32
      %dma_start3A_364 = tpu.memref_slice %arg14[%dma_start3A_361, %dma_start3A_362, %dma_start3A_363] : memref<2x128x128xf32, #tpu.memory_space<vmem>> -> memref<1x128x128xf32, #tpu.memory_space<vmem>>
      %dma_start3A_365 = tpu.memref_squeeze %dma_start3A_364 : memref<1x128x128xf32, #tpu.memory_space<vmem>> -> memref<128x128xf32, #tpu.memory_space<vmem>>
      %dma_start3A_366 = arith.constant 0 : i32
      %dma_start3A_367 = tpu.memref_slice %arg20[%add3A_360, %dma_start3A_366] : memref<10240x128xf32, #tpu.memory_space<vmem_shared>> -> memref<128x128xf32, #tpu.memory_space<vmem_shared>>
      %dma_start3A_368 = arith.constant 0 : i32
      %dma_start3A_369 = arith.constant 0 : i32
      %dma_start3A_370 = tpu.memref_slice %arg14[%dma_start3A_361, %dma_start3A_368, %dma_start3A_369] : memref<2x128x128xf32, #tpu.memory_space<vmem>> -> memref<1x128x128xf32, #tpu.memory_space<vmem>>
      %dma_start3A_371 = tpu.memref_squeeze %dma_start3A_370 : memref<1x128x128xf32, #tpu.memory_space<vmem>> -> memref<128x128xf32, #tpu.memory_space<vmem>>
      %dma_start3A_372 = arith.constant 0 : i32
      %dma_start3A_373 = tpu.memref_slice %arg20[%add3A_360, %dma_start3A_372] : memref<10240x128xf32, #tpu.memory_space<vmem_shared>> -> memref<128x128xf32, #tpu.memory_space<vmem_shared>>
      tpu.enqueue_dma source(%dma_start3A_373 : memref<128x128xf32, #tpu.memory_space<vmem_shared>>) target(%dma_start3A_371 : memref<128x128xf32, #tpu.memory_space<vmem>>) target_semaphore(%arg16 : memref<!tpu.dma_semaphore, #tpu.memory_space<semaphore_mem>>)
      %dma_wait3A_374 = arith.constant 1 : i32
      %dma_wait3A_375 = arith.constant 0 : i32
      %dma_wait3A_376 = arith.constant 0 : i32
      %dma_wait3A_377 = tpu.memref_slice %arg14[%dma_wait3A_374, %dma_wait3A_375, %dma_wait3A_376] : memref<2x128x128xf32, #tpu.memory_space<vmem>> -> memref<1x128x128xf32, #tpu.memory_space<vmem>>
      %dma_wait3A_378 = tpu.memref_squeeze %dma_wait3A_377 : memref<1x128x128xf32, #tpu.memory_space<vmem>> -> memref<128x128xf32, #tpu.memory_space<vmem>>
      %dma_wait3A_379 = arith.constant 0 : i32
      %dma_wait3A_380 = tpu.memref_slice %arg20[%add3A_360, %dma_wait3A_379] : memref<10240x128xf32, #tpu.memory_space<vmem_shared>> -> memref<128x128xf32, #tpu.memory_space<vmem_shared>>
      %dma_wait3A_381 = arith.constant 0 : i32
      %dma_wait3A_382 = arith.constant 0 : i32
      %dma_wait3A_383 = tpu.memref_slice %arg14[%dma_wait3A_374, %dma_wait3A_381, %dma_wait3A_382] : memref<2x128x128xf32, #tpu.memory_space<vmem>> -> memref<1x128x128xf32, #tpu.memory_space<vmem>>
      %dma_wait3A_384 = tpu.memref_squeeze %dma_wait3A_383 : memref<1x128x128xf32, #tpu.memory_space<vmem>> -> memref<128x128xf32, #tpu.memory_space<vmem>>
      %dma_wait3A_385 = arith.constant 0 : i32
      %dma_wait3A_386 = tpu.memref_slice %arg20[%add3A_360, %dma_wait3A_385] : memref<10240x128xf32, #tpu.memory_space<vmem_shared>> -> memref<128x128xf32, #tpu.memory_space<vmem_shared>>
      tpu.wait_dma2 semaphore(%arg16 : memref<!tpu.dma_semaphore, #tpu.memory_space<semaphore_mem>>) src(%dma_wait3A_386 : memref<128x128xf32, #tpu.memory_space<vmem_shared>>) dst(%dma_wait3A_384 : memref<128x128xf32, #tpu.memory_space<vmem>>)
      %dma_start3A_387 = arith.constant 1 : i32
      %dma_start3A_388 = arith.constant 0 : i32
      %dma_start3A_389 = arith.constant 0 : i32
      %dma_start3A_390 = arith.constant 0 : i32
      %dma_start3A_391 = tpu.memref_slice %arg14[%dma_start3A_387, %dma_start3A_389, %dma_start3A_390] : memref<2x128x128xf32, #tpu.memory_space<vmem>> -> memref<1x128x128xf32, #tpu.memory_space<vmem>>
      %dma_start3A_392 = tpu.memref_squeeze %dma_start3A_391 : memref<1x128x128xf32, #tpu.memory_space<vmem>> -> memref<128x128xf32, #tpu.memory_space<vmem>>
      %dma_start3A_393 = arith.constant 0 : i32
      %dma_start3A_394 = tpu.memref_slice %arg5[%dma_start3A_388, %add3A_360, %dma_start3A_393] : memref<2x10240x128xf32, #tpu.memory_space<hbm>> -> memref<1x128x128xf32, #tpu.memory_space<hbm>>
      %dma_start3A_395 = tpu.memref_squeeze %dma_start3A_394 : memref<1x128x128xf32, #tpu.memory_space<hbm>> -> memref<128x128xf32, #tpu.memory_space<hbm>>
      %dma_start3A_396 = arith.constant 0 : i32
      %dma_start3A_397 = tpu.memref_slice %arg5[%dma_start3A_388, %add3A_360, %dma_start3A_396] : memref<2x10240x128xf32, #tpu.memory_space<hbm>> -> memref<1x128x128xf32, #tpu.memory_space<hbm>>
      %dma_start3A_398 = tpu.memref_squeeze %dma_start3A_397 : memref<1x128x128xf32, #tpu.memory_space<hbm>> -> memref<128x128xf32, #tpu.memory_space<hbm>>
      %dma_start3A_399 = arith.constant 0 : i32
      %dma_start3A_400 = arith.constant 0 : i32
      %dma_start3A_401 = tpu.memref_slice %arg14[%dma_start3A_387, %dma_start3A_399, %dma_start3A_400] : memref<2x128x128xf32, #tpu.memory_space<vmem>> -> memref<1x128x128xf32, #tpu.memory_space<vmem>>
      %dma_start3A_402 = tpu.memref_squeeze %dma_start3A_401 : memref<1x128x128xf32, #tpu.memory_space<vmem>> -> memref<128x128xf32, #tpu.memory_space<vmem>>
      tpu.enqueue_dma source(%dma_start3A_402 : memref<128x128xf32, #tpu.memory_space<vmem>>) target(%dma_start3A_398 : memref<128x128xf32, #tpu.memory_space<hbm>>) target_semaphore(%arg18 : memref<!tpu.dma_semaphore, #tpu.memory_space<semaphore_mem>>)
      %dma_wait3A_403 = arith.constant 0 : i32
      %dma_wait3A_404 = arith.constant 0 : i32
      %dma_wait3A_405 = arith.constant 0 : i32
      %dma_wait3A_406 = arith.constant 0 : i32
      %dma_wait3A_407 = tpu.memref_slice %arg14[%dma_wait3A_403, %dma_wait3A_405, %dma_wait3A_406] : memref<2x128x128xf32, #tpu.memory_space<vmem>> -> memref<1x128x128xf32, #tpu.memory_space<vmem>>
      %dma_wait3A_408 = tpu.memref_squeeze %dma_wait3A_407 : memref<1x128x128xf32, #tpu.memory_space<vmem>> -> memref<128x128xf32, #tpu.memory_space<vmem>>
      %dma_wait3A_409 = arith.constant 0 : i32
      %dma_wait3A_410 = tpu.memref_slice %arg5[%dma_wait3A_404, %add3A_298, %dma_wait3A_409] : memref<2x10240x128xf32, #tpu.memory_space<hbm>> -> memref<1x128x128xf32, #tpu.memory_space<hbm>>
      %dma_wait3A_411 = tpu.memref_squeeze %dma_wait3A_410 : memref<1x128x128xf32, #tpu.memory_space<hbm>> -> memref<128x128xf32, #tpu.memory_space<hbm>>
      %dma_wait3A_412 = arith.constant 0 : i32
      %dma_wait3A_413 = tpu.memref_slice %arg5[%dma_wait3A_404, %add3A_298, %dma_wait3A_412] : memref<2x10240x128xf32, #tpu.memory_space<hbm>> -> memref<1x128x128xf32, #tpu.memory_space<hbm>>
      %dma_wait3A_414 = tpu.memref_squeeze %dma_wait3A_413 : memref<1x128x128xf32, #tpu.memory_space<hbm>> -> memref<128x128xf32, #tpu.memory_space<hbm>>
      %dma_wait3A_415 = arith.constant 0 : i32
      %dma_wait3A_416 = arith.constant 0 : i32
      %dma_wait3A_417 = tpu.memref_slice %arg14[%dma_wait3A_403, %dma_wait3A_415, %dma_wait3A_416] : memref<2x128x128xf32, #tpu.memory_space<vmem>> -> memref<1x128x128xf32, #tpu.memory_space<vmem>>
      %dma_wait3A_418 = tpu.memref_squeeze %dma_wait3A_417 : memref<1x128x128xf32, #tpu.memory_space<vmem>> -> memref<128x128xf32, #tpu.memory_space<vmem>>
      tpu.wait_dma2 semaphore(%arg17 : memref<!tpu.dma_semaphore, #tpu.memory_space<semaphore_mem>>) src(%dma_wait3A_418 : memref<128x128xf32, #tpu.memory_space<vmem>>) dst(%dma_wait3A_414 : memref<128x128xf32, #tpu.memory_space<hbm>>)
      %mul3A_419 = arith.constant 640 : i32
      %mul3A_420 = arith.muli %arg1, %mul3A_419 : i32
      %add3A_421 = arith.constant 512 : i32
      %add3A_422 = arith.addi %mul3A_420, %add3A_421 : i32
      %dma_start3A_423 = arith.constant 0 : i32
      %dma_start3A_424 = arith.constant 0 : i32
      %dma_start3A_425 = arith.constant 0 : i32
      %dma_start3A_426 = tpu.memref_slice %arg14[%dma_start3A_423, %dma_start3A_424, %dma_start3A_425] : memref<2x128x128xf32, #tpu.memory_space<vmem>> -> memref<1x128x128xf32, #tpu.memory_space<vmem>>
      %dma_start3A_427 = tpu.memref_squeeze %dma_start3A_426 : memref<1x128x128xf32, #tpu.memory_space<vmem>> -> memref<128x128xf32, #tpu.memory_space<vmem>>
      %dma_start3A_428 = arith.constant 0 : i32
      %dma_start3A_429 = tpu.memref_slice %arg20[%add3A_422, %dma_start3A_428] : memref<10240x128xf32, #tpu.memory_space<vmem_shared>> -> memref<128x128xf32, #tpu.memory_space<vmem_shared>>
      %dma_start3A_430 = arith.constant 0 : i32
      %dma_start3A_431 = arith.constant 0 : i32
      %dma_start3A_432 = tpu.memref_slice %arg14[%dma_start3A_423, %dma_start3A_430, %dma_start3A_431] : memref<2x128x128xf32, #tpu.memory_space<vmem>> -> memref<1x128x128xf32, #tpu.memory_space<vmem>>
      %dma_start3A_433 = tpu.memref_squeeze %dma_start3A_432 : memref<1x128x128xf32, #tpu.memory_space<vmem>> -> memref<128x128xf32, #tpu.memory_space<vmem>>
      %dma_start3A_434 = arith.constant 0 : i32
      %dma_start3A_435 = tpu.memref_slice %arg20[%add3A_422, %dma_start3A_434] : memref<10240x128xf32, #tpu.memory_space<vmem_shared>> -> memref<128x128xf32, #tpu.memory_space<vmem_shared>>
      tpu.enqueue_dma source(%dma_start3A_435 : memref<128x128xf32, #tpu.memory_space<vmem_shared>>) target(%dma_start3A_433 : memref<128x128xf32, #tpu.memory_space<vmem>>) target_semaphore(%arg15 : memref<!tpu.dma_semaphore, #tpu.memory_space<semaphore_mem>>)
      %dma_wait3A_436 = arith.constant 0 : i32
      %dma_wait3A_437 = arith.constant 0 : i32
      %dma_wait3A_438 = arith.constant 0 : i32
      %dma_wait3A_439 = tpu.memref_slice %arg14[%dma_wait3A_436, %dma_wait3A_437, %dma_wait3A_438] : memref<2x128x128xf32, #tpu.memory_space<vmem>> -> memref<1x128x128xf32, #tpu.memory_space<vmem>>
      %dma_wait3A_440 = tpu.memref_squeeze %dma_wait3A_439 : memref<1x128x128xf32, #tpu.memory_space<vmem>> -> memref<128x128xf32, #tpu.memory_space<vmem>>
      %dma_wait3A_441 = arith.constant 0 : i32
      %dma_wait3A_442 = tpu.memref_slice %arg20[%add3A_422, %dma_wait3A_441] : memref<10240x128xf32, #tpu.memory_space<vmem_shared>> -> memref<128x128xf32, #tpu.memory_space<vmem_shared>>
      %dma_wait3A_443 = arith.constant 0 : i32
      %dma_wait3A_444 = arith.constant 0 : i32
      %dma_wait3A_445 = tpu.memref_slice %arg14[%dma_wait3A_436, %dma_wait3A_443, %dma_wait3A_444] : memref<2x128x128xf32, #tpu.memory_space<vmem>> -> memref<1x128x128xf32, #tpu.memory_space<vmem>>
      %dma_wait3A_446 = tpu.memref_squeeze %dma_wait3A_445 : memref<1x128x128xf32, #tpu.memory_space<vmem>> -> memref<128x128xf32, #tpu.memory_space<vmem>>
      %dma_wait3A_447 = arith.constant 0 : i32
      %dma_wait3A_448 = tpu.memref_slice %arg20[%add3A_422, %dma_wait3A_447] : memref<10240x128xf32, #tpu.memory_space<vmem_shared>> -> memref<128x128xf32, #tpu.memory_space<vmem_shared>>
      tpu.wait_dma2 semaphore(%arg15 : memref<!tpu.dma_semaphore, #tpu.memory_space<semaphore_mem>>) src(%dma_wait3A_448 : memref<128x128xf32, #tpu.memory_space<vmem_shared>>) dst(%dma_wait3A_446 : memref<128x128xf32, #tpu.memory_space<vmem>>)
      %dma_start3A_449 = arith.constant 0 : i32
      %dma_start3A_450 = arith.constant 0 : i32
      %dma_start3A_451 = arith.constant 0 : i32
      %dma_start3A_452 = arith.constant 0 : i32
      %dma_start3A_453 = tpu.memref_slice %arg14[%dma_start3A_449, %dma_start3A_451, %dma_start3A_452] : memref<2x128x128xf32, #tpu.memory_space<vmem>> -> memref<1x128x128xf32, #tpu.memory_space<vmem>>
      %dma_start3A_454 = tpu.memref_squeeze %dma_start3A_453 : memref<1x128x128xf32, #tpu.memory_space<vmem>> -> memref<128x128xf32, #tpu.memory_space<vmem>>
      %dma_start3A_455 = arith.constant 0 : i32
      %dma_start3A_456 = tpu.memref_slice %arg5[%dma_start3A_450, %add3A_422, %dma_start3A_455] : memref<2x10240x128xf32, #tpu.memory_space<hbm>> -> memref<1x128x128xf32, #tpu.memory_space<hbm>>
      %dma_start3A_457 = tpu.memref_squeeze %dma_start3A_456 : memref<1x128x128xf32, #tpu.memory_space<hbm>> -> memref<128x128xf32, #tpu.memory_space<hbm>>
      %dma_start3A_458 = arith.constant 0 : i32
      %dma_start3A_459 = tpu.memref_slice %arg5[%dma_start3A_450, %add3A_422, %dma_start3A_458] : memref<2x10240x128xf32, #tpu.memory_space<hbm>> -> memref<1x128x128xf32, #tpu.memory_space<hbm>>
      %dma_start3A_460 = tpu.memref_squeeze %dma_start3A_459 : memref<1x128x128xf32, #tpu.memory_space<hbm>> -> memref<128x128xf32, #tpu.memory_space<hbm>>
      %dma_start3A_461 = arith.constant 0 : i32
      %dma_start3A_462 = arith.constant 0 : i32
      %dma_start3A_463 = tpu.memref_slice %arg14[%dma_start3A_449, %dma_start3A_461, %dma_start3A_462] : memref<2x128x128xf32, #tpu.memory_space<vmem>> -> memref<1x128x128xf32, #tpu.memory_space<vmem>>
      %dma_start3A_464 = tpu.memref_squeeze %dma_start3A_463 : memref<1x128x128xf32, #tpu.memory_space<vmem>> -> memref<128x128xf32, #tpu.memory_space<vmem>>
      tpu.enqueue_dma source(%dma_start3A_464 : memref<128x128xf32, #tpu.memory_space<vmem>>) target(%dma_start3A_460 : memref<128x128xf32, #tpu.memory_space<hbm>>) target_semaphore(%arg17 : memref<!tpu.dma_semaphore, #tpu.memory_space<semaphore_mem>>)
      %dma_wait3A_465 = arith.constant 1 : i32
      %dma_wait3A_466 = arith.constant 0 : i32
      %dma_wait3A_467 = arith.constant 0 : i32
      %dma_wait3A_468 = arith.constant 0 : i32
      %dma_wait3A_469 = tpu.memref_slice %arg14[%dma_wait3A_465, %dma_wait3A_467, %dma_wait3A_468] : memref<2x128x128xf32, #tpu.memory_space<vmem>> -> memref<1x128x128xf32, #tpu.memory_space<vmem>>
      %dma_wait3A_470 = tpu.memref_squeeze %dma_wait3A_469 : memref<1x128x128xf32, #tpu.memory_space<vmem>> -> memref<128x128xf32, #tpu.memory_space<vmem>>
      %dma_wait3A_471 = arith.constant 0 : i32
      %dma_wait3A_472 = tpu.memref_slice %arg5[%dma_wait3A_466, %add3A_360, %dma_wait3A_471] : memref<2x10240x128xf32, #tpu.memory_space<hbm>> -> memref<1x128x128xf32, #tpu.memory_space<hbm>>
      %dma_wait3A_473 = tpu.memref_squeeze %dma_wait3A_472 : memref<1x128x128xf32, #tpu.memory_space<hbm>> -> memref<128x128xf32, #tpu.memory_space<hbm>>
      %dma_wait3A_474 = arith.constant 0 : i32
      %dma_wait3A_475 = tpu.memref_slice %arg5[%dma_wait3A_466, %add3A_360, %dma_wait3A_474] : memref<2x10240x128xf32, #tpu.memory_space<hbm>> -> memref<1x128x128xf32, #tpu.memory_space<hbm>>
      %dma_wait3A_476 = tpu.memref_squeeze %dma_wait3A_475 : memref<1x128x128xf32, #tpu.memory_space<hbm>> -> memref<128x128xf32, #tpu.memory_space<hbm>>
      %dma_wait3A_477 = arith.constant 0 : i32
      %dma_wait3A_478 = arith.constant 0 : i32
      %dma_wait3A_479 = tpu.memref_slice %arg14[%dma_wait3A_465, %dma_wait3A_477, %dma_wait3A_478] : memref<2x128x128xf32, #tpu.memory_space<vmem>> -> memref<1x128x128xf32, #tpu.memory_space<vmem>>
      %dma_wait3A_480 = tpu.memref_squeeze %dma_wait3A_479 : memref<1x128x128xf32, #tpu.memory_space<vmem>> -> memref<128x128xf32, #tpu.memory_space<vmem>>
      tpu.wait_dma2 semaphore(%arg18 : memref<!tpu.dma_semaphore, #tpu.memory_space<semaphore_mem>>) src(%dma_wait3A_480 : memref<128x128xf32, #tpu.memory_space<vmem>>) dst(%dma_wait3A_476 : memref<128x128xf32, #tpu.memory_space<hbm>>)
      %dma_wait3A_481 = arith.constant 0 : i32
      %dma_wait3A_482 = arith.constant 0 : i32
      %dma_wait3A_483 = arith.constant 0 : i32
      %dma_wait3A_484 = arith.constant 0 : i32
      %dma_wait3A_485 = tpu.memref_slice %arg14[%dma_wait3A_481, %dma_wait3A_483, %dma_wait3A_484] : memref<2x128x128xf32, #tpu.memory_space<vmem>> -> memref<1x128x128xf32, #tpu.memory_space<vmem>>
      %dma_wait3A_486 = tpu.memref_squeeze %dma_wait3A_485 : memref<1x128x128xf32, #tpu.memory_space<vmem>> -> memref<128x128xf32, #tpu.memory_space<vmem>>
      %dma_wait3A_487 = arith.constant 0 : i32
      %dma_wait3A_488 = tpu.memref_slice %arg5[%dma_wait3A_482, %add3A_422, %dma_wait3A_487] : memref<2x10240x128xf32, #tpu.memory_space<hbm>> -> memref<1x128x128xf32, #tpu.memory_space<hbm>>
      %dma_wait3A_489 = tpu.memref_squeeze %dma_wait3A_488 : memref<1x128x128xf32, #tpu.memory_space<hbm>> -> memref<128x128xf32, #tpu.memory_space<hbm>>
      %dma_wait3A_490 = arith.constant 0 : i32
      %dma_wait3A_491 = tpu.memref_slice %arg5[%dma_wait3A_482, %add3A_422, %dma_wait3A_490] : memref<2x10240x128xf32, #tpu.memory_space<hbm>> -> memref<1x128x128xf32, #tpu.memory_space<hbm>>
      %dma_wait3A_492 = tpu.memref_squeeze %dma_wait3A_491 : memref<1x128x128xf32, #tpu.memory_space<hbm>> -> memref<128x128xf32, #tpu.memory_space<hbm>>
      %dma_wait3A_493 = arith.constant 0 : i32
      %dma_wait3A_494 = arith.constant 0 : i32
      %dma_wait3A_495 = tpu.memref_slice %arg14[%dma_wait3A_481, %dma_wait3A_493, %dma_wait3A_494] : memref<2x128x128xf32, #tpu.memory_space<vmem>> -> memref<1x128x128xf32, #tpu.memory_space<vmem>>
      %dma_wait3A_496 = tpu.memref_squeeze %dma_wait3A_495 : memref<1x128x128xf32, #tpu.memory_space<vmem>> -> memref<128x128xf32, #tpu.memory_space<vmem>>
      tpu.wait_dma2 semaphore(%arg17 : memref<!tpu.dma_semaphore, #tpu.memory_space<semaphore_mem>>) src(%dma_wait3A_496 : memref<128x128xf32, #tpu.memory_space<vmem>>) dst(%dma_wait3A_492 : memref<128x128xf32, #tpu.memory_space<hbm>>)
    } else {
    }
    %eq3A_2 = arith.constant 1 : i32
    %eq3A_3 = arith.cmpi eq, %arg0, %eq3A_2 : i32
    %convert_element_type3A_4 = arith.extui %eq3A_3 : i1 to i32
    %cond3A_5 = arith.constant 0 : i32
    %cond3A_6 = arith.cmpi ne, %convert_element_type3A_4, %cond3A_5 : i32
    scf.if %cond3A_6 {
      %mul3A = arith.constant 20 : i32
      %mul3A_7 = arith.muli %arg1, %mul3A : i32
      %add3A = arith.constant 2240 : i32
      %add3A_8 = arith.addi %add3A, %mul3A_7 : i32
      %mul3A_9 = arith.constant 128 : i32
      %mul3A_10 = arith.muli %add3A_8, %mul3A_9 : i32
      %scan3A = arith.constant 0 : i32
      %scan3A_11 = arith.constant 1024 : i32
      %scan3A_12 = arith.addi %scan3A, %scan3A_11 : i32
      %scan3A_13 = arith.constant 1 : i32
      scf.for %scan3A_499 = %scan3A to %scan3A_12 step %scan3A_13  : i32 {
        %broadcast_in_dim3A = arith.constant 0.000000e+00 : f32
        %broadcast_in_dim3A_500 = vector.broadcast %broadcast_in_dim3A : f32 to vector<16xf32>
        %jit3A = arith.constant 8 : i32
        %div3A = arith.divsi %scan3A_499, %jit3A : i32
        %sign3A = arith.constant 0 : i32
        %sign3A_501 = arith.cmpi sgt, %scan3A_499, %sign3A : i32
        %sign3A_502 = arith.extui %sign3A_501 : i1 to i32
        %sign3A_503 = arith.constant 0 : i32
        %sign3A_504 = arith.cmpi slt, %scan3A_499, %sign3A_503 : i32
        %sign3A_505 = arith.extui %sign3A_504 : i1 to i32
        %sign3A_506 = arith.subi %sign3A_502, %sign3A_505 : i32
        %sign3A_507 = arith.constant 0 : i32
        %sign3A_508 = arith.cmpi sgt, %jit3A, %sign3A_507 : i32
        %sign3A_509 = arith.extui %sign3A_508 : i1 to i32
        %sign3A_510 = arith.constant 0 : i32
        %sign3A_511 = arith.cmpi slt, %jit3A, %sign3A_510 : i32
        %sign3A_512 = arith.extui %sign3A_511 : i1 to i32
        %sign3A_513 = arith.subi %sign3A_509, %sign3A_512 : i32
        %ne3A = arith.cmpi ne, %sign3A_506, %sign3A_513 : i32
        %rem3A = arith.remsi %scan3A_499, %jit3A : i32
        %ne3A_514 = arith.constant 0 : i32
        %ne3A_515 = arith.cmpi ne, %rem3A, %ne3A_514 : i32
        %and3A = arith.andi %ne3A, %ne3A_515 : i1
        %sub3A = arith.constant 1 : i32
        %sub3A_516 = arith.subi %div3A, %sub3A : i32
        %select_n3A = arith.select %and3A, %sub3A_516, %div3A : i32
        %jit3A_517 = arith.constant 8 : i32
        %eq3A_518 = arith.constant 0 : i32
        %eq3A_519 = arith.cmpi eq, %jit3A_517, %eq3A_518 : i32
        %jit3A_520 = arith.constant 1 : i32
        %select_n3A_521 = arith.select %eq3A_519, %jit3A_520, %jit3A_517 : i32
        %rem3A_522 = arith.remsi %scan3A_499, %select_n3A_521 : i32
        %ne3A_523 = arith.constant 0 : i32
        %ne3A_524 = arith.cmpi ne, %rem3A_522, %ne3A_523 : i32
        %lt3A = arith.constant 0 : i32
        %lt3A_525 = arith.cmpi slt, %rem3A_522, %lt3A : i32
        %lt3A_526 = arith.constant 0 : i32
        %lt3A_527 = arith.cmpi slt, %select_n3A_521, %lt3A_526 : i32
        %ne3A_528 = arith.xori %lt3A_525, %lt3A_527 : i1
        %and3A_529 = arith.andi %ne3A_528, %ne3A_524 : i1
        %add3A_530 = arith.addi %rem3A_522, %select_n3A_521 : i32
        %select_n3A_531 = arith.select %and3A_529, %add3A_530, %rem3A_522 : i32
        %mul3A_532 = arith.constant 16 : i32
        %mul3A_533 = arith.muli %select_n3A_531, %mul3A_532 : i32
        %swap3A = arith.constant 0 : i32
        %swap3A_534 = arith.index_cast %swap3A : i32 to index
        %swap3A_535 = arith.index_cast %select_n3A : i32 to index
        %swap3A_536 = arith.index_cast %mul3A_533 : i32 to index
        %swap3A_537 = tpu.vector_load %arg14[%swap3A_534, %swap3A_535, %swap3A_536] {strides = array<i32>} : memref<2x128x128xf32, #tpu.memory_space<vmem>>, vector<1x1x16xf32>,
        %swap3A_538 = vector.shape_cast %swap3A_537 : vector<1x1x16xf32> to vector<16xf32>
        %swap3A_539 = vector.shape_cast %broadcast_in_dim3A_500 : vector<16xf32> to vector<1x1x16xf32>
        tpu.vector_store %arg14[%swap3A_534, %swap3A_535, %swap3A_536], %swap3A_539 {strides = array<i32>} : memref<2x128x128xf32, #tpu.memory_space<vmem>>, vector<1x1x16xf32>,
      }
      %scan3A_14 = arith.constant 1024 : i32
      %mul3A_15 = arith.constant 640 : i32
      %mul3A_16 = arith.muli %arg1, %mul3A_15 : i32
      %add3A_17 = arith.constant 0 : i32
      %add3A_18 = arith.addi %mul3A_16, %add3A_17 : i32
      %dma_start3A = arith.constant 0 : i32
      %dma_start3A_19 = arith.constant 0 : i32
      %dma_start3A_20 = arith.constant 0 : i32
      %dma_start3A_21 = tpu.memref_slice %arg14[%dma_start3A, %dma_start3A_19, %dma_start3A_20] : memref<2x128x128xf32, #tpu.memory_space<vmem>> -> memref<1x128x128xf32, #tpu.memory_space<vmem>>
      %dma_start3A_22 = tpu.memref_squeeze %dma_start3A_21 : memref<1x128x128xf32, #tpu.memory_space<vmem>> -> memref<128x128xf32, #tpu.memory_space<vmem>>
      %dma_start3A_23 = arith.constant 0 : i32
      %dma_start3A_24 = tpu.memref_slice %arg20[%add3A_18, %dma_start3A_23] : memref<10240x128xf32, #tpu.memory_space<vmem_shared>> -> memref<128x128xf32, #tpu.memory_space<vmem_shared>>
      %dma_start3A_25 = arith.constant 0 : i32
      %dma_start3A_26 = tpu.memref_slice %arg20[%add3A_18, %dma_start3A_25] : memref<10240x128xf32, #tpu.memory_space<vmem_shared>> -> memref<128x128xf32, #tpu.memory_space<vmem_shared>>
      %dma_start3A_27 = arith.constant 0 : i32
      %dma_start3A_28 = arith.constant 0 : i32
      %dma_start3A_29 = tpu.memref_slice %arg14[%dma_start3A, %dma_start3A_27, %dma_start3A_28] : memref<2x128x128xf32, #tpu.memory_space<vmem>> -> memref<1x128x128xf32, #tpu.memory_space<vmem>>
      %dma_start3A_30 = tpu.memref_squeeze %dma_start3A_29 : memref<1x128x128xf32, #tpu.memory_space<vmem>> -> memref<128x128xf32, #tpu.memory_space<vmem>>
      tpu.enqueue_dma source(%dma_start3A_30 : memref<128x128xf32, #tpu.memory_space<vmem>>) target(%dma_start3A_26 : memref<128x128xf32, #tpu.memory_space<vmem_shared>>) target_semaphore(%arg19 : memref<!tpu.dma_semaphore, #tpu.memory_space<semaphore_mem>>)
      %mul3A_31 = arith.constant 640 : i32
      %mul3A_32 = arith.muli %arg1, %mul3A_31 : i32
      %add3A_33 = arith.constant 128 : i32
      %add3A_34 = arith.addi %mul3A_32, %add3A_33 : i32
      %dma_start3A_35 = arith.constant 0 : i32
      %dma_start3A_36 = arith.constant 0 : i32
      %dma_start3A_37 = arith.constant 0 : i32
      %dma_start3A_38 = tpu.memref_slice %arg14[%dma_start3A_35, %dma_start3A_36, %dma_start3A_37] : memref<2x128x128xf32, #tpu.memory_space<vmem>> -> memref<1x128x128xf32, #tpu.memory_space<vmem>>
      %dma_start3A_39 = tpu.memref_squeeze %dma_start3A_38 : memref<1x128x128xf32, #tpu.memory_space<vmem>> -> memref<128x128xf32, #tpu.memory_space<vmem>>
      %dma_start3A_40 = arith.constant 0 : i32
      %dma_start3A_41 = tpu.memref_slice %arg20[%add3A_34, %dma_start3A_40] : memref<10240x128xf32, #tpu.memory_space<vmem_shared>> -> memref<128x128xf32, #tpu.memory_space<vmem_shared>>
      %dma_start3A_42 = arith.constant 0 : i32
      %dma_start3A_43 = tpu.memref_slice %arg20[%add3A_34, %dma_start3A_42] : memref<10240x128xf32, #tpu.memory_space<vmem_shared>> -> memref<128x128xf32, #tpu.memory_space<vmem_shared>>
      %dma_start3A_44 = arith.constant 0 : i32
      %dma_start3A_45 = arith.constant 0 : i32
      %dma_start3A_46 = tpu.memref_slice %arg14[%dma_start3A_35, %dma_start3A_44, %dma_start3A_45] : memref<2x128x128xf32, #tpu.memory_space<vmem>> -> memref<1x128x128xf32, #tpu.memory_space<vmem>>
      %dma_start3A_47 = tpu.memref_squeeze %dma_start3A_46 : memref<1x128x128xf32, #tpu.memory_space<vmem>> -> memref<128x128xf32, #tpu.memory_space<vmem>>
      tpu.enqueue_dma source(%dma_start3A_47 : memref<128x128xf32, #tpu.memory_space<vmem>>) target(%dma_start3A_43 : memref<128x128xf32, #tpu.memory_space<vmem_shared>>) target_semaphore(%arg19 : memref<!tpu.dma_semaphore, #tpu.memory_space<semaphore_mem>>)
      %mul3A_48 = arith.constant 640 : i32
      %mul3A_49 = arith.muli %arg1, %mul3A_48 : i32
      %add3A_50 = arith.constant 256 : i32
      %add3A_51 = arith.addi %mul3A_49, %add3A_50 : i32
      %dma_start3A_52 = arith.constant 0 : i32
      %dma_start3A_53 = arith.constant 0 : i32
      %dma_start3A_54 = arith.constant 0 : i32
      %dma_start3A_55 = tpu.memref_slice %arg14[%dma_start3A_52, %dma_start3A_53, %dma_start3A_54] : memref<2x128x128xf32, #tpu.memory_space<vmem>> -> memref<1x128x128xf32, #tpu.memory_space<vmem>>
      %dma_start3A_56 = tpu.memref_squeeze %dma_start3A_55 : memref<1x128x128xf32, #tpu.memory_space<vmem>> -> memref<128x128xf32, #tpu.memory_space<vmem>>
      %dma_start3A_57 = arith.constant 0 : i32
      %dma_start3A_58 = tpu.memref_slice %arg20[%add3A_51, %dma_start3A_57] : memref<10240x128xf32, #tpu.memory_space<vmem_shared>> -> memref<128x128xf32, #tpu.memory_space<vmem_shared>>
      %dma_start3A_59 = arith.constant 0 : i32
      %dma_start3A_60 = tpu.memref_slice %arg20[%add3A_51, %dma_start3A_59] : memref<10240x128xf32, #tpu.memory_space<vmem_shared>> -> memref<128x128xf32, #tpu.memory_space<vmem_shared>>
      %dma_start3A_61 = arith.constant 0 : i32
      %dma_start3A_62 = arith.constant 0 : i32
      %dma_start3A_63 = tpu.memref_slice %arg14[%dma_start3A_52, %dma_start3A_61, %dma_start3A_62] : memref<2x128x128xf32, #tpu.memory_space<vmem>> -> memref<1x128x128xf32, #tpu.memory_space<vmem>>
      %dma_start3A_64 = tpu.memref_squeeze %dma_start3A_63 : memref<1x128x128xf32, #tpu.memory_space<vmem>> -> memref<128x128xf32, #tpu.memory_space<vmem>>
      tpu.enqueue_dma source(%dma_start3A_64 : memref<128x128xf32, #tpu.memory_space<vmem>>) target(%dma_start3A_60 : memref<128x128xf32, #tpu.memory_space<vmem_shared>>) target_semaphore(%arg19 : memref<!tpu.dma_semaphore, #tpu.memory_space<semaphore_mem>>)
      %mul3A_65 = arith.constant 640 : i32
      %mul3A_66 = arith.muli %arg1, %mul3A_65 : i32
      %add3A_67 = arith.constant 384 : i32
      %add3A_68 = arith.addi %mul3A_66, %add3A_67 : i32
      %dma_start3A_69 = arith.constant 0 : i32
      %dma_start3A_70 = arith.constant 0 : i32
      %dma_start3A_71 = arith.constant 0 : i32
      %dma_start3A_72 = tpu.memref_slice %arg14[%dma_start3A_69, %dma_start3A_70, %dma_start3A_71] : memref<2x128x128xf32, #tpu.memory_space<vmem>> -> memref<1x128x128xf32, #tpu.memory_space<vmem>>
      %dma_start3A_73 = tpu.memref_squeeze %dma_start3A_72 : memref<1x128x128xf32, #tpu.memory_space<vmem>> -> memref<128x128xf32, #tpu.memory_space<vmem>>
      %dma_start3A_74 = arith.constant 0 : i32
      %dma_start3A_75 = tpu.memref_slice %arg20[%add3A_68, %dma_start3A_74] : memref<10240x128xf32, #tpu.memory_space<vmem_shared>> -> memref<128x128xf32, #tpu.memory_space<vmem_shared>>
      %dma_start3A_76 = arith.constant 0 : i32
      %dma_start3A_77 = tpu.memref_slice %arg20[%add3A_68, %dma_start3A_76] : memref<10240x128xf32, #tpu.memory_space<vmem_shared>> -> memref<128x128xf32, #tpu.memory_space<vmem_shared>>
      %dma_start3A_78 = arith.constant 0 : i32
      %dma_start3A_79 = arith.constant 0 : i32
      %dma_start3A_80 = tpu.memref_slice %arg14[%dma_start3A_69, %dma_start3A_78, %dma_start3A_79] : memref<2x128x128xf32, #tpu.memory_space<vmem>> -> memref<1x128x128xf32, #tpu.memory_space<vmem>>
      %dma_start3A_81 = tpu.memref_squeeze %dma_start3A_80 : memref<1x128x128xf32, #tpu.memory_space<vmem>> -> memref<128x128xf32, #tpu.memory_space<vmem>>
      tpu.enqueue_dma source(%dma_start3A_81 : memref<128x128xf32, #tpu.memory_space<vmem>>) target(%dma_start3A_77 : memref<128x128xf32, #tpu.memory_space<vmem_shared>>) target_semaphore(%arg19 : memref<!tpu.dma_semaphore, #tpu.memory_space<semaphore_mem>>)
      %mul3A_82 = arith.constant 640 : i32
      %mul3A_83 = arith.muli %arg1, %mul3A_82 : i32
      %add3A_84 = arith.constant 512 : i32
      %add3A_85 = arith.addi %mul3A_83, %add3A_84 : i32
      %dma_start3A_86 = arith.constant 0 : i32
      %dma_start3A_87 = arith.constant 0 : i32
      %dma_start3A_88 = arith.constant 0 : i32
      %dma_start3A_89 = tpu.memref_slice %arg14[%dma_start3A_86, %dma_start3A_87, %dma_start3A_88] : memref<2x128x128xf32, #tpu.memory_space<vmem>> -> memref<1x128x128xf32, #tpu.memory_space<vmem>>
      %dma_start3A_90 = tpu.memref_squeeze %dma_start3A_89 : memref<1x128x128xf32, #tpu.memory_space<vmem>> -> memref<128x128xf32, #tpu.memory_space<vmem>>
      %dma_start3A_91 = arith.constant 0 : i32
      %dma_start3A_92 = tpu.memref_slice %arg20[%add3A_85, %dma_start3A_91] : memref<10240x128xf32, #tpu.memory_space<vmem_shared>> -> memref<128x128xf32, #tpu.memory_space<vmem_shared>>
      %dma_start3A_93 = arith.constant 0 : i32
      %dma_start3A_94 = tpu.memref_slice %arg20[%add3A_85, %dma_start3A_93] : memref<10240x128xf32, #tpu.memory_space<vmem_shared>> -> memref<128x128xf32, #tpu.memory_space<vmem_shared>>
      %dma_start3A_95 = arith.constant 0 : i32
      %dma_start3A_96 = arith.constant 0 : i32
      %dma_start3A_97 = tpu.memref_slice %arg14[%dma_start3A_86, %dma_start3A_95, %dma_start3A_96] : memref<2x128x128xf32, #tpu.memory_space<vmem>> -> memref<1x128x128xf32, #tpu.memory_space<vmem>>
      %dma_start3A_98 = tpu.memref_squeeze %dma_start3A_97 : memref<1x128x128xf32, #tpu.memory_space<vmem>> -> memref<128x128xf32, #tpu.memory_space<vmem>>
      tpu.enqueue_dma source(%dma_start3A_98 : memref<128x128xf32, #tpu.memory_space<vmem>>) target(%dma_start3A_94 : memref<128x128xf32, #tpu.memory_space<vmem_shared>>) target_semaphore(%arg19 : memref<!tpu.dma_semaphore, #tpu.memory_space<semaphore_mem>>)
      %dma_wait3A = arith.constant 0 : i32
      %dma_wait3A_99 = arith.constant 0 : i32
      %dma_wait3A_100 = arith.constant 0 : i32
      %dma_wait3A_101 = tpu.memref_slice %arg14[%dma_wait3A, %dma_wait3A_99, %dma_wait3A_100] : memref<2x128x128xf32, #tpu.memory_space<vmem>> -> memref<1x128x128xf32, #tpu.memory_space<vmem>>
      %dma_wait3A_102 = tpu.memref_squeeze %dma_wait3A_101 : memref<1x128x128xf32, #tpu.memory_space<vmem>> -> memref<128x128xf32, #tpu.memory_space<vmem>>
      %dma_wait3A_103 = arith.constant 0 : i32
      %dma_wait3A_104 = tpu.memref_slice %arg20[%add3A_18, %dma_wait3A_103] : memref<10240x128xf32, #tpu.memory_space<vmem_shared>> -> memref<128x128xf32, #tpu.memory_space<vmem_shared>>
      %dma_wait3A_105 = arith.constant 0 : i32
      %dma_wait3A_106 = tpu.memref_slice %arg20[%add3A_18, %dma_wait3A_105] : memref<10240x128xf32, #tpu.memory_space<vmem_shared>> -> memref<128x128xf32, #tpu.memory_space<vmem_shared>>
      %dma_wait3A_107 = arith.constant 0 : i32
      %dma_wait3A_108 = arith.constant 0 : i32
      %dma_wait3A_109 = tpu.memref_slice %arg14[%dma_wait3A, %dma_wait3A_107, %dma_wait3A_108] : memref<2x128x128xf32, #tpu.memory_space<vmem>> -> memref<1x128x128xf32, #tpu.memory_space<vmem>>
      %dma_wait3A_110 = tpu.memref_squeeze %dma_wait3A_109 : memref<1x128x128xf32, #tpu.memory_space<vmem>> -> memref<128x128xf32, #tpu.memory_space<vmem>>
      tpu.wait_dma2 semaphore(%arg19 : memref<!tpu.dma_semaphore, #tpu.memory_space<semaphore_mem>>) src(%dma_wait3A_110 : memref<128x128xf32, #tpu.memory_space<vmem>>) dst(%dma_wait3A_106 : memref<128x128xf32, #tpu.memory_space<vmem_shared>>)
      %dma_wait3A_111 = arith.constant 0 : i32
      %dma_wait3A_112 = arith.constant 0 : i32
      %dma_wait3A_113 = arith.constant 0 : i32
      %dma_wait3A_114 = tpu.memref_slice %arg14[%dma_wait3A_111, %dma_wait3A_112, %dma_wait3A_113] : memref<2x128x128xf32, #tpu.memory_space<vmem>> -> memref<1x128x128xf32, #tpu.memory_space<vmem>>
      %dma_wait3A_115 = tpu.memref_squeeze %dma_wait3A_114 : memref<1x128x128xf32, #tpu.memory_space<vmem>> -> memref<128x128xf32, #tpu.memory_space<vmem>>
      %dma_wait3A_116 = arith.constant 0 : i32
      %dma_wait3A_117 = tpu.memref_slice %arg20[%add3A_34, %dma_wait3A_116] : memref<10240x128xf32, #tpu.memory_space<vmem_shared>> -> memref<128x128xf32, #tpu.memory_space<vmem_shared>>
      %dma_wait3A_118 = arith.constant 0 : i32
      %dma_wait3A_119 = tpu.memref_slice %arg20[%add3A_34, %dma_wait3A_118] : memref<10240x128xf32, #tpu.memory_space<vmem_shared>> -> memref<128x128xf32, #tpu.memory_space<vmem_shared>>
      %dma_wait3A_120 = arith.constant 0 : i32
      %dma_wait3A_121 = arith.constant 0 : i32
      %dma_wait3A_122 = tpu.memref_slice %arg14[%dma_wait3A_111, %dma_wait3A_120, %dma_wait3A_121] : memref<2x128x128xf32, #tpu.memory_space<vmem>> -> memref<1x128x128xf32, #tpu.memory_space<vmem>>
      %dma_wait3A_123 = tpu.memref_squeeze %dma_wait3A_122 : memref<1x128x128xf32, #tpu.memory_space<vmem>> -> memref<128x128xf32, #tpu.memory_space<vmem>>
      tpu.wait_dma2 semaphore(%arg19 : memref<!tpu.dma_semaphore, #tpu.memory_space<semaphore_mem>>) src(%dma_wait3A_123 : memref<128x128xf32, #tpu.memory_space<vmem>>) dst(%dma_wait3A_119 : memref<128x128xf32, #tpu.memory_space<vmem_shared>>)
      %dma_wait3A_124 = arith.constant 0 : i32
      %dma_wait3A_125 = arith.constant 0 : i32
      %dma_wait3A_126 = arith.constant 0 : i32
      %dma_wait3A_127 = tpu.memref_slice %arg14[%dma_wait3A_124, %dma_wait3A_125, %dma_wait3A_126] : memref<2x128x128xf32, #tpu.memory_space<vmem>> -> memref<1x128x128xf32, #tpu.memory_space<vmem>>
      %dma_wait3A_128 = tpu.memref_squeeze %dma_wait3A_127 : memref<1x128x128xf32, #tpu.memory_space<vmem>> -> memref<128x128xf32, #tpu.memory_space<vmem>>
      %dma_wait3A_129 = arith.constant 0 : i32
      %dma_wait3A_130 = tpu.memref_slice %arg20[%add3A_51, %dma_wait3A_129] : memref<10240x128xf32, #tpu.memory_space<vmem_shared>> -> memref<128x128xf32, #tpu.memory_space<vmem_shared>>
      %dma_wait3A_131 = arith.constant 0 : i32
      %dma_wait3A_132 = tpu.memref_slice %arg20[%add3A_51, %dma_wait3A_131] : memref<10240x128xf32, #tpu.memory_space<vmem_shared>> -> memref<128x128xf32, #tpu.memory_space<vmem_shared>>
      %dma_wait3A_133 = arith.constant 0 : i32
      %dma_wait3A_134 = arith.constant 0 : i32
      %dma_wait3A_135 = tpu.memref_slice %arg14[%dma_wait3A_124, %dma_wait3A_133, %dma_wait3A_134] : memref<2x128x128xf32, #tpu.memory_space<vmem>> -> memref<1x128x128xf32, #tpu.memory_space<vmem>>
      %dma_wait3A_136 = tpu.memref_squeeze %dma_wait3A_135 : memref<1x128x128xf32, #tpu.memory_space<vmem>> -> memref<128x128xf32, #tpu.memory_space<vmem>>
      tpu.wait_dma2 semaphore(%arg19 : memref<!tpu.dma_semaphore, #tpu.memory_space<semaphore_mem>>) src(%dma_wait3A_136 : memref<128x128xf32, #tpu.memory_space<vmem>>) dst(%dma_wait3A_132 : memref<128x128xf32, #tpu.memory_space<vmem_shared>>)
      %dma_wait3A_137 = arith.constant 0 : i32
      %dma_wait3A_138 = arith.constant 0 : i32
      %dma_wait3A_139 = arith.constant 0 : i32
      %dma_wait3A_140 = tpu.memref_slice %arg14[%dma_wait3A_137, %dma_wait3A_138, %dma_wait3A_139] : memref<2x128x128xf32, #tpu.memory_space<vmem>> -> memref<1x128x128xf32, #tpu.memory_space<vmem>>
      %dma_wait3A_141 = tpu.memref_squeeze %dma_wait3A_140 : memref<1x128x128xf32, #tpu.memory_space<vmem>> -> memref<128x128xf32, #tpu.memory_space<vmem>>
      %dma_wait3A_142 = arith.constant 0 : i32
      %dma_wait3A_143 = tpu.memref_slice %arg20[%add3A_68, %dma_wait3A_142] : memref<10240x128xf32, #tpu.memory_space<vmem_shared>> -> memref<128x128xf32, #tpu.memory_space<vmem_shared>>
      %dma_wait3A_144 = arith.constant 0 : i32
      %dma_wait3A_145 = tpu.memref_slice %arg20[%add3A_68, %dma_wait3A_144] : memref<10240x128xf32, #tpu.memory_space<vmem_shared>> -> memref<128x128xf32, #tpu.memory_space<vmem_shared>>
      %dma_wait3A_146 = arith.constant 0 : i32
      %dma_wait3A_147 = arith.constant 0 : i32
      %dma_wait3A_148 = tpu.memref_slice %arg14[%dma_wait3A_137, %dma_wait3A_146, %dma_wait3A_147] : memref<2x128x128xf32, #tpu.memory_space<vmem>> -> memref<1x128x128xf32, #tpu.memory_space<vmem>>
      %dma_wait3A_149 = tpu.memref_squeeze %dma_wait3A_148 : memref<1x128x128xf32, #tpu.memory_space<vmem>> -> memref<128x128xf32, #tpu.memory_space<vmem>>
      tpu.wait_dma2 semaphore(%arg19 : memref<!tpu.dma_semaphore, #tpu.memory_space<semaphore_mem>>) src(%dma_wait3A_149 : memref<128x128xf32, #tpu.memory_space<vmem>>) dst(%dma_wait3A_145 : memref<128x128xf32, #tpu.memory_space<vmem_shared>>)
      %dma_wait3A_150 = arith.constant 0 : i32
      %dma_wait3A_151 = arith.constant 0 : i32
      %dma_wait3A_152 = arith.constant 0 : i32
      %dma_wait3A_153 = tpu.memref_slice %arg14[%dma_wait3A_150, %dma_wait3A_151, %dma_wait3A_152] : memref<2x128x128xf32, #tpu.memory_space<vmem>> -> memref<1x128x128xf32, #tpu.memory_space<vmem>>
      %dma_wait3A_154 = tpu.memref_squeeze %dma_wait3A_153 : memref<1x128x128xf32, #tpu.memory_space<vmem>> -> memref<128x128xf32, #tpu.memory_space<vmem>>
      %dma_wait3A_155 = arith.constant 0 : i32
      %dma_wait3A_156 = tpu.memref_slice %arg20[%add3A_85, %dma_wait3A_155] : memref<10240x128xf32, #tpu.memory_space<vmem_shared>> -> memref<128x128xf32, #tpu.memory_space<vmem_shared>>
      %dma_wait3A_157 = arith.constant 0 : i32
      %dma_wait3A_158 = tpu.memref_slice %arg20[%add3A_85, %dma_wait3A_157] : memref<10240x128xf32, #tpu.memory_space<vmem_shared>> -> memref<128x128xf32, #tpu.memory_space<vmem_shared>>
      %dma_wait3A_159 = arith.constant 0 : i32
      %dma_wait3A_160 = arith.constant 0 : i32
      %dma_wait3A_161 = tpu.memref_slice %arg14[%dma_wait3A_150, %dma_wait3A_159, %dma_wait3A_160] : memref<2x128x128xf32, #tpu.memory_space<vmem>> -> memref<1x128x128xf32, #tpu.memory_space<vmem>>
      %dma_wait3A_162 = tpu.memref_squeeze %dma_wait3A_161 : memref<1x128x128xf32, #tpu.memory_space<vmem>> -> memref<128x128xf32, #tpu.memory_space<vmem>>
      tpu.wait_dma2 semaphore(%arg19 : memref<!tpu.dma_semaphore, #tpu.memory_space<semaphore_mem>>) src(%dma_wait3A_162 : memref<128x128xf32, #tpu.memory_space<vmem>>) dst(%dma_wait3A_158 : memref<128x128xf32, #tpu.memory_space<vmem_shared>>)
      %barrier3A = arith.constant 0 : index
      tpu.barrier barrier_id(%barrier3A)
      %dma_start3A_163 = tpu.memref_slice %arg2[%mul3A_10] : memref<327936xi32, #tpu.memory_space<hbm>> -> memref<128xi32, #tpu.memory_space<hbm>>
      %dma_start3A_164 = tpu.memref_slice %arg2[%mul3A_10] : memref<327936xi32, #tpu.memory_space<hbm>> -> memref<128xi32, #tpu.memory_space<hbm>>
      tpu.enqueue_dma source(%dma_start3A_164 : memref<128xi32, #tpu.memory_space<hbm>>) target(%arg6 : memref<128xi32, #tpu.memory_space<vmem>>) target_semaphore(%arg19 : memref<!tpu.dma_semaphore, #tpu.memory_space<semaphore_mem>>)
      %dma_start3A_165 = tpu.memref_slice %arg3[%mul3A_10] : memref<327936xi32, #tpu.memory_space<hbm>> -> memref<128xi32, #tpu.memory_space<hbm>>
      %dma_start3A_166 = tpu.memref_slice %arg3[%mul3A_10] : memref<327936xi32, #tpu.memory_space<hbm>> -> memref<128xi32, #tpu.memory_space<hbm>>
      tpu.enqueue_dma source(%dma_start3A_166 : memref<128xi32, #tpu.memory_space<hbm>>) target(%arg10 : memref<128xi32, #tpu.memory_space<vmem>>) target_semaphore(%arg19 : memref<!tpu.dma_semaphore, #tpu.memory_space<semaphore_mem>>)
      %add3A_167 = arith.constant 128 : i32
      %add3A_168 = arith.addi %mul3A_10, %add3A_167 : i32
      %dma_start3A_169 = tpu.memref_slice %arg2[%add3A_168] : memref<327936xi32, #tpu.memory_space<hbm>> -> memref<128xi32, #tpu.memory_space<hbm>>
      %dma_start3A_170 = tpu.memref_slice %arg2[%add3A_168] : memref<327936xi32, #tpu.memory_space<hbm>> -> memref<128xi32, #tpu.memory_space<hbm>>
      tpu.enqueue_dma source(%dma_start3A_170 : memref<128xi32, #tpu.memory_space<hbm>>) target(%arg7 : memref<128xi32, #tpu.memory_space<vmem>>) target_semaphore(%arg19 : memref<!tpu.dma_semaphore, #tpu.memory_space<semaphore_mem>>)
      %add3A_171 = arith.constant 128 : i32
      %add3A_172 = arith.addi %mul3A_10, %add3A_171 : i32
      %dma_start3A_173 = tpu.memref_slice %arg3[%add3A_172] : memref<327936xi32, #tpu.memory_space<hbm>> -> memref<128xi32, #tpu.memory_space<hbm>>
      %dma_start3A_174 = tpu.memref_slice %arg3[%add3A_172] : memref<327936xi32, #tpu.memory_space<hbm>> -> memref<128xi32, #tpu.memory_space<hbm>>
      tpu.enqueue_dma source(%dma_start3A_174 : memref<128xi32, #tpu.memory_space<hbm>>) target(%arg11 : memref<128xi32, #tpu.memory_space<vmem>>) target_semaphore(%arg19 : memref<!tpu.dma_semaphore, #tpu.memory_space<semaphore_mem>>)
      %scan3A_175 = arith.constant 0 : i32
      %scan3A_176 = arith.constant 5 : i32
      %scan3A_177 = arith.addi %scan3A_175, %scan3A_176 : i32
      %scan3A_178 = arith.constant 1 : i32
      scf.for %scan3A_499 = %scan3A_175 to %scan3A_177 step %scan3A_178  : i32 {
        %mul3A_500 = arith.constant 4 : i32
        %mul3A_501 = arith.muli %scan3A_499, %mul3A_500 : i32
        %add3A_502 = arith.constant 0 : i32
        %add3A_503 = arith.addi %mul3A_501, %add3A_502 : i32
        %dma_wait3A_504 = tpu.memref_slice %arg2[%mul3A_10] : memref<327936xi32, #tpu.memory_space<hbm>> -> memref<128xi32, #tpu.memory_space<hbm>>
        %dma_wait3A_505 = tpu.memref_slice %arg2[%mul3A_10] : memref<327936xi32, #tpu.memory_space<hbm>> -> memref<128xi32, #tpu.memory_space<hbm>>
        tpu.wait_dma2 semaphore(%arg19 : memref<!tpu.dma_semaphore, #tpu.memory_space<semaphore_mem>>) src(%dma_wait3A_505 : memref<128xi32, #tpu.memory_space<hbm>>) dst(%arg6 : memref<128xi32, #tpu.memory_space<vmem>>)
        %dma_wait3A_506 = tpu.memref_slice %arg2[%mul3A_10] : memref<327936xi32, #tpu.memory_space<hbm>> -> memref<128xi32, #tpu.memory_space<hbm>>
        %dma_wait3A_507 = tpu.memref_slice %arg2[%mul3A_10] : memref<327936xi32, #tpu.memory_space<hbm>> -> memref<128xi32, #tpu.memory_space<hbm>>
        tpu.wait_dma2 semaphore(%arg19 : memref<!tpu.dma_semaphore, #tpu.memory_space<semaphore_mem>>) src(%dma_wait3A_507 : memref<128xi32, #tpu.memory_space<hbm>>) dst(%arg6 : memref<128xi32, #tpu.memory_space<vmem>>)
        %dma_wait3A_508 = tpu.memref_slice %arg2[%mul3A_10] : memref<327936xi32, #tpu.memory_space<hbm>> -> memref<128xi32, #tpu.memory_space<hbm>>
        %dma_wait3A_509 = tpu.memref_slice %arg2[%mul3A_10] : memref<327936xi32, #tpu.memory_space<hbm>> -> memref<128xi32, #tpu.memory_space<hbm>>
        tpu.wait_dma2 semaphore(%arg19 : memref<!tpu.dma_semaphore, #tpu.memory_space<semaphore_mem>>) src(%dma_wait3A_509 : memref<128xi32, #tpu.memory_space<hbm>>) dst(%arg6 : memref<128xi32, #tpu.memory_space<vmem>>)
        %dma_wait3A_510 = tpu.memref_slice %arg2[%mul3A_10] : memref<327936xi32, #tpu.memory_space<hbm>> -> memref<128xi32, #tpu.memory_space<hbm>>
        %dma_wait3A_511 = tpu.memref_slice %arg2[%mul3A_10] : memref<327936xi32, #tpu.memory_space<hbm>> -> memref<128xi32, #tpu.memory_space<hbm>>
        tpu.wait_dma2 semaphore(%arg19 : memref<!tpu.dma_semaphore, #tpu.memory_space<semaphore_mem>>) src(%dma_wait3A_511 : memref<128xi32, #tpu.memory_space<hbm>>) dst(%arg6 : memref<128xi32, #tpu.memory_space<vmem>>)
        %dma_start3A_512 = arith.constant 0 : i32
        %dma_start3A_513 = arith.constant 0 : i32
        %dma_start3A_514 = arith.constant 0 : i32
        %dma_start3A_515 = tpu.memref_slice %arg14[%dma_start3A_512, %dma_start3A_513, %dma_start3A_514] : memref<2x128x128xf32, #tpu.memory_space<vmem>> -> memref<1x128x128xf32, #tpu.memory_space<vmem>>
        %dma_start3A_516 = tpu.memref_squeeze %dma_start3A_515 : memref<1x128x128xf32, #tpu.memory_space<vmem>> -> memref<128x128xf32, #tpu.memory_space<vmem>>
        %dma_start3A_517 = arith.constant 0 : i32
        %dma_start3A_518 = arith.constant 0 : i32
        %dma_start3A_519 = tpu.memref_slice %arg4[%dma_start3A_517, %dma_start3A_518] : memref<10000x128xf32, #tpu.memory_space<hbm>> -> memref<10000x128xf32, #tpu.memory_space<hbm>>
        tpu.enqueue_indirect_dma source(%dma_start3A_519 : memref<10000x128xf32, #tpu.memory_space<hbm>>) target(%dma_start3A_516 : memref<128x128xf32, #tpu.memory_space<vmem>>) offsets(%arg6 : memref<128xi32, #tpu.memory_space<vmem>>) semaphore(%arg15 : memref<!tpu.dma_semaphore, #tpu.memory_space<semaphore_mem>>)
        %dma_start3A_520 = arith.constant 1 : i32
        %dma_start3A_521 = arith.constant 0 : i32
        %dma_start3A_522 = arith.constant 0 : i32
        %dma_start3A_523 = tpu.memref_slice %arg14[%dma_start3A_520, %dma_start3A_521, %dma_start3A_522] : memref<2x128x128xf32, #tpu.memory_space<vmem>> -> memref<1x128x128xf32, #tpu.memory_space<vmem>>
        %dma_start3A_524 = tpu.memref_squeeze %dma_start3A_523 : memref<1x128x128xf32, #tpu.memory_space<vmem>> -> memref<128x128xf32, #tpu.memory_space<vmem>>
        %dma_start3A_525 = arith.constant 0 : i32
        %dma_start3A_526 = arith.constant 0 : i32
        %dma_start3A_527 = tpu.memref_slice %arg4[%dma_start3A_525, %dma_start3A_526] : memref<10000x128xf32, #tpu.memory_space<hbm>> -> memref<10000x128xf32, #tpu.memory_space<hbm>>
        tpu.enqueue_indirect_dma source(%dma_start3A_527 : memref<10000x128xf32, #tpu.memory_space<hbm>>) target(%dma_start3A_524 : memref<128x128xf32, #tpu.memory_space<vmem>>) offsets(%arg7 : memref<128xi32, #tpu.memory_space<vmem>>) semaphore(%arg16 : memref<!tpu.dma_semaphore, #tpu.memory_space<semaphore_mem>>)
        %add3A_528 = arith.constant 2 : i32
        %add3A_529 = arith.addi %add3A_503, %add3A_528 : i32
        %mul3A_530 = arith.constant 128 : i32
        %mul3A_531 = arith.muli %add3A_529, %mul3A_530 : i32
        %add3A_532 = arith.addi %mul3A_10, %mul3A_531 : i32
        %add3A_533 = arith.constant 3 : i32
        %add3A_534 = arith.addi %add3A_503, %add3A_533 : i32
        %mul3A_535 = arith.constant 128 : i32
        %mul3A_536 = arith.muli %add3A_534, %mul3A_535 : i32
        %add3A_537 = arith.addi %mul3A_10, %mul3A_536 : i32
        %dma_start3A_538 = tpu.memref_slice %arg2[%add3A_532] : memref<327936xi32, #tpu.memory_space<hbm>> -> memref<128xi32, #tpu.memory_space<hbm>>
        %dma_start3A_539 = tpu.memref_slice %arg2[%add3A_532] : memref<327936xi32, #tpu.memory_space<hbm>> -> memref<128xi32, #tpu.memory_space<hbm>>
        tpu.enqueue_dma source(%dma_start3A_539 : memref<128xi32, #tpu.memory_space<hbm>>) target(%arg8 : memref<128xi32, #tpu.memory_space<vmem>>) target_semaphore(%arg19 : memref<!tpu.dma_semaphore, #tpu.memory_space<semaphore_mem>>)
        %dma_start3A_540 = tpu.memref_slice %arg3[%add3A_532] : memref<327936xi32, #tpu.memory_space<hbm>> -> memref<128xi32, #tpu.memory_space<hbm>>
        %dma_start3A_541 = tpu.memref_slice %arg3[%add3A_532] : memref<327936xi32, #tpu.memory_space<hbm>> -> memref<128xi32, #tpu.memory_space<hbm>>
        tpu.enqueue_dma source(%dma_start3A_541 : memref<128xi32, #tpu.memory_space<hbm>>) target(%arg12 : memref<128xi32, #tpu.memory_space<vmem>>) target_semaphore(%arg19 : memref<!tpu.dma_semaphore, #tpu.memory_space<semaphore_mem>>)
        %dma_start3A_542 = tpu.memref_slice %arg2[%add3A_537] : memref<327936xi32, #tpu.memory_space<hbm>> -> memref<128xi32, #tpu.memory_space<hbm>>
        %dma_start3A_543 = tpu.memref_slice %arg2[%add3A_537] : memref<327936xi32, #tpu.memory_space<hbm>> -> memref<128xi32, #tpu.memory_space<hbm>>
        tpu.enqueue_dma source(%dma_start3A_543 : memref<128xi32, #tpu.memory_space<hbm>>) target(%arg9 : memref<128xi32, #tpu.memory_space<vmem>>) target_semaphore(%arg19 : memref<!tpu.dma_semaphore, #tpu.memory_space<semaphore_mem>>)
        %dma_start3A_544 = tpu.memref_slice %arg3[%add3A_537] : memref<327936xi32, #tpu.memory_space<hbm>> -> memref<128xi32, #tpu.memory_space<hbm>>
        %dma_start3A_545 = tpu.memref_slice %arg3[%add3A_537] : memref<327936xi32, #tpu.memory_space<hbm>> -> memref<128xi32, #tpu.memory_space<hbm>>
        tpu.enqueue_dma source(%dma_start3A_545 : memref<128xi32, #tpu.memory_space<hbm>>) target(%arg13 : memref<128xi32, #tpu.memory_space<vmem>>) target_semaphore(%arg19 : memref<!tpu.dma_semaphore, #tpu.memory_space<semaphore_mem>>)
        %dma_wait3A_546 = arith.constant 0 : i32
        %dma_wait3A_547 = arith.constant 0 : i32
        %dma_wait3A_548 = arith.constant 0 : i32
        %dma_wait3A_549 = tpu.memref_slice %arg14[%dma_wait3A_546, %dma_wait3A_547, %dma_wait3A_548] : memref<2x128x128xf32, #tpu.memory_space<vmem>> -> memref<1x128x128xf32, #tpu.memory_space<vmem>>
        %dma_wait3A_550 = tpu.memref_squeeze %dma_wait3A_549 : memref<1x128x128xf32, #tpu.memory_space<vmem>> -> memref<128x128xf32, #tpu.memory_space<vmem>>
        %dma_wait3A_551 = arith.constant 0 : i32
        %dma_wait3A_552 = arith.constant 0 : i32
        %dma_wait3A_553 = tpu.memref_slice %arg4[%dma_wait3A_551, %dma_wait3A_552] : memref<10000x128xf32, #tpu.memory_space<hbm>> -> memref<10000x128xf32, #tpu.memory_space<hbm>>
        tpu.wait_indirect_dma semaphore(%arg15 : memref<!tpu.dma_semaphore, #tpu.memory_space<semaphore_mem>>) src(%dma_wait3A_553 : memref<10000x128xf32, #tpu.memory_space<hbm>>) dst(%dma_wait3A_550 : memref<128x128xf32, #tpu.memory_space<vmem>>)
        %dma_start3A_554 = arith.constant 0 : i32
        %dma_start3A_555 = arith.constant 0 : i32
        %dma_start3A_556 = arith.constant 0 : i32
        %dma_start3A_557 = tpu.memref_slice %arg14[%dma_start3A_554, %dma_start3A_555, %dma_start3A_556] : memref<2x128x128xf32, #tpu.memory_space<vmem>> -> memref<1x128x128xf32, #tpu.memory_space<vmem>>
        %dma_start3A_558 = tpu.memref_squeeze %dma_start3A_557 : memref<1x128x128xf32, #tpu.memory_space<vmem>> -> memref<128x128xf32, #tpu.memory_space<vmem>>
        %dma_start3A_559 = arith.constant 0 : i32
        %dma_start3A_560 = arith.constant 0 : i32
        %dma_start3A_561 = tpu.memref_slice %arg20[%dma_start3A_559, %dma_start3A_560] : memref<10240x128xf32, #tpu.memory_space<vmem_shared>> -> memref<10240x128xf32, #tpu.memory_space<vmem_shared>>
        tpu.enqueue_indirect_dma source(%dma_start3A_558 : memref<128x128xf32, #tpu.memory_space<vmem>>) target(%dma_start3A_561 : memref<10240x128xf32, #tpu.memory_space<vmem_shared>>) offsets(%arg10 : memref<128xi32, #tpu.memory_space<vmem>>) semaphore(%arg17 : memref<!tpu.dma_semaphore, #tpu.memory_space<semaphore_mem>>) {add = true}
        %dma_wait3A_562 = arith.constant 1 : i32
        %dma_wait3A_563 = arith.constant 0 : i32
        %dma_wait3A_564 = arith.constant 0 : i32
        %dma_wait3A_565 = tpu.memref_slice %arg14[%dma_wait3A_562, %dma_wait3A_563, %dma_wait3A_564] : memref<2x128x128xf32, #tpu.memory_space<vmem>> -> memref<1x128x128xf32, #tpu.memory_space<vmem>>
        %dma_wait3A_566 = tpu.memref_squeeze %dma_wait3A_565 : memref<1x128x128xf32, #tpu.memory_space<vmem>> -> memref<128x128xf32, #tpu.memory_space<vmem>>
        %dma_wait3A_567 = arith.constant 0 : i32
        %dma_wait3A_568 = arith.constant 0 : i32
        %dma_wait3A_569 = tpu.memref_slice %arg4[%dma_wait3A_567, %dma_wait3A_568] : memref<10000x128xf32, #tpu.memory_space<hbm>> -> memref<10000x128xf32, #tpu.memory_space<hbm>>
        tpu.wait_indirect_dma semaphore(%arg16 : memref<!tpu.dma_semaphore, #tpu.memory_space<semaphore_mem>>) src(%dma_wait3A_569 : memref<10000x128xf32, #tpu.memory_space<hbm>>) dst(%dma_wait3A_566 : memref<128x128xf32, #tpu.memory_space<vmem>>)
        %dma_start3A_570 = arith.constant 1 : i32
        %dma_start3A_571 = arith.constant 0 : i32
        %dma_start3A_572 = arith.constant 0 : i32
        %dma_start3A_573 = tpu.memref_slice %arg14[%dma_start3A_570, %dma_start3A_571, %dma_start3A_572] : memref<2x128x128xf32, #tpu.memory_space<vmem>> -> memref<1x128x128xf32, #tpu.memory_space<vmem>>
        %dma_start3A_574 = tpu.memref_squeeze %dma_start3A_573 : memref<1x128x128xf32, #tpu.memory_space<vmem>> -> memref<128x128xf32, #tpu.memory_space<vmem>>
        %dma_start3A_575 = arith.constant 0 : i32
        %dma_start3A_576 = arith.constant 0 : i32
        %dma_start3A_577 = tpu.memref_slice %arg20[%dma_start3A_575, %dma_start3A_576] : memref<10240x128xf32, #tpu.memory_space<vmem_shared>> -> memref<10240x128xf32, #tpu.memory_space<vmem_shared>>
        tpu.enqueue_indirect_dma source(%dma_start3A_574 : memref<128x128xf32, #tpu.memory_space<vmem>>) target(%dma_start3A_577 : memref<10240x128xf32, #tpu.memory_space<vmem_shared>>) offsets(%arg11 : memref<128xi32, #tpu.memory_space<vmem>>) semaphore(%arg18 : memref<!tpu.dma_semaphore, #tpu.memory_space<semaphore_mem>>) {add = true}
        %dma_wait3A_578 = arith.constant 0 : i32
        %dma_wait3A_579 = arith.constant 0 : i32
        %dma_wait3A_580 = arith.constant 0 : i32
        %dma_wait3A_581 = tpu.memref_slice %arg14[%dma_wait3A_578, %dma_wait3A_579, %dma_wait3A_580] : memref<2x128x128xf32, #tpu.memory_space<vmem>> -> memref<1x128x128xf32, #tpu.memory_space<vmem>>
        %dma_wait3A_582 = tpu.memref_squeeze %dma_wait3A_581 : memref<1x128x128xf32, #tpu.memory_space<vmem>> -> memref<128x128xf32, #tpu.memory_space<vmem>>
        %dma_wait3A_583 = arith.constant 0 : i32
        %dma_wait3A_584 = arith.constant 0 : i32
        %dma_wait3A_585 = tpu.memref_slice %arg20[%dma_wait3A_583, %dma_wait3A_584] : memref<10240x128xf32, #tpu.memory_space<vmem_shared>> -> memref<10240x128xf32, #tpu.memory_space<vmem_shared>>
        tpu.wait_indirect_dma semaphore(%arg17 : memref<!tpu.dma_semaphore, #tpu.memory_space<semaphore_mem>>) src(%dma_wait3A_582 : memref<128x128xf32, #tpu.memory_space<vmem>>) dst(%dma_wait3A_585 : memref<10240x128xf32, #tpu.memory_space<vmem_shared>>)
        %dma_wait3A_586 = arith.constant 1 : i32
        %dma_wait3A_587 = arith.constant 0 : i32
        %dma_wait3A_588 = arith.constant 0 : i32
        %dma_wait3A_589 = tpu.memref_slice %arg14[%dma_wait3A_586, %dma_wait3A_587, %dma_wait3A_588] : memref<2x128x128xf32, #tpu.memory_space<vmem>> -> memref<1x128x128xf32, #tpu.memory_space<vmem>>
        %dma_wait3A_590 = tpu.memref_squeeze %dma_wait3A_589 : memref<1x128x128xf32, #tpu.memory_space<vmem>> -> memref<128x128xf32, #tpu.memory_space<vmem>>
        %dma_wait3A_591 = arith.constant 0 : i32
        %dma_wait3A_592 = arith.constant 0 : i32
        %dma_wait3A_593 = tpu.memref_slice %arg20[%dma_wait3A_591, %dma_wait3A_592] : memref<10240x128xf32, #tpu.memory_space<vmem_shared>> -> memref<10240x128xf32, #tpu.memory_space<vmem_shared>>
        tpu.wait_indirect_dma semaphore(%arg18 : memref<!tpu.dma_semaphore, #tpu.memory_space<semaphore_mem>>) src(%dma_wait3A_590 : memref<128x128xf32, #tpu.memory_space<vmem>>) dst(%dma_wait3A_593 : memref<10240x128xf32, #tpu.memory_space<vmem_shared>>)
        %mul3A_594 = arith.constant 4 : i32
        %mul3A_595 = arith.muli %scan3A_499, %mul3A_594 : i32
        %add3A_596 = arith.constant 2 : i32
        %add3A_597 = arith.addi %mul3A_595, %add3A_596 : i32
        %dma_wait3A_598 = tpu.memref_slice %arg2[%mul3A_10] : memref<327936xi32, #tpu.memory_space<hbm>> -> memref<128xi32, #tpu.memory_space<hbm>>
        %dma_wait3A_599 = tpu.memref_slice %arg2[%mul3A_10] : memref<327936xi32, #tpu.memory_space<hbm>> -> memref<128xi32, #tpu.memory_space<hbm>>
        tpu.wait_dma2 semaphore(%arg19 : memref<!tpu.dma_semaphore, #tpu.memory_space<semaphore_mem>>) src(%dma_wait3A_599 : memref<128xi32, #tpu.memory_space<hbm>>) dst(%arg6 : memref<128xi32, #tpu.memory_space<vmem>>)
        %dma_wait3A_600 = tpu.memref_slice %arg2[%mul3A_10] : memref<327936xi32, #tpu.memory_space<hbm>> -> memref<128xi32, #tpu.memory_space<hbm>>
        %dma_wait3A_601 = tpu.memref_slice %arg2[%mul3A_10] : memref<327936xi32, #tpu.memory_space<hbm>> -> memref<128xi32, #tpu.memory_space<hbm>>
        tpu.wait_dma2 semaphore(%arg19 : memref<!tpu.dma_semaphore, #tpu.memory_space<semaphore_mem>>) src(%dma_wait3A_601 : memref<128xi32, #tpu.memory_space<hbm>>) dst(%arg6 : memref<128xi32, #tpu.memory_space<vmem>>)
        %dma_wait3A_602 = tpu.memref_slice %arg2[%mul3A_10] : memref<327936xi32, #tpu.memory_space<hbm>> -> memref<128xi32, #tpu.memory_space<hbm>>
        %dma_wait3A_603 = tpu.memref_slice %arg2[%mul3A_10] : memref<327936xi32, #tpu.memory_space<hbm>> -> memref<128xi32, #tpu.memory_space<hbm>>
        tpu.wait_dma2 semaphore(%arg19 : memref<!tpu.dma_semaphore, #tpu.memory_space<semaphore_mem>>) src(%dma_wait3A_603 : memref<128xi32, #tpu.memory_space<hbm>>) dst(%arg6 : memref<128xi32, #tpu.memory_space<vmem>>)
        %dma_wait3A_604 = tpu.memref_slice %arg2[%mul3A_10] : memref<327936xi32, #tpu.memory_space<hbm>> -> memref<128xi32, #tpu.memory_space<hbm>>
        %dma_wait3A_605 = tpu.memref_slice %arg2[%mul3A_10] : memref<327936xi32, #tpu.memory_space<hbm>> -> memref<128xi32, #tpu.memory_space<hbm>>
        tpu.wait_dma2 semaphore(%arg19 : memref<!tpu.dma_semaphore, #tpu.memory_space<semaphore_mem>>) src(%dma_wait3A_605 : memref<128xi32, #tpu.memory_space<hbm>>) dst(%arg6 : memref<128xi32, #tpu.memory_space<vmem>>)
        %dma_start3A_606 = arith.constant 0 : i32
        %dma_start3A_607 = arith.constant 0 : i32
        %dma_start3A_608 = arith.constant 0 : i32
        %dma_start3A_609 = tpu.memref_slice %arg14[%dma_start3A_606, %dma_start3A_607, %dma_start3A_608] : memref<2x128x128xf32, #tpu.memory_space<vmem>> -> memref<1x128x128xf32, #tpu.memory_space<vmem>>
        %dma_start3A_610 = tpu.memref_squeeze %dma_start3A_609 : memref<1x128x128xf32, #tpu.memory_space<vmem>> -> memref<128x128xf32, #tpu.memory_space<vmem>>
        %dma_start3A_611 = arith.constant 0 : i32
        %dma_start3A_612 = arith.constant 0 : i32
        %dma_start3A_613 = tpu.memref_slice %arg4[%dma_start3A_611, %dma_start3A_612] : memref<10000x128xf32, #tpu.memory_space<hbm>> -> memref<10000x128xf32, #tpu.memory_space<hbm>>
        tpu.enqueue_indirect_dma source(%dma_start3A_613 : memref<10000x128xf32, #tpu.memory_space<hbm>>) target(%dma_start3A_610 : memref<128x128xf32, #tpu.memory_space<vmem>>) offsets(%arg8 : memref<128xi32, #tpu.memory_space<vmem>>) semaphore(%arg15 : memref<!tpu.dma_semaphore, #tpu.memory_space<semaphore_mem>>)
        %dma_start3A_614 = arith.constant 1 : i32
        %dma_start3A_615 = arith.constant 0 : i32
        %dma_start3A_616 = arith.constant 0 : i32
        %dma_start3A_617 = tpu.memref_slice %arg14[%dma_start3A_614, %dma_start3A_615, %dma_start3A_616] : memref<2x128x128xf32, #tpu.memory_space<vmem>> -> memref<1x128x128xf32, #tpu.memory_space<vmem>>
        %dma_start3A_618 = tpu.memref_squeeze %dma_start3A_617 : memref<1x128x128xf32, #tpu.memory_space<vmem>> -> memref<128x128xf32, #tpu.memory_space<vmem>>
        %dma_start3A_619 = arith.constant 0 : i32
        %dma_start3A_620 = arith.constant 0 : i32
        %dma_start3A_621 = tpu.memref_slice %arg4[%dma_start3A_619, %dma_start3A_620] : memref<10000x128xf32, #tpu.memory_space<hbm>> -> memref<10000x128xf32, #tpu.memory_space<hbm>>
        tpu.enqueue_indirect_dma source(%dma_start3A_621 : memref<10000x128xf32, #tpu.memory_space<hbm>>) target(%dma_start3A_618 : memref<128x128xf32, #tpu.memory_space<vmem>>) offsets(%arg9 : memref<128xi32, #tpu.memory_space<vmem>>) semaphore(%arg16 : memref<!tpu.dma_semaphore, #tpu.memory_space<semaphore_mem>>)
        %add3A_622 = arith.constant 2 : i32
        %add3A_623 = arith.addi %add3A_597, %add3A_622 : i32
        %mul3A_624 = arith.constant 128 : i32
        %mul3A_625 = arith.muli %add3A_623, %mul3A_624 : i32
        %add3A_626 = arith.addi %mul3A_10, %mul3A_625 : i32
        %add3A_627 = arith.constant 3 : i32
        %add3A_628 = arith.addi %add3A_597, %add3A_627 : i32
        %mul3A_629 = arith.constant 128 : i32
        %mul3A_630 = arith.muli %add3A_628, %mul3A_629 : i32
        %add3A_631 = arith.addi %mul3A_10, %mul3A_630 : i32
        %dma_start3A_632 = tpu.memref_slice %arg2[%add3A_626] : memref<327936xi32, #tpu.memory_space<hbm>> -> memref<128xi32, #tpu.memory_space<hbm>>
        %dma_start3A_633 = tpu.memref_slice %arg2[%add3A_626] : memref<327936xi32, #tpu.memory_space<hbm>> -> memref<128xi32, #tpu.memory_space<hbm>>
        tpu.enqueue_dma source(%dma_start3A_633 : memref<128xi32, #tpu.memory_space<hbm>>) target(%arg6 : memref<128xi32, #tpu.memory_space<vmem>>) target_semaphore(%arg19 : memref<!tpu.dma_semaphore, #tpu.memory_space<semaphore_mem>>)
        %dma_start3A_634 = tpu.memref_slice %arg3[%add3A_626] : memref<327936xi32, #tpu.memory_space<hbm>> -> memref<128xi32, #tpu.memory_space<hbm>>
        %dma_start3A_635 = tpu.memref_slice %arg3[%add3A_626] : memref<327936xi32, #tpu.memory_space<hbm>> -> memref<128xi32, #tpu.memory_space<hbm>>
        tpu.enqueue_dma source(%dma_start3A_635 : memref<128xi32, #tpu.memory_space<hbm>>) target(%arg10 : memref<128xi32, #tpu.memory_space<vmem>>) target_semaphore(%arg19 : memref<!tpu.dma_semaphore, #tpu.memory_space<semaphore_mem>>)
        %dma_start3A_636 = tpu.memref_slice %arg2[%add3A_631] : memref<327936xi32, #tpu.memory_space<hbm>> -> memref<128xi32, #tpu.memory_space<hbm>>
        %dma_start3A_637 = tpu.memref_slice %arg2[%add3A_631] : memref<327936xi32, #tpu.memory_space<hbm>> -> memref<128xi32, #tpu.memory_space<hbm>>
        tpu.enqueue_dma source(%dma_start3A_637 : memref<128xi32, #tpu.memory_space<hbm>>) target(%arg7 : memref<128xi32, #tpu.memory_space<vmem>>) target_semaphore(%arg19 : memref<!tpu.dma_semaphore, #tpu.memory_space<semaphore_mem>>)
        %dma_start3A_638 = tpu.memref_slice %arg3[%add3A_631] : memref<327936xi32, #tpu.memory_space<hbm>> -> memref<128xi32, #tpu.memory_space<hbm>>
        %dma_start3A_639 = tpu.memref_slice %arg3[%add3A_631] : memref<327936xi32, #tpu.memory_space<hbm>> -> memref<128xi32, #tpu.memory_space<hbm>>
        tpu.enqueue_dma source(%dma_start3A_639 : memref<128xi32, #tpu.memory_space<hbm>>) target(%arg11 : memref<128xi32, #tpu.memory_space<vmem>>) target_semaphore(%arg19 : memref<!tpu.dma_semaphore, #tpu.memory_space<semaphore_mem>>)
        %dma_wait3A_640 = arith.constant 0 : i32
        %dma_wait3A_641 = arith.constant 0 : i32
        %dma_wait3A_642 = arith.constant 0 : i32
        %dma_wait3A_643 = tpu.memref_slice %arg14[%dma_wait3A_640, %dma_wait3A_641, %dma_wait3A_642] : memref<2x128x128xf32, #tpu.memory_space<vmem>> -> memref<1x128x128xf32, #tpu.memory_space<vmem>>
        %dma_wait3A_644 = tpu.memref_squeeze %dma_wait3A_643 : memref<1x128x128xf32, #tpu.memory_space<vmem>> -> memref<128x128xf32, #tpu.memory_space<vmem>>
        %dma_wait3A_645 = arith.constant 0 : i32
        %dma_wait3A_646 = arith.constant 0 : i32
        %dma_wait3A_647 = tpu.memref_slice %arg4[%dma_wait3A_645, %dma_wait3A_646] : memref<10000x128xf32, #tpu.memory_space<hbm>> -> memref<10000x128xf32, #tpu.memory_space<hbm>>
        tpu.wait_indirect_dma semaphore(%arg15 : memref<!tpu.dma_semaphore, #tpu.memory_space<semaphore_mem>>) src(%dma_wait3A_647 : memref<10000x128xf32, #tpu.memory_space<hbm>>) dst(%dma_wait3A_644 : memref<128x128xf32, #tpu.memory_space<vmem>>)
        %dma_start3A_648 = arith.constant 0 : i32
        %dma_start3A_649 = arith.constant 0 : i32
        %dma_start3A_650 = arith.constant 0 : i32
        %dma_start3A_651 = tpu.memref_slice %arg14[%dma_start3A_648, %dma_start3A_649, %dma_start3A_650] : memref<2x128x128xf32, #tpu.memory_space<vmem>> -> memref<1x128x128xf32, #tpu.memory_space<vmem>>
        %dma_start3A_652 = tpu.memref_squeeze %dma_start3A_651 : memref<1x128x128xf32, #tpu.memory_space<vmem>> -> memref<128x128xf32, #tpu.memory_space<vmem>>
        %dma_start3A_653 = arith.constant 0 : i32
        %dma_start3A_654 = arith.constant 0 : i32
        %dma_start3A_655 = tpu.memref_slice %arg20[%dma_start3A_653, %dma_start3A_654] : memref<10240x128xf32, #tpu.memory_space<vmem_shared>> -> memref<10240x128xf32, #tpu.memory_space<vmem_shared>>
        tpu.enqueue_indirect_dma source(%dma_start3A_652 : memref<128x128xf32, #tpu.memory_space<vmem>>) target(%dma_start3A_655 : memref<10240x128xf32, #tpu.memory_space<vmem_shared>>) offsets(%arg12 : memref<128xi32, #tpu.memory_space<vmem>>) semaphore(%arg17 : memref<!tpu.dma_semaphore, #tpu.memory_space<semaphore_mem>>) {add = true}
        %dma_wait3A_656 = arith.constant 1 : i32
        %dma_wait3A_657 = arith.constant 0 : i32
        %dma_wait3A_658 = arith.constant 0 : i32
        %dma_wait3A_659 = tpu.memref_slice %arg14[%dma_wait3A_656, %dma_wait3A_657, %dma_wait3A_658] : memref<2x128x128xf32, #tpu.memory_space<vmem>> -> memref<1x128x128xf32, #tpu.memory_space<vmem>>
        %dma_wait3A_660 = tpu.memref_squeeze %dma_wait3A_659 : memref<1x128x128xf32, #tpu.memory_space<vmem>> -> memref<128x128xf32, #tpu.memory_space<vmem>>
        %dma_wait3A_661 = arith.constant 0 : i32
        %dma_wait3A_662 = arith.constant 0 : i32
        %dma_wait3A_663 = tpu.memref_slice %arg4[%dma_wait3A_661, %dma_wait3A_662] : memref<10000x128xf32, #tpu.memory_space<hbm>> -> memref<10000x128xf32, #tpu.memory_space<hbm>>
        tpu.wait_indirect_dma semaphore(%arg16 : memref<!tpu.dma_semaphore, #tpu.memory_space<semaphore_mem>>) src(%dma_wait3A_663 : memref<10000x128xf32, #tpu.memory_space<hbm>>) dst(%dma_wait3A_660 : memref<128x128xf32, #tpu.memory_space<vmem>>)
        %dma_start3A_664 = arith.constant 1 : i32
        %dma_start3A_665 = arith.constant 0 : i32
        %dma_start3A_666 = arith.constant 0 : i32
        %dma_start3A_667 = tpu.memref_slice %arg14[%dma_start3A_664, %dma_start3A_665, %dma_start3A_666] : memref<2x128x128xf32, #tpu.memory_space<vmem>> -> memref<1x128x128xf32, #tpu.memory_space<vmem>>
        %dma_start3A_668 = tpu.memref_squeeze %dma_start3A_667 : memref<1x128x128xf32, #tpu.memory_space<vmem>> -> memref<128x128xf32, #tpu.memory_space<vmem>>
        %dma_start3A_669 = arith.constant 0 : i32
        %dma_start3A_670 = arith.constant 0 : i32
        %dma_start3A_671 = tpu.memref_slice %arg20[%dma_start3A_669, %dma_start3A_670] : memref<10240x128xf32, #tpu.memory_space<vmem_shared>> -> memref<10240x128xf32, #tpu.memory_space<vmem_shared>>
        tpu.enqueue_indirect_dma source(%dma_start3A_668 : memref<128x128xf32, #tpu.memory_space<vmem>>) target(%dma_start3A_671 : memref<10240x128xf32, #tpu.memory_space<vmem_shared>>) offsets(%arg13 : memref<128xi32, #tpu.memory_space<vmem>>) semaphore(%arg18 : memref<!tpu.dma_semaphore, #tpu.memory_space<semaphore_mem>>) {add = true}
        %dma_wait3A_672 = arith.constant 0 : i32
        %dma_wait3A_673 = arith.constant 0 : i32
        %dma_wait3A_674 = arith.constant 0 : i32
        %dma_wait3A_675 = tpu.memref_slice %arg14[%dma_wait3A_672, %dma_wait3A_673, %dma_wait3A_674] : memref<2x128x128xf32, #tpu.memory_space<vmem>> -> memref<1x128x128xf32, #tpu.memory_space<vmem>>
        %dma_wait3A_676 = tpu.memref_squeeze %dma_wait3A_675 : memref<1x128x128xf32, #tpu.memory_space<vmem>> -> memref<128x128xf32, #tpu.memory_space<vmem>>
        %dma_wait3A_677 = arith.constant 0 : i32
        %dma_wait3A_678 = arith.constant 0 : i32
        %dma_wait3A_679 = tpu.memref_slice %arg20[%dma_wait3A_677, %dma_wait3A_678] : memref<10240x128xf32, #tpu.memory_space<vmem_shared>> -> memref<10240x128xf32, #tpu.memory_space<vmem_shared>>
        tpu.wait_indirect_dma semaphore(%arg17 : memref<!tpu.dma_semaphore, #tpu.memory_space<semaphore_mem>>) src(%dma_wait3A_676 : memref<128x128xf32, #tpu.memory_space<vmem>>) dst(%dma_wait3A_679 : memref<10240x128xf32, #tpu.memory_space<vmem_shared>>)
        %dma_wait3A_680 = arith.constant 1 : i32
        %dma_wait3A_681 = arith.constant 0 : i32
        %dma_wait3A_682 = arith.constant 0 : i32
        %dma_wait3A_683 = tpu.memref_slice %arg14[%dma_wait3A_680, %dma_wait3A_681, %dma_wait3A_682] : memref<2x128x128xf32, #tpu.memory_space<vmem>> -> memref<1x128x128xf32, #tpu.memory_space<vmem>>
        %dma_wait3A_684 = tpu.memref_squeeze %dma_wait3A_683 : memref<1x128x128xf32, #tpu.memory_space<vmem>> -> memref<128x128xf32, #tpu.memory_space<vmem>>
        %dma_wait3A_685 = arith.constant 0 : i32
        %dma_wait3A_686 = arith.constant 0 : i32
        %dma_wait3A_687 = tpu.memref_slice %arg20[%dma_wait3A_685, %dma_wait3A_686] : memref<10240x128xf32, #tpu.memory_space<vmem_shared>> -> memref<10240x128xf32, #tpu.memory_space<vmem_shared>>
        tpu.wait_indirect_dma semaphore(%arg18 : memref<!tpu.dma_semaphore, #tpu.memory_space<semaphore_mem>>) src(%dma_wait3A_684 : memref<128x128xf32, #tpu.memory_space<vmem>>) dst(%dma_wait3A_687 : memref<10240x128xf32, #tpu.memory_space<vmem_shared>>)
      }
      %scan3A_179 = arith.constant 5 : i32
      %dma_wait3A_180 = tpu.memref_slice %arg2[%mul3A_10] : memref<327936xi32, #tpu.memory_space<hbm>> -> memref<128xi32, #tpu.memory_space<hbm>>
      %dma_wait3A_181 = tpu.memref_slice %arg2[%mul3A_10] : memref<327936xi32, #tpu.memory_space<hbm>> -> memref<128xi32, #tpu.memory_space<hbm>>
      tpu.wait_dma2 semaphore(%arg19 : memref<!tpu.dma_semaphore, #tpu.memory_space<semaphore_mem>>) src(%dma_wait3A_181 : memref<128xi32, #tpu.memory_space<hbm>>) dst(%arg6 : memref<128xi32, #tpu.memory_space<vmem>>)
      %dma_wait3A_182 = tpu.memref_slice %arg2[%mul3A_10] : memref<327936xi32, #tpu.memory_space<hbm>> -> memref<128xi32, #tpu.memory_space<hbm>>
      %dma_wait3A_183 = tpu.memref_slice %arg2[%mul3A_10] : memref<327936xi32, #tpu.memory_space<hbm>> -> memref<128xi32, #tpu.memory_space<hbm>>
      tpu.wait_dma2 semaphore(%arg19 : memref<!tpu.dma_semaphore, #tpu.memory_space<semaphore_mem>>) src(%dma_wait3A_183 : memref<128xi32, #tpu.memory_space<hbm>>) dst(%arg6 : memref<128xi32, #tpu.memory_space<vmem>>)
      %dma_wait3A_184 = tpu.memref_slice %arg2[%mul3A_10] : memref<327936xi32, #tpu.memory_space<hbm>> -> memref<128xi32, #tpu.memory_space<hbm>>
      %dma_wait3A_185 = tpu.memref_slice %arg2[%mul3A_10] : memref<327936xi32, #tpu.memory_space<hbm>> -> memref<128xi32, #tpu.memory_space<hbm>>
      tpu.wait_dma2 semaphore(%arg19 : memref<!tpu.dma_semaphore, #tpu.memory_space<semaphore_mem>>) src(%dma_wait3A_185 : memref<128xi32, #tpu.memory_space<hbm>>) dst(%arg6 : memref<128xi32, #tpu.memory_space<vmem>>)
      %dma_wait3A_186 = tpu.memref_slice %arg2[%mul3A_10] : memref<327936xi32, #tpu.memory_space<hbm>> -> memref<128xi32, #tpu.memory_space<hbm>>
      %dma_wait3A_187 = tpu.memref_slice %arg2[%mul3A_10] : memref<327936xi32, #tpu.memory_space<hbm>> -> memref<128xi32, #tpu.memory_space<hbm>>
      tpu.wait_dma2 semaphore(%arg19 : memref<!tpu.dma_semaphore, #tpu.memory_space<semaphore_mem>>) src(%dma_wait3A_187 : memref<128xi32, #tpu.memory_space<hbm>>) dst(%arg6 : memref<128xi32, #tpu.memory_space<vmem>>)
      %barrier3A_188 = arith.constant 0 : index
      tpu.barrier barrier_id(%barrier3A_188)
      %mul3A_189 = arith.constant 640 : i32
      %mul3A_190 = arith.muli %arg1, %mul3A_189 : i32
      %add3A_191 = arith.constant 0 : i32
      %add3A_192 = arith.addi %mul3A_190, %add3A_191 : i32
      %dma_start3A_193 = arith.constant 0 : i32
      %dma_start3A_194 = arith.constant 0 : i32
      %dma_start3A_195 = arith.constant 0 : i32
      %dma_start3A_196 = tpu.memref_slice %arg14[%dma_start3A_193, %dma_start3A_194, %dma_start3A_195] : memref<2x128x128xf32, #tpu.memory_space<vmem>> -> memref<1x128x128xf32, #tpu.memory_space<vmem>>
      %dma_start3A_197 = tpu.memref_squeeze %dma_start3A_196 : memref<1x128x128xf32, #tpu.memory_space<vmem>> -> memref<128x128xf32, #tpu.memory_space<vmem>>
      %dma_start3A_198 = arith.constant 0 : i32
      %dma_start3A_199 = tpu.memref_slice %arg20[%add3A_192, %dma_start3A_198] : memref<10240x128xf32, #tpu.memory_space<vmem_shared>> -> memref<128x128xf32, #tpu.memory_space<vmem_shared>>
      %dma_start3A_200 = arith.constant 0 : i32
      %dma_start3A_201 = arith.constant 0 : i32
      %dma_start3A_202 = tpu.memref_slice %arg14[%dma_start3A_193, %dma_start3A_200, %dma_start3A_201] : memref<2x128x128xf32, #tpu.memory_space<vmem>> -> memref<1x128x128xf32, #tpu.memory_space<vmem>>
      %dma_start3A_203 = tpu.memref_squeeze %dma_start3A_202 : memref<1x128x128xf32, #tpu.memory_space<vmem>> -> memref<128x128xf32, #tpu.memory_space<vmem>>
      %dma_start3A_204 = arith.constant 0 : i32
      %dma_start3A_205 = tpu.memref_slice %arg20[%add3A_192, %dma_start3A_204] : memref<10240x128xf32, #tpu.memory_space<vmem_shared>> -> memref<128x128xf32, #tpu.memory_space<vmem_shared>>
      tpu.enqueue_dma source(%dma_start3A_205 : memref<128x128xf32, #tpu.memory_space<vmem_shared>>) target(%dma_start3A_203 : memref<128x128xf32, #tpu.memory_space<vmem>>) target_semaphore(%arg15 : memref<!tpu.dma_semaphore, #tpu.memory_space<semaphore_mem>>)
      %dma_wait3A_206 = arith.constant 0 : i32
      %dma_wait3A_207 = arith.constant 0 : i32
      %dma_wait3A_208 = arith.constant 0 : i32
      %dma_wait3A_209 = tpu.memref_slice %arg14[%dma_wait3A_206, %dma_wait3A_207, %dma_wait3A_208] : memref<2x128x128xf32, #tpu.memory_space<vmem>> -> memref<1x128x128xf32, #tpu.memory_space<vmem>>
      %dma_wait3A_210 = tpu.memref_squeeze %dma_wait3A_209 : memref<1x128x128xf32, #tpu.memory_space<vmem>> -> memref<128x128xf32, #tpu.memory_space<vmem>>
      %dma_wait3A_211 = arith.constant 0 : i32
      %dma_wait3A_212 = tpu.memref_slice %arg20[%add3A_192, %dma_wait3A_211] : memref<10240x128xf32, #tpu.memory_space<vmem_shared>> -> memref<128x128xf32, #tpu.memory_space<vmem_shared>>
      %dma_wait3A_213 = arith.constant 0 : i32
      %dma_wait3A_214 = arith.constant 0 : i32
      %dma_wait3A_215 = tpu.memref_slice %arg14[%dma_wait3A_206, %dma_wait3A_213, %dma_wait3A_214] : memref<2x128x128xf32, #tpu.memory_space<vmem>> -> memref<1x128x128xf32, #tpu.memory_space<vmem>>
      %dma_wait3A_216 = tpu.memref_squeeze %dma_wait3A_215 : memref<1x128x128xf32, #tpu.memory_space<vmem>> -> memref<128x128xf32, #tpu.memory_space<vmem>>
      %dma_wait3A_217 = arith.constant 0 : i32
      %dma_wait3A_218 = tpu.memref_slice %arg20[%add3A_192, %dma_wait3A_217] : memref<10240x128xf32, #tpu.memory_space<vmem_shared>> -> memref<128x128xf32, #tpu.memory_space<vmem_shared>>
      tpu.wait_dma2 semaphore(%arg15 : memref<!tpu.dma_semaphore, #tpu.memory_space<semaphore_mem>>) src(%dma_wait3A_218 : memref<128x128xf32, #tpu.memory_space<vmem_shared>>) dst(%dma_wait3A_216 : memref<128x128xf32, #tpu.memory_space<vmem>>)
      %dma_start3A_219 = arith.constant 0 : i32
      %dma_start3A_220 = arith.constant 1 : i32
      %dma_start3A_221 = arith.constant 0 : i32
      %dma_start3A_222 = arith.constant 0 : i32
      %dma_start3A_223 = tpu.memref_slice %arg14[%dma_start3A_219, %dma_start3A_221, %dma_start3A_222] : memref<2x128x128xf32, #tpu.memory_space<vmem>> -> memref<1x128x128xf32, #tpu.memory_space<vmem>>
      %dma_start3A_224 = tpu.memref_squeeze %dma_start3A_223 : memref<1x128x128xf32, #tpu.memory_space<vmem>> -> memref<128x128xf32, #tpu.memory_space<vmem>>
      %dma_start3A_225 = arith.constant 0 : i32
      %dma_start3A_226 = tpu.memref_slice %arg5[%dma_start3A_220, %add3A_192, %dma_start3A_225] : memref<2x10240x128xf32, #tpu.memory_space<hbm>> -> memref<1x128x128xf32, #tpu.memory_space<hbm>>
      %dma_start3A_227 = tpu.memref_squeeze %dma_start3A_226 : memref<1x128x128xf32, #tpu.memory_space<hbm>> -> memref<128x128xf32, #tpu.memory_space<hbm>>
      %dma_start3A_228 = arith.constant 0 : i32
      %dma_start3A_229 = tpu.memref_slice %arg5[%dma_start3A_220, %add3A_192, %dma_start3A_228] : memref<2x10240x128xf32, #tpu.memory_space<hbm>> -> memref<1x128x128xf32, #tpu.memory_space<hbm>>
      %dma_start3A_230 = tpu.memref_squeeze %dma_start3A_229 : memref<1x128x128xf32, #tpu.memory_space<hbm>> -> memref<128x128xf32, #tpu.memory_space<hbm>>
      %dma_start3A_231 = arith.constant 0 : i32
      %dma_start3A_232 = arith.constant 0 : i32
      %dma_start3A_233 = tpu.memref_slice %arg14[%dma_start3A_219, %dma_start3A_231, %dma_start3A_232] : memref<2x128x128xf32, #tpu.memory_space<vmem>> -> memref<1x128x128xf32, #tpu.memory_space<vmem>>
      %dma_start3A_234 = tpu.memref_squeeze %dma_start3A_233 : memref<1x128x128xf32, #tpu.memory_space<vmem>> -> memref<128x128xf32, #tpu.memory_space<vmem>>
      tpu.enqueue_dma source(%dma_start3A_234 : memref<128x128xf32, #tpu.memory_space<vmem>>) target(%dma_start3A_230 : memref<128x128xf32, #tpu.memory_space<hbm>>) target_semaphore(%arg17 : memref<!tpu.dma_semaphore, #tpu.memory_space<semaphore_mem>>)
      %mul3A_235 = arith.constant 640 : i32
      %mul3A_236 = arith.muli %arg1, %mul3A_235 : i32
      %add3A_237 = arith.constant 128 : i32
      %add3A_238 = arith.addi %mul3A_236, %add3A_237 : i32
      %dma_start3A_239 = arith.constant 1 : i32
      %dma_start3A_240 = arith.constant 0 : i32
      %dma_start3A_241 = arith.constant 0 : i32
      %dma_start3A_242 = tpu.memref_slice %arg14[%dma_start3A_239, %dma_start3A_240, %dma_start3A_241] : memref<2x128x128xf32, #tpu.memory_space<vmem>> -> memref<1x128x128xf32, #tpu.memory_space<vmem>>
      %dma_start3A_243 = tpu.memref_squeeze %dma_start3A_242 : memref<1x128x128xf32, #tpu.memory_space<vmem>> -> memref<128x128xf32, #tpu.memory_space<vmem>>
      %dma_start3A_244 = arith.constant 0 : i32
      %dma_start3A_245 = tpu.memref_slice %arg20[%add3A_238, %dma_start3A_244] : memref<10240x128xf32, #tpu.memory_space<vmem_shared>> -> memref<128x128xf32, #tpu.memory_space<vmem_shared>>
      %dma_start3A_246 = arith.constant 0 : i32
      %dma_start3A_247 = arith.constant 0 : i32
      %dma_start3A_248 = tpu.memref_slice %arg14[%dma_start3A_239, %dma_start3A_246, %dma_start3A_247] : memref<2x128x128xf32, #tpu.memory_space<vmem>> -> memref<1x128x128xf32, #tpu.memory_space<vmem>>
      %dma_start3A_249 = tpu.memref_squeeze %dma_start3A_248 : memref<1x128x128xf32, #tpu.memory_space<vmem>> -> memref<128x128xf32, #tpu.memory_space<vmem>>
      %dma_start3A_250 = arith.constant 0 : i32
      %dma_start3A_251 = tpu.memref_slice %arg20[%add3A_238, %dma_start3A_250] : memref<10240x128xf32, #tpu.memory_space<vmem_shared>> -> memref<128x128xf32, #tpu.memory_space<vmem_shared>>
      tpu.enqueue_dma source(%dma_start3A_251 : memref<128x128xf32, #tpu.memory_space<vmem_shared>>) target(%dma_start3A_249 : memref<128x128xf32, #tpu.memory_space<vmem>>) target_semaphore(%arg16 : memref<!tpu.dma_semaphore, #tpu.memory_space<semaphore_mem>>)
      %dma_wait3A_252 = arith.constant 1 : i32
      %dma_wait3A_253 = arith.constant 0 : i32
      %dma_wait3A_254 = arith.constant 0 : i32
      %dma_wait3A_255 = tpu.memref_slice %arg14[%dma_wait3A_252, %dma_wait3A_253, %dma_wait3A_254] : memref<2x128x128xf32, #tpu.memory_space<vmem>> -> memref<1x128x128xf32, #tpu.memory_space<vmem>>
      %dma_wait3A_256 = tpu.memref_squeeze %dma_wait3A_255 : memref<1x128x128xf32, #tpu.memory_space<vmem>> -> memref<128x128xf32, #tpu.memory_space<vmem>>
      %dma_wait3A_257 = arith.constant 0 : i32
      %dma_wait3A_258 = tpu.memref_slice %arg20[%add3A_238, %dma_wait3A_257] : memref<10240x128xf32, #tpu.memory_space<vmem_shared>> -> memref<128x128xf32, #tpu.memory_space<vmem_shared>>
      %dma_wait3A_259 = arith.constant 0 : i32
      %dma_wait3A_260 = arith.constant 0 : i32
      %dma_wait3A_261 = tpu.memref_slice %arg14[%dma_wait3A_252, %dma_wait3A_259, %dma_wait3A_260] : memref<2x128x128xf32, #tpu.memory_space<vmem>> -> memref<1x128x128xf32, #tpu.memory_space<vmem>>
      %dma_wait3A_262 = tpu.memref_squeeze %dma_wait3A_261 : memref<1x128x128xf32, #tpu.memory_space<vmem>> -> memref<128x128xf32, #tpu.memory_space<vmem>>
      %dma_wait3A_263 = arith.constant 0 : i32
      %dma_wait3A_264 = tpu.memref_slice %arg20[%add3A_238, %dma_wait3A_263] : memref<10240x128xf32, #tpu.memory_space<vmem_shared>> -> memref<128x128xf32, #tpu.memory_space<vmem_shared>>
      tpu.wait_dma2 semaphore(%arg16 : memref<!tpu.dma_semaphore, #tpu.memory_space<semaphore_mem>>) src(%dma_wait3A_264 : memref<128x128xf32, #tpu.memory_space<vmem_shared>>) dst(%dma_wait3A_262 : memref<128x128xf32, #tpu.memory_space<vmem>>)
      %dma_start3A_265 = arith.constant 1 : i32
      %dma_start3A_266 = arith.constant 1 : i32
      %dma_start3A_267 = arith.constant 0 : i32
      %dma_start3A_268 = arith.constant 0 : i32
      %dma_start3A_269 = tpu.memref_slice %arg14[%dma_start3A_265, %dma_start3A_267, %dma_start3A_268] : memref<2x128x128xf32, #tpu.memory_space<vmem>> -> memref<1x128x128xf32, #tpu.memory_space<vmem>>
      %dma_start3A_270 = tpu.memref_squeeze %dma_start3A_269 : memref<1x128x128xf32, #tpu.memory_space<vmem>> -> memref<128x128xf32, #tpu.memory_space<vmem>>
      %dma_start3A_271 = arith.constant 0 : i32
      %dma_start3A_272 = tpu.memref_slice %arg5[%dma_start3A_266, %add3A_238, %dma_start3A_271] : memref<2x10240x128xf32, #tpu.memory_space<hbm>> -> memref<1x128x128xf32, #tpu.memory_space<hbm>>
      %dma_start3A_273 = tpu.memref_squeeze %dma_start3A_272 : memref<1x128x128xf32, #tpu.memory_space<hbm>> -> memref<128x128xf32, #tpu.memory_space<hbm>>
      %dma_start3A_274 = arith.constant 0 : i32
      %dma_start3A_275 = tpu.memref_slice %arg5[%dma_start3A_266, %add3A_238, %dma_start3A_274] : memref<2x10240x128xf32, #tpu.memory_space<hbm>> -> memref<1x128x128xf32, #tpu.memory_space<hbm>>
      %dma_start3A_276 = tpu.memref_squeeze %dma_start3A_275 : memref<1x128x128xf32, #tpu.memory_space<hbm>> -> memref<128x128xf32, #tpu.memory_space<hbm>>
      %dma_start3A_277 = arith.constant 0 : i32
      %dma_start3A_278 = arith.constant 0 : i32
      %dma_start3A_279 = tpu.memref_slice %arg14[%dma_start3A_265, %dma_start3A_277, %dma_start3A_278] : memref<2x128x128xf32, #tpu.memory_space<vmem>> -> memref<1x128x128xf32, #tpu.memory_space<vmem>>
      %dma_start3A_280 = tpu.memref_squeeze %dma_start3A_279 : memref<1x128x128xf32, #tpu.memory_space<vmem>> -> memref<128x128xf32, #tpu.memory_space<vmem>>
      tpu.enqueue_dma source(%dma_start3A_280 : memref<128x128xf32, #tpu.memory_space<vmem>>) target(%dma_start3A_276 : memref<128x128xf32, #tpu.memory_space<hbm>>) target_semaphore(%arg18 : memref<!tpu.dma_semaphore, #tpu.memory_space<semaphore_mem>>)
      %dma_wait3A_281 = arith.constant 0 : i32
      %dma_wait3A_282 = arith.constant 1 : i32
      %dma_wait3A_283 = arith.constant 0 : i32
      %dma_wait3A_284 = arith.constant 0 : i32
      %dma_wait3A_285 = tpu.memref_slice %arg14[%dma_wait3A_281, %dma_wait3A_283, %dma_wait3A_284] : memref<2x128x128xf32, #tpu.memory_space<vmem>> -> memref<1x128x128xf32, #tpu.memory_space<vmem>>
      %dma_wait3A_286 = tpu.memref_squeeze %dma_wait3A_285 : memref<1x128x128xf32, #tpu.memory_space<vmem>> -> memref<128x128xf32, #tpu.memory_space<vmem>>
      %dma_wait3A_287 = arith.constant 0 : i32
      %dma_wait3A_288 = tpu.memref_slice %arg5[%dma_wait3A_282, %add3A_192, %dma_wait3A_287] : memref<2x10240x128xf32, #tpu.memory_space<hbm>> -> memref<1x128x128xf32, #tpu.memory_space<hbm>>
      %dma_wait3A_289 = tpu.memref_squeeze %dma_wait3A_288 : memref<1x128x128xf32, #tpu.memory_space<hbm>> -> memref<128x128xf32, #tpu.memory_space<hbm>>
      %dma_wait3A_290 = arith.constant 0 : i32
      %dma_wait3A_291 = tpu.memref_slice %arg5[%dma_wait3A_282, %add3A_192, %dma_wait3A_290] : memref<2x10240x128xf32, #tpu.memory_space<hbm>> -> memref<1x128x128xf32, #tpu.memory_space<hbm>>
      %dma_wait3A_292 = tpu.memref_squeeze %dma_wait3A_291 : memref<1x128x128xf32, #tpu.memory_space<hbm>> -> memref<128x128xf32, #tpu.memory_space<hbm>>
      %dma_wait3A_293 = arith.constant 0 : i32
      %dma_wait3A_294 = arith.constant 0 : i32
      %dma_wait3A_295 = tpu.memref_slice %arg14[%dma_wait3A_281, %dma_wait3A_293, %dma_wait3A_294] : memref<2x128x128xf32, #tpu.memory_space<vmem>> -> memref<1x128x128xf32, #tpu.memory_space<vmem>>
      %dma_wait3A_296 = tpu.memref_squeeze %dma_wait3A_295 : memref<1x128x128xf32, #tpu.memory_space<vmem>> -> memref<128x128xf32, #tpu.memory_space<vmem>>
      tpu.wait_dma2 semaphore(%arg17 : memref<!tpu.dma_semaphore, #tpu.memory_space<semaphore_mem>>) src(%dma_wait3A_296 : memref<128x128xf32, #tpu.memory_space<vmem>>) dst(%dma_wait3A_292 : memref<128x128xf32, #tpu.memory_space<hbm>>)
      %mul3A_297 = arith.constant 640 : i32
      %mul3A_298 = arith.muli %arg1, %mul3A_297 : i32
      %add3A_299 = arith.constant 256 : i32
      %add3A_300 = arith.addi %mul3A_298, %add3A_299 : i32
      %dma_start3A_301 = arith.constant 0 : i32
      %dma_start3A_302 = arith.constant 0 : i32
      %dma_start3A_303 = arith.constant 0 : i32
      %dma_start3A_304 = tpu.memref_slice %arg14[%dma_start3A_301, %dma_start3A_302, %dma_start3A_303] : memref<2x128x128xf32, #tpu.memory_space<vmem>> -> memref<1x128x128xf32, #tpu.memory_space<vmem>>
      %dma_start3A_305 = tpu.memref_squeeze %dma_start3A_304 : memref<1x128x128xf32, #tpu.memory_space<vmem>> -> memref<128x128xf32, #tpu.memory_space<vmem>>
      %dma_start3A_306 = arith.constant 0 : i32
      %dma_start3A_307 = tpu.memref_slice %arg20[%add3A_300, %dma_start3A_306] : memref<10240x128xf32, #tpu.memory_space<vmem_shared>> -> memref<128x128xf32, #tpu.memory_space<vmem_shared>>
      %dma_start3A_308 = arith.constant 0 : i32
      %dma_start3A_309 = arith.constant 0 : i32
      %dma_start3A_310 = tpu.memref_slice %arg14[%dma_start3A_301, %dma_start3A_308, %dma_start3A_309] : memref<2x128x128xf32, #tpu.memory_space<vmem>> -> memref<1x128x128xf32, #tpu.memory_space<vmem>>
      %dma_start3A_311 = tpu.memref_squeeze %dma_start3A_310 : memref<1x128x128xf32, #tpu.memory_space<vmem>> -> memref<128x128xf32, #tpu.memory_space<vmem>>
      %dma_start3A_312 = arith.constant 0 : i32
      %dma_start3A_313 = tpu.memref_slice %arg20[%add3A_300, %dma_start3A_312] : memref<10240x128xf32, #tpu.memory_space<vmem_shared>> -> memref<128x128xf32, #tpu.memory_space<vmem_shared>>
      tpu.enqueue_dma source(%dma_start3A_313 : memref<128x128xf32, #tpu.memory_space<vmem_shared>>) target(%dma_start3A_311 : memref<128x128xf32, #tpu.memory_space<vmem>>) target_semaphore(%arg15 : memref<!tpu.dma_semaphore, #tpu.memory_space<semaphore_mem>>)
      %dma_wait3A_314 = arith.constant 0 : i32
      %dma_wait3A_315 = arith.constant 0 : i32
      %dma_wait3A_316 = arith.constant 0 : i32
      %dma_wait3A_317 = tpu.memref_slice %arg14[%dma_wait3A_314, %dma_wait3A_315, %dma_wait3A_316] : memref<2x128x128xf32, #tpu.memory_space<vmem>> -> memref<1x128x128xf32, #tpu.memory_space<vmem>>
      %dma_wait3A_318 = tpu.memref_squeeze %dma_wait3A_317 : memref<1x128x128xf32, #tpu.memory_space<vmem>> -> memref<128x128xf32, #tpu.memory_space<vmem>>
      %dma_wait3A_319 = arith.constant 0 : i32
      %dma_wait3A_320 = tpu.memref_slice %arg20[%add3A_300, %dma_wait3A_319] : memref<10240x128xf32, #tpu.memory_space<vmem_shared>> -> memref<128x128xf32, #tpu.memory_space<vmem_shared>>
      %dma_wait3A_321 = arith.constant 0 : i32
      %dma_wait3A_322 = arith.constant 0 : i32
      %dma_wait3A_323 = tpu.memref_slice %arg14[%dma_wait3A_314, %dma_wait3A_321, %dma_wait3A_322] : memref<2x128x128xf32, #tpu.memory_space<vmem>> -> memref<1x128x128xf32, #tpu.memory_space<vmem>>
      %dma_wait3A_324 = tpu.memref_squeeze %dma_wait3A_323 : memref<1x128x128xf32, #tpu.memory_space<vmem>> -> memref<128x128xf32, #tpu.memory_space<vmem>>
      %dma_wait3A_325 = arith.constant 0 : i32
      %dma_wait3A_326 = tpu.memref_slice %arg20[%add3A_300, %dma_wait3A_325] : memref<10240x128xf32, #tpu.memory_space<vmem_shared>> -> memref<128x128xf32, #tpu.memory_space<vmem_shared>>
      tpu.wait_dma2 semaphore(%arg15 : memref<!tpu.dma_semaphore, #tpu.memory_space<semaphore_mem>>) src(%dma_wait3A_326 : memref<128x128xf32, #tpu.memory_space<vmem_shared>>) dst(%dma_wait3A_324 : memref<128x128xf32, #tpu.memory_space<vmem>>)
      %dma_start3A_327 = arith.constant 0 : i32
      %dma_start3A_328 = arith.constant 1 : i32
      %dma_start3A_329 = arith.constant 0 : i32
      %dma_start3A_330 = arith.constant 0 : i32
      %dma_start3A_331 = tpu.memref_slice %arg14[%dma_start3A_327, %dma_start3A_329, %dma_start3A_330] : memref<2x128x128xf32, #tpu.memory_space<vmem>> -> memref<1x128x128xf32, #tpu.memory_space<vmem>>
      %dma_start3A_332 = tpu.memref_squeeze %dma_start3A_331 : memref<1x128x128xf32, #tpu.memory_space<vmem>> -> memref<128x128xf32, #tpu.memory_space<vmem>>
      %dma_start3A_333 = arith.constant 0 : i32
      %dma_start3A_334 = tpu.memref_slice %arg5[%dma_start3A_328, %add3A_300, %dma_start3A_333] : memref<2x10240x128xf32, #tpu.memory_space<hbm>> -> memref<1x128x128xf32, #tpu.memory_space<hbm>>
      %dma_start3A_335 = tpu.memref_squeeze %dma_start3A_334 : memref<1x128x128xf32, #tpu.memory_space<hbm>> -> memref<128x128xf32, #tpu.memory_space<hbm>>
      %dma_start3A_336 = arith.constant 0 : i32
      %dma_start3A_337 = tpu.memref_slice %arg5[%dma_start3A_328, %add3A_300, %dma_start3A_336] : memref<2x10240x128xf32, #tpu.memory_space<hbm>> -> memref<1x128x128xf32, #tpu.memory_space<hbm>>
      %dma_start3A_338 = tpu.memref_squeeze %dma_start3A_337 : memref<1x128x128xf32, #tpu.memory_space<hbm>> -> memref<128x128xf32, #tpu.memory_space<hbm>>
      %dma_start3A_339 = arith.constant 0 : i32
      %dma_start3A_340 = arith.constant 0 : i32
      %dma_start3A_341 = tpu.memref_slice %arg14[%dma_start3A_327, %dma_start3A_339, %dma_start3A_340] : memref<2x128x128xf32, #tpu.memory_space<vmem>> -> memref<1x128x128xf32, #tpu.memory_space<vmem>>
      %dma_start3A_342 = tpu.memref_squeeze %dma_start3A_341 : memref<1x128x128xf32, #tpu.memory_space<vmem>> -> memref<128x128xf32, #tpu.memory_space<vmem>>
      tpu.enqueue_dma source(%dma_start3A_342 : memref<128x128xf32, #tpu.memory_space<vmem>>) target(%dma_start3A_338 : memref<128x128xf32, #tpu.memory_space<hbm>>) target_semaphore(%arg17 : memref<!tpu.dma_semaphore, #tpu.memory_space<semaphore_mem>>)
      %dma_wait3A_343 = arith.constant 1 : i32
      %dma_wait3A_344 = arith.constant 1 : i32
      %dma_wait3A_345 = arith.constant 0 : i32
      %dma_wait3A_346 = arith.constant 0 : i32
      %dma_wait3A_347 = tpu.memref_slice %arg14[%dma_wait3A_343, %dma_wait3A_345, %dma_wait3A_346] : memref<2x128x128xf32, #tpu.memory_space<vmem>> -> memref<1x128x128xf32, #tpu.memory_space<vmem>>
      %dma_wait3A_348 = tpu.memref_squeeze %dma_wait3A_347 : memref<1x128x128xf32, #tpu.memory_space<vmem>> -> memref<128x128xf32, #tpu.memory_space<vmem>>
      %dma_wait3A_349 = arith.constant 0 : i32
      %dma_wait3A_350 = tpu.memref_slice %arg5[%dma_wait3A_344, %add3A_238, %dma_wait3A_349] : memref<2x10240x128xf32, #tpu.memory_space<hbm>> -> memref<1x128x128xf32, #tpu.memory_space<hbm>>
      %dma_wait3A_351 = tpu.memref_squeeze %dma_wait3A_350 : memref<1x128x128xf32, #tpu.memory_space<hbm>> -> memref<128x128xf32, #tpu.memory_space<hbm>>
      %dma_wait3A_352 = arith.constant 0 : i32
      %dma_wait3A_353 = tpu.memref_slice %arg5[%dma_wait3A_344, %add3A_238, %dma_wait3A_352] : memref<2x10240x128xf32, #tpu.memory_space<hbm>> -> memref<1x128x128xf32, #tpu.memory_space<hbm>>
      %dma_wait3A_354 = tpu.memref_squeeze %dma_wait3A_353 : memref<1x128x128xf32, #tpu.memory_space<hbm>> -> memref<128x128xf32, #tpu.memory_space<hbm>>
      %dma_wait3A_355 = arith.constant 0 : i32
      %dma_wait3A_356 = arith.constant 0 : i32
      %dma_wait3A_357 = tpu.memref_slice %arg14[%dma_wait3A_343, %dma_wait3A_355, %dma_wait3A_356] : memref<2x128x128xf32, #tpu.memory_space<vmem>> -> memref<1x128x128xf32, #tpu.memory_space<vmem>>
      %dma_wait3A_358 = tpu.memref_squeeze %dma_wait3A_357 : memref<1x128x128xf32, #tpu.memory_space<vmem>> -> memref<128x128xf32, #tpu.memory_space<vmem>>
      tpu.wait_dma2 semaphore(%arg18 : memref<!tpu.dma_semaphore, #tpu.memory_space<semaphore_mem>>) src(%dma_wait3A_358 : memref<128x128xf32, #tpu.memory_space<vmem>>) dst(%dma_wait3A_354 : memref<128x128xf32, #tpu.memory_space<hbm>>)
      %mul3A_359 = arith.constant 640 : i32
      %mul3A_360 = arith.muli %arg1, %mul3A_359 : i32
      %add3A_361 = arith.constant 384 : i32
      %add3A_362 = arith.addi %mul3A_360, %add3A_361 : i32
      %dma_start3A_363 = arith.constant 1 : i32
      %dma_start3A_364 = arith.constant 0 : i32
      %dma_start3A_365 = arith.constant 0 : i32
      %dma_start3A_366 = tpu.memref_slice %arg14[%dma_start3A_363, %dma_start3A_364, %dma_start3A_365] : memref<2x128x128xf32, #tpu.memory_space<vmem>> -> memref<1x128x128xf32, #tpu.memory_space<vmem>>
      %dma_start3A_367 = tpu.memref_squeeze %dma_start3A_366 : memref<1x128x128xf32, #tpu.memory_space<vmem>> -> memref<128x128xf32, #tpu.memory_space<vmem>>
      %dma_start3A_368 = arith.constant 0 : i32
      %dma_start3A_369 = tpu.memref_slice %arg20[%add3A_362, %dma_start3A_368] : memref<10240x128xf32, #tpu.memory_space<vmem_shared>> -> memref<128x128xf32, #tpu.memory_space<vmem_shared>>
      %dma_start3A_370 = arith.constant 0 : i32
      %dma_start3A_371 = arith.constant 0 : i32
      %dma_start3A_372 = tpu.memref_slice %arg14[%dma_start3A_363, %dma_start3A_370, %dma_start3A_371] : memref<2x128x128xf32, #tpu.memory_space<vmem>> -> memref<1x128x128xf32, #tpu.memory_space<vmem>>
      %dma_start3A_373 = tpu.memref_squeeze %dma_start3A_372 : memref<1x128x128xf32, #tpu.memory_space<vmem>> -> memref<128x128xf32, #tpu.memory_space<vmem>>
      %dma_start3A_374 = arith.constant 0 : i32
      %dma_start3A_375 = tpu.memref_slice %arg20[%add3A_362, %dma_start3A_374] : memref<10240x128xf32, #tpu.memory_space<vmem_shared>> -> memref<128x128xf32, #tpu.memory_space<vmem_shared>>
      tpu.enqueue_dma source(%dma_start3A_375 : memref<128x128xf32, #tpu.memory_space<vmem_shared>>) target(%dma_start3A_373 : memref<128x128xf32, #tpu.memory_space<vmem>>) target_semaphore(%arg16 : memref<!tpu.dma_semaphore, #tpu.memory_space<semaphore_mem>>)
      %dma_wait3A_376 = arith.constant 1 : i32
      %dma_wait3A_377 = arith.constant 0 : i32
      %dma_wait3A_378 = arith.constant 0 : i32
      %dma_wait3A_379 = tpu.memref_slice %arg14[%dma_wait3A_376, %dma_wait3A_377, %dma_wait3A_378] : memref<2x128x128xf32, #tpu.memory_space<vmem>> -> memref<1x128x128xf32, #tpu.memory_space<vmem>>
      %dma_wait3A_380 = tpu.memref_squeeze %dma_wait3A_379 : memref<1x128x128xf32, #tpu.memory_space<vmem>> -> memref<128x128xf32, #tpu.memory_space<vmem>>
      %dma_wait3A_381 = arith.constant 0 : i32
      %dma_wait3A_382 = tpu.memref_slice %arg20[%add3A_362, %dma_wait3A_381] : memref<10240x128xf32, #tpu.memory_space<vmem_shared>> -> memref<128x128xf32, #tpu.memory_space<vmem_shared>>
      %dma_wait3A_383 = arith.constant 0 : i32
      %dma_wait3A_384 = arith.constant 0 : i32
      %dma_wait3A_385 = tpu.memref_slice %arg14[%dma_wait3A_376, %dma_wait3A_383, %dma_wait3A_384] : memref<2x128x128xf32, #tpu.memory_space<vmem>> -> memref<1x128x128xf32, #tpu.memory_space<vmem>>
      %dma_wait3A_386 = tpu.memref_squeeze %dma_wait3A_385 : memref<1x128x128xf32, #tpu.memory_space<vmem>> -> memref<128x128xf32, #tpu.memory_space<vmem>>
      %dma_wait3A_387 = arith.constant 0 : i32
      %dma_wait3A_388 = tpu.memref_slice %arg20[%add3A_362, %dma_wait3A_387] : memref<10240x128xf32, #tpu.memory_space<vmem_shared>> -> memref<128x128xf32, #tpu.memory_space<vmem_shared>>
      tpu.wait_dma2 semaphore(%arg16 : memref<!tpu.dma_semaphore, #tpu.memory_space<semaphore_mem>>) src(%dma_wait3A_388 : memref<128x128xf32, #tpu.memory_space<vmem_shared>>) dst(%dma_wait3A_386 : memref<128x128xf32, #tpu.memory_space<vmem>>)
      %dma_start3A_389 = arith.constant 1 : i32
      %dma_start3A_390 = arith.constant 1 : i32
      %dma_start3A_391 = arith.constant 0 : i32
      %dma_start3A_392 = arith.constant 0 : i32
      %dma_start3A_393 = tpu.memref_slice %arg14[%dma_start3A_389, %dma_start3A_391, %dma_start3A_392] : memref<2x128x128xf32, #tpu.memory_space<vmem>> -> memref<1x128x128xf32, #tpu.memory_space<vmem>>
      %dma_start3A_394 = tpu.memref_squeeze %dma_start3A_393 : memref<1x128x128xf32, #tpu.memory_space<vmem>> -> memref<128x128xf32, #tpu.memory_space<vmem>>
      %dma_start3A_395 = arith.constant 0 : i32
      %dma_start3A_396 = tpu.memref_slice %arg5[%dma_start3A_390, %add3A_362, %dma_start3A_395] : memref<2x10240x128xf32, #tpu.memory_space<hbm>> -> memref<1x128x128xf32, #tpu.memory_space<hbm>>
      %dma_start3A_397 = tpu.memref_squeeze %dma_start3A_396 : memref<1x128x128xf32, #tpu.memory_space<hbm>> -> memref<128x128xf32, #tpu.memory_space<hbm>>
      %dma_start3A_398 = arith.constant 0 : i32
      %dma_start3A_399 = tpu.memref_slice %arg5[%dma_start3A_390, %add3A_362, %dma_start3A_398] : memref<2x10240x128xf32, #tpu.memory_space<hbm>> -> memref<1x128x128xf32, #tpu.memory_space<hbm>>
      %dma_start3A_400 = tpu.memref_squeeze %dma_start3A_399 : memref<1x128x128xf32, #tpu.memory_space<hbm>> -> memref<128x128xf32, #tpu.memory_space<hbm>>
      %dma_start3A_401 = arith.constant 0 : i32
      %dma_start3A_402 = arith.constant 0 : i32
      %dma_start3A_403 = tpu.memref_slice %arg14[%dma_start3A_389, %dma_start3A_401, %dma_start3A_402] : memref<2x128x128xf32, #tpu.memory_space<vmem>> -> memref<1x128x128xf32, #tpu.memory_space<vmem>>
      %dma_start3A_404 = tpu.memref_squeeze %dma_start3A_403 : memref<1x128x128xf32, #tpu.memory_space<vmem>> -> memref<128x128xf32, #tpu.memory_space<vmem>>
      tpu.enqueue_dma source(%dma_start3A_404 : memref<128x128xf32, #tpu.memory_space<vmem>>) target(%dma_start3A_400 : memref<128x128xf32, #tpu.memory_space<hbm>>) target_semaphore(%arg18 : memref<!tpu.dma_semaphore, #tpu.memory_space<semaphore_mem>>)
      %dma_wait3A_405 = arith.constant 0 : i32
      %dma_wait3A_406 = arith.constant 1 : i32
      %dma_wait3A_407 = arith.constant 0 : i32
      %dma_wait3A_408 = arith.constant 0 : i32
      %dma_wait3A_409 = tpu.memref_slice %arg14[%dma_wait3A_405, %dma_wait3A_407, %dma_wait3A_408] : memref<2x128x128xf32, #tpu.memory_space<vmem>> -> memref<1x128x128xf32, #tpu.memory_space<vmem>>
      %dma_wait3A_410 = tpu.memref_squeeze %dma_wait3A_409 : memref<1x128x128xf32, #tpu.memory_space<vmem>> -> memref<128x128xf32, #tpu.memory_space<vmem>>
      %dma_wait3A_411 = arith.constant 0 : i32
      %dma_wait3A_412 = tpu.memref_slice %arg5[%dma_wait3A_406, %add3A_300, %dma_wait3A_411] : memref<2x10240x128xf32, #tpu.memory_space<hbm>> -> memref<1x128x128xf32, #tpu.memory_space<hbm>>
      %dma_wait3A_413 = tpu.memref_squeeze %dma_wait3A_412 : memref<1x128x128xf32, #tpu.memory_space<hbm>> -> memref<128x128xf32, #tpu.memory_space<hbm>>
      %dma_wait3A_414 = arith.constant 0 : i32
      %dma_wait3A_415 = tpu.memref_slice %arg5[%dma_wait3A_406, %add3A_300, %dma_wait3A_414] : memref<2x10240x128xf32, #tpu.memory_space<hbm>> -> memref<1x128x128xf32, #tpu.memory_space<hbm>>
      %dma_wait3A_416 = tpu.memref_squeeze %dma_wait3A_415 : memref<1x128x128xf32, #tpu.memory_space<hbm>> -> memref<128x128xf32, #tpu.memory_space<hbm>>
      %dma_wait3A_417 = arith.constant 0 : i32
      %dma_wait3A_418 = arith.constant 0 : i32
      %dma_wait3A_419 = tpu.memref_slice %arg14[%dma_wait3A_405, %dma_wait3A_417, %dma_wait3A_418] : memref<2x128x128xf32, #tpu.memory_space<vmem>> -> memref<1x128x128xf32, #tpu.memory_space<vmem>>
      %dma_wait3A_420 = tpu.memref_squeeze %dma_wait3A_419 : memref<1x128x128xf32, #tpu.memory_space<vmem>> -> memref<128x128xf32, #tpu.memory_space<vmem>>
      tpu.wait_dma2 semaphore(%arg17 : memref<!tpu.dma_semaphore, #tpu.memory_space<semaphore_mem>>) src(%dma_wait3A_420 : memref<128x128xf32, #tpu.memory_space<vmem>>) dst(%dma_wait3A_416 : memref<128x128xf32, #tpu.memory_space<hbm>>)
      %mul3A_421 = arith.constant 640 : i32
      %mul3A_422 = arith.muli %arg1, %mul3A_421 : i32
      %add3A_423 = arith.constant 512 : i32
      %add3A_424 = arith.addi %mul3A_422, %add3A_423 : i32
      %dma_start3A_425 = arith.constant 0 : i32
      %dma_start3A_426 = arith.constant 0 : i32
      %dma_start3A_427 = arith.constant 0 : i32
      %dma_start3A_428 = tpu.memref_slice %arg14[%dma_start3A_425, %dma_start3A_426, %dma_start3A_427] : memref<2x128x128xf32, #tpu.memory_space<vmem>> -> memref<1x128x128xf32, #tpu.memory_space<vmem>>
      %dma_start3A_429 = tpu.memref_squeeze %dma_start3A_428 : memref<1x128x128xf32, #tpu.memory_space<vmem>> -> memref<128x128xf32, #tpu.memory_space<vmem>>
      %dma_start3A_430 = arith.constant 0 : i32
      %dma_start3A_431 = tpu.memref_slice %arg20[%add3A_424, %dma_start3A_430] : memref<10240x128xf32, #tpu.memory_space<vmem_shared>> -> memref<128x128xf32, #tpu.memory_space<vmem_shared>>
      %dma_start3A_432 = arith.constant 0 : i32
      %dma_start3A_433 = arith.constant 0 : i32
      %dma_start3A_434 = tpu.memref_slice %arg14[%dma_start3A_425, %dma_start3A_432, %dma_start3A_433] : memref<2x128x128xf32, #tpu.memory_space<vmem>> -> memref<1x128x128xf32, #tpu.memory_space<vmem>>
      %dma_start3A_435 = tpu.memref_squeeze %dma_start3A_434 : memref<1x128x128xf32, #tpu.memory_space<vmem>> -> memref<128x128xf32, #tpu.memory_space<vmem>>
      %dma_start3A_436 = arith.constant 0 : i32
      %dma_start3A_437 = tpu.memref_slice %arg20[%add3A_424, %dma_start3A_436] : memref<10240x128xf32, #tpu.memory_space<vmem_shared>> -> memref<128x128xf32, #tpu.memory_space<vmem_shared>>
      tpu.enqueue_dma source(%dma_start3A_437 : memref<128x128xf32, #tpu.memory_space<vmem_shared>>) target(%dma_start3A_435 : memref<128x128xf32, #tpu.memory_space<vmem>>) target_semaphore(%arg15 : memref<!tpu.dma_semaphore, #tpu.memory_space<semaphore_mem>>)
      %dma_wait3A_438 = arith.constant 0 : i32
      %dma_wait3A_439 = arith.constant 0 : i32
      %dma_wait3A_440 = arith.constant 0 : i32
      %dma_wait3A_441 = tpu.memref_slice %arg14[%dma_wait3A_438, %dma_wait3A_439, %dma_wait3A_440] : memref<2x128x128xf32, #tpu.memory_space<vmem>> -> memref<1x128x128xf32, #tpu.memory_space<vmem>>
      %dma_wait3A_442 = tpu.memref_squeeze %dma_wait3A_441 : memref<1x128x128xf32, #tpu.memory_space<vmem>> -> memref<128x128xf32, #tpu.memory_space<vmem>>
      %dma_wait3A_443 = arith.constant 0 : i32
      %dma_wait3A_444 = tpu.memref_slice %arg20[%add3A_424, %dma_wait3A_443] : memref<10240x128xf32, #tpu.memory_space<vmem_shared>> -> memref<128x128xf32, #tpu.memory_space<vmem_shared>>
      %dma_wait3A_445 = arith.constant 0 : i32
      %dma_wait3A_446 = arith.constant 0 : i32
      %dma_wait3A_447 = tpu.memref_slice %arg14[%dma_wait3A_438, %dma_wait3A_445, %dma_wait3A_446] : memref<2x128x128xf32, #tpu.memory_space<vmem>> -> memref<1x128x128xf32, #tpu.memory_space<vmem>>
      %dma_wait3A_448 = tpu.memref_squeeze %dma_wait3A_447 : memref<1x128x128xf32, #tpu.memory_space<vmem>> -> memref<128x128xf32, #tpu.memory_space<vmem>>
      %dma_wait3A_449 = arith.constant 0 : i32
      %dma_wait3A_450 = tpu.memref_slice %arg20[%add3A_424, %dma_wait3A_449] : memref<10240x128xf32, #tpu.memory_space<vmem_shared>> -> memref<128x128xf32, #tpu.memory_space<vmem_shared>>
      tpu.wait_dma2 semaphore(%arg15 : memref<!tpu.dma_semaphore, #tpu.memory_space<semaphore_mem>>) src(%dma_wait3A_450 : memref<128x128xf32, #tpu.memory_space<vmem_shared>>) dst(%dma_wait3A_448 : memref<128x128xf32, #tpu.memory_space<vmem>>)
      %dma_start3A_451 = arith.constant 0 : i32
      %dma_start3A_452 = arith.constant 1 : i32
      %dma_start3A_453 = arith.constant 0 : i32
      %dma_start3A_454 = arith.constant 0 : i32
      %dma_start3A_455 = tpu.memref_slice %arg14[%dma_start3A_451, %dma_start3A_453, %dma_start3A_454] : memref<2x128x128xf32, #tpu.memory_space<vmem>> -> memref<1x128x128xf32, #tpu.memory_space<vmem>>
      %dma_start3A_456 = tpu.memref_squeeze %dma_start3A_455 : memref<1x128x128xf32, #tpu.memory_space<vmem>> -> memref<128x128xf32, #tpu.memory_space<vmem>>
      %dma_start3A_457 = arith.constant 0 : i32
      %dma_start3A_458 = tpu.memref_slice %arg5[%dma_start3A_452, %add3A_424, %dma_start3A_457] : memref<2x10240x128xf32, #tpu.memory_space<hbm>> -> memref<1x128x128xf32, #tpu.memory_space<hbm>>
      %dma_start3A_459 = tpu.memref_squeeze %dma_start3A_458 : memref<1x128x128xf32, #tpu.memory_space<hbm>> -> memref<128x128xf32, #tpu.memory_space<hbm>>
      %dma_start3A_460 = arith.constant 0 : i32
      %dma_start3A_461 = tpu.memref_slice %arg5[%dma_start3A_452, %add3A_424, %dma_start3A_460] : memref<2x10240x128xf32, #tpu.memory_space<hbm>> -> memref<1x128x128xf32, #tpu.memory_space<hbm>>
      %dma_start3A_462 = tpu.memref_squeeze %dma_start3A_461 : memref<1x128x128xf32, #tpu.memory_space<hbm>> -> memref<128x128xf32, #tpu.memory_space<hbm>>
      %dma_start3A_463 = arith.constant 0 : i32
      %dma_start3A_464 = arith.constant 0 : i32
      %dma_start3A_465 = tpu.memref_slice %arg14[%dma_start3A_451, %dma_start3A_463, %dma_start3A_464] : memref<2x128x128xf32, #tpu.memory_space<vmem>> -> memref<1x128x128xf32, #tpu.memory_space<vmem>>
      %dma_start3A_466 = tpu.memref_squeeze %dma_start3A_465 : memref<1x128x128xf32, #tpu.memory_space<vmem>> -> memref<128x128xf32, #tpu.memory_space<vmem>>
      tpu.enqueue_dma source(%dma_start3A_466 : memref<128x128xf32, #tpu.memory_space<vmem>>) target(%dma_start3A_462 : memref<128x128xf32, #tpu.memory_space<hbm>>) target_semaphore(%arg17 : memref<!tpu.dma_semaphore, #tpu.memory_space<semaphore_mem>>)
      %dma_wait3A_467 = arith.constant 1 : i32
      %dma_wait3A_468 = arith.constant 1 : i32
      %dma_wait3A_469 = arith.constant 0 : i32
      %dma_wait3A_470 = arith.constant 0 : i32
      %dma_wait3A_471 = tpu.memref_slice %arg14[%dma_wait3A_467, %dma_wait3A_469, %dma_wait3A_470] : memref<2x128x128xf32, #tpu.memory_space<vmem>> -> memref<1x128x128xf32, #tpu.memory_space<vmem>>
      %dma_wait3A_472 = tpu.memref_squeeze %dma_wait3A_471 : memref<1x128x128xf32, #tpu.memory_space<vmem>> -> memref<128x128xf32, #tpu.memory_space<vmem>>
      %dma_wait3A_473 = arith.constant 0 : i32
      %dma_wait3A_474 = tpu.memref_slice %arg5[%dma_wait3A_468, %add3A_362, %dma_wait3A_473] : memref<2x10240x128xf32, #tpu.memory_space<hbm>> -> memref<1x128x128xf32, #tpu.memory_space<hbm>>
      %dma_wait3A_475 = tpu.memref_squeeze %dma_wait3A_474 : memref<1x128x128xf32, #tpu.memory_space<hbm>> -> memref<128x128xf32, #tpu.memory_space<hbm>>
      %dma_wait3A_476 = arith.constant 0 : i32
      %dma_wait3A_477 = tpu.memref_slice %arg5[%dma_wait3A_468, %add3A_362, %dma_wait3A_476] : memref<2x10240x128xf32, #tpu.memory_space<hbm>> -> memref<1x128x128xf32, #tpu.memory_space<hbm>>
      %dma_wait3A_478 = tpu.memref_squeeze %dma_wait3A_477 : memref<1x128x128xf32, #tpu.memory_space<hbm>> -> memref<128x128xf32, #tpu.memory_space<hbm>>
      %dma_wait3A_479 = arith.constant 0 : i32
      %dma_wait3A_480 = arith.constant 0 : i32
      %dma_wait3A_481 = tpu.memref_slice %arg14[%dma_wait3A_467, %dma_wait3A_479, %dma_wait3A_480] : memref<2x128x128xf32, #tpu.memory_space<vmem>> -> memref<1x128x128xf32, #tpu.memory_space<vmem>>
      %dma_wait3A_482 = tpu.memref_squeeze %dma_wait3A_481 : memref<1x128x128xf32, #tpu.memory_space<vmem>> -> memref<128x128xf32, #tpu.memory_space<vmem>>
      tpu.wait_dma2 semaphore(%arg18 : memref<!tpu.dma_semaphore, #tpu.memory_space<semaphore_mem>>) src(%dma_wait3A_482 : memref<128x128xf32, #tpu.memory_space<vmem>>) dst(%dma_wait3A_478 : memref<128x128xf32, #tpu.memory_space<hbm>>)
      %dma_wait3A_483 = arith.constant 0 : i32
      %dma_wait3A_484 = arith.constant 1 : i32
      %dma_wait3A_485 = arith.constant 0 : i32
      %dma_wait3A_486 = arith.constant 0 : i32
      %dma_wait3A_487 = tpu.memref_slice %arg14[%dma_wait3A_483, %dma_wait3A_485, %dma_wait3A_486] : memref<2x128x128xf32, #tpu.memory_space<vmem>> -> memref<1x128x128xf32, #tpu.memory_space<vmem>>
      %dma_wait3A_488 = tpu.memref_squeeze %dma_wait3A_487 : memref<1x128x128xf32, #tpu.memory_space<vmem>> -> memref<128x128xf32, #tpu.memory_space<vmem>>
      %dma_wait3A_489 = arith.constant 0 : i32
      %dma_wait3A_490 = tpu.memref_slice %arg5[%dma_wait3A_484, %add3A_424, %dma_wait3A_489] : memref<2x10240x128xf32, #tpu.memory_space<hbm>> -> memref<1x128x128xf32, #tpu.memory_space<hbm>>
      %dma_wait3A_491 = tpu.memref_squeeze %dma_wait3A_490 : memref<1x128x128xf32, #tpu.memory_space<hbm>> -> memref<128x128xf32, #tpu.memory_space<hbm>>
      %dma_wait3A_492 = arith.constant 0 : i32
      %dma_wait3A_493 = tpu.memref_slice %arg5[%dma_wait3A_484, %add3A_424, %dma_wait3A_492] : memref<2x10240x128xf32, #tpu.memory_space<hbm>> -> memref<1x128x128xf32, #tpu.memory_space<hbm>>
      %dma_wait3A_494 = tpu.memref_squeeze %dma_wait3A_493 : memref<1x128x128xf32, #tpu.memory_space<hbm>> -> memref<128x128xf32, #tpu.memory_space<hbm>>
      %dma_wait3A_495 = arith.constant 0 : i32
      %dma_wait3A_496 = arith.constant 0 : i32
      %dma_wait3A_497 = tpu.memref_slice %arg14[%dma_wait3A_483, %dma_wait3A_495, %dma_wait3A_496] : memref<2x128x128xf32, #tpu.memory_space<vmem>> -> memref<1x128x128xf32, #tpu.memory_space<vmem>>
      %dma_wait3A_498 = tpu.memref_squeeze %dma_wait3A_497 : memref<1x128x128xf32, #tpu.memory_space<vmem>> -> memref<128x128xf32, #tpu.memory_space<vmem>>
      tpu.wait_dma2 semaphore(%arg17 : memref<!tpu.dma_semaphore, #tpu.memory_space<semaphore_mem>>) src(%dma_wait3A_498 : memref<128x128xf32, #tpu.memory_space<vmem>>) dst(%dma_wait3A_494 : memref<128x128xf32, #tpu.memory_space<hbm>>)
    } else {
    }
    return
  }
}

module attributes {stable_mosaic.version = 14 : i64} {
  func.func @_tc_hs_body(%arg0: i32, %arg1: memref<1000x128xf32, #tpu.memory_space<vmem>>, %arg2: memref<128x128xf32, #tpu.memory_space<vmem>>, %arg3: memref<1000x2xf32, #tpu.memory_space<vmem>>, %arg4: memref<1000x128xf32, #tpu.memory_space<vmem>>) attributes {dimension_semantics = [#tpu.dimension_semantics<arbitrary>], iteration_bounds = array<i64: 10>, scalar_prefetch = 0 : i64, scratch_operands = 0 : i64, tpu.core_type = #tpu.core_type<tc>, window_params = [{transform_indices = @transform_0, window_bounds = array<i64: 1000, 128>}, {pipeline_mode = #tpu.pipeline_mode<synchronous>, transform_indices = @transform_1, window_bounds = array<i64: 128, 128>}, {transform_indices = @transform_2, window_bounds = array<i64: 1000, 2>}, {transform_indices = @transform_3, window_bounds = array<i64: 1000, 128>}]} {
    %get3A = arith.constant 0 : index
    %get3A_0 = arith.constant 0 : index
    %get3A_1 = vector.load %arg3[%get3A, %get3A_0] : memref<1000x2xf32, #tpu.memory_space<vmem>>, vector<1000x1xf32>
    %get3A_2 = vector.shape_cast %get3A_1 : vector<1000x1xf32> to vector<1000xf32>
    %get3A_3 = arith.constant 0 : index
    %get3A_4 = arith.constant 1 : index
    %get3A_5 = vector.load %arg3[%get3A_3, %get3A_4] : memref<1000x2xf32, #tpu.memory_space<vmem>>, vector<1000x1xf32>
    %get3A_6 = vector.shape_cast %get3A_5 : vector<1000x1xf32> to vector<1000xf32>
    %add3A = arith.addf %get3A_2, %get3A_6 : vector<1000xf32>
    %add3A_7 = arith.constant 1.000000e+00 : f32
    %add3A_8 = vector.broadcast %add3A_7 : f32 to vector<1000xf32>
    %add3A_9 = arith.addf %add3A, %add3A_8 : vector<1000xf32>
    %sqrt3A = math.sqrt %add3A_9 : vector<1000xf32>
    %div3A = arith.constant 1.000000e+00 : f32
    %div3A_10 = vector.broadcast %div3A : f32 to vector<1000xf32>
    %div3A_11 = arith.divf %div3A_10, %sqrt3A : vector<1000xf32>
    %get3A_12 = arith.constant 0 : index
    %get3A_13 = arith.constant 0 : index
    %get3A_14 = vector.load %arg1[%get3A_12, %get3A_13] : memref<1000x128xf32, #tpu.memory_space<vmem>>, vector<1000x128xf32>
    %get3A_15 = arith.constant 0 : index
    %get3A_16 = arith.constant 0 : index
    %get3A_17 = vector.load %arg2[%get3A_15, %get3A_16] : memref<128x128xf32, #tpu.memory_space<vmem>>, vector<128x128xf32>
    %dot_general3A = arith.constant dense<0.000000e+00> : vector<1000x128xf32>
    %dot_general3A_18 = tpu.matmul %get3A_14, %get3A_17, %dot_general3A {dimension_numbers = #tpu.dot_dimension_numbers<[1], [0], [0], [1], [0, 0, 1, 1], [], []>, transpose_lhs_hint = false} : vector<1000x128xf32>, vector<128x128xf32>, vector<1000x128xf32> -> vector<1000x128xf32>
    %broadcast_in_dim3A = vector.shape_cast %div3A_11 : vector<1000xf32> to vector<1000x1xf32>
    %mul3A = vector.broadcast %broadcast_in_dim3A : vector<1000x1xf32> to vector<1000x128xf32>
    %mul3A_19 = arith.mulf %dot_general3A_18, %mul3A : vector<1000x128xf32>
    %swap3A = arith.constant 0 : index
    %swap3A_20 = arith.constant 0 : index
    %swap3A_21 = vector.load %arg4[%swap3A, %swap3A_20] : memref<1000x128xf32, #tpu.memory_space<vmem>>, vector<1000x128xf32>
    tpu.vector_store %arg4[%swap3A, %swap3A_20], %mul3A_19 {strides = array<i32>} : memref<1000x128xf32, #tpu.memory_space<vmem>>, vector<1000x128xf32>,
    return
  }
  func.func @transform_0(%arg0: i32) -> (i32, i32) {
    %c0_i32 = arith.constant 0 : i32
    %c0_i32_0 = arith.constant 0 : i32
    return %arg0, %c0_i32 : i32, i32
  }
  func.func @transform_1(%arg0: i32) -> (i32, i32) {
    %c0_i32 = arith.constant 0 : i32
    %c0_i32_0 = arith.constant 0 : i32
    %c0_i32_1 = arith.constant 0 : i32
    return %c0_i32, %c0_i32_0 : i32, i32
  }
  func.func @transform_2(%arg0: i32) -> (i32, i32) {
    %c0_i32 = arith.constant 0 : i32
    %c0_i32_0 = arith.constant 0 : i32
    return %arg0, %c0_i32 : i32, i32
  }
  func.func @transform_3(%arg0: i32) -> (i32, i32) {
    %c0_i32 = arith.constant 0 : i32
    %c0_i32_0 = arith.constant 0 : i32
    return %arg0, %c0_i32 : i32, i32
  }
}

module attributes {stable_mosaic.version = 14 : i64} {
  func.func @_tc_out_body2(%arg0: i32, %arg1: memref<1x1000x128xf32, #tpu.memory_space<vmem>>, %arg2: memref<1x1000x128xf32, #tpu.memory_space<vmem>>, %arg3: memref<1000x128xf32, #tpu.memory_space<vmem>>, %arg4: memref<1000x2xf32, #tpu.memory_space<vmem>>, %arg5: memref<128xf32, #tpu.memory_space<vmem>>, %arg6: memref<128x64xf32, #tpu.memory_space<vmem>>, %arg7: memref<64xf32, #tpu.memory_space<vmem>>, %arg8: memref<1000x64xf32, #tpu.memory_space<vmem>>) attributes {dimension_semantics = [#tpu.dimension_semantics<arbitrary>], iteration_bounds = array<i64: 10>, scalar_prefetch = 0 : i64, scratch_operands = 0 : i64, tpu.core_type = #tpu.core_type<tc>, window_params = [{transform_indices = @transform_0, window_bounds = array<i64: 1, 1000, 128>}, {transform_indices = @transform_1, window_bounds = array<i64: 1, 1000, 128>}, {transform_indices = @transform_2, window_bounds = array<i64: 1000, 128>}, {transform_indices = @transform_3, window_bounds = array<i64: 1000, 2>}, {pipeline_mode = #tpu.pipeline_mode<synchronous>, transform_indices = @transform_4, window_bounds = array<i64: 128>}, {pipeline_mode = #tpu.pipeline_mode<synchronous>, transform_indices = @transform_5, window_bounds = array<i64: 128, 64>}, {pipeline_mode = #tpu.pipeline_mode<synchronous>, transform_indices = @transform_6, window_bounds = array<i64: 64>}, {transform_indices = @transform_7, window_bounds = array<i64: 1000, 64>}]} {
    %get3A = arith.constant 0 : index
    %get3A_0 = arith.constant 0 : index
    %get3A_1 = vector.load %arg4[%get3A, %get3A_0] : memref<1000x2xf32, #tpu.memory_space<vmem>>, vector<1000x1xf32>
    %get3A_2 = vector.shape_cast %get3A_1 : vector<1000x1xf32> to vector<1000xf32>
    %get3A_3 = arith.constant 0 : index
    %get3A_4 = arith.constant 1 : index
    %get3A_5 = vector.load %arg4[%get3A_3, %get3A_4] : memref<1000x2xf32, #tpu.memory_space<vmem>>, vector<1000x1xf32>
    %get3A_6 = vector.shape_cast %get3A_5 : vector<1000x1xf32> to vector<1000xf32>
    %add3A = arith.addf %get3A_2, %get3A_6 : vector<1000xf32>
    %add3A_7 = arith.constant 1.000000e+00 : f32
    %add3A_8 = vector.broadcast %add3A_7 : f32 to vector<1000xf32>
    %add3A_9 = arith.addf %add3A, %add3A_8 : vector<1000xf32>
    %sqrt3A = math.sqrt %add3A_9 : vector<1000xf32>
    %div3A = arith.constant 1.000000e+00 : f32
    %div3A_10 = vector.broadcast %div3A : f32 to vector<1000xf32>
    %div3A_11 = arith.divf %div3A_10, %sqrt3A : vector<1000xf32>
    %get3A_12 = arith.constant 0 : index
    %get3A_13 = arith.constant 0 : index
    %get3A_14 = arith.constant 0 : index
    %get3A_15 = vector.load %arg1[%get3A_12, %get3A_13, %get3A_14] : memref<1x1000x128xf32, #tpu.memory_space<vmem>>, vector<1x1000x128xf32>
    %get3A_16 = vector.shape_cast %get3A_15 : vector<1x1000x128xf32> to vector<1000x128xf32>
    %get3A_17 = arith.constant 0 : index
    %get3A_18 = arith.constant 0 : index
    %get3A_19 = arith.constant 0 : index
    %get3A_20 = vector.load %arg2[%get3A_17, %get3A_18, %get3A_19] : memref<1x1000x128xf32, #tpu.memory_space<vmem>>, vector<1x1000x128xf32>
    %get3A_21 = vector.shape_cast %get3A_20 : vector<1x1000x128xf32> to vector<1000x128xf32>
    %add3A_22 = arith.addf %get3A_16, %get3A_21 : vector<1000x128xf32>
    %get3A_23 = arith.constant 0 : index
    %get3A_24 = arith.constant 0 : index
    %get3A_25 = vector.load %arg3[%get3A_23, %get3A_24] : memref<1000x128xf32, #tpu.memory_space<vmem>>, vector<1000x128xf32>
    %add3A_26 = arith.addf %add3A_22, %get3A_25 : vector<1000x128xf32>
    %broadcast_in_dim3A = vector.shape_cast %div3A_11 : vector<1000xf32> to vector<1000x1xf32>
    %mul3A = vector.broadcast %broadcast_in_dim3A : vector<1000x1xf32> to vector<1000x128xf32>
    %mul3A_27 = arith.mulf %add3A_26, %mul3A : vector<1000x128xf32>
    %get3A_28 = arith.constant 0 : index
    %get3A_29 = vector.load %arg5[%get3A_28] : memref<128xf32, #tpu.memory_space<vmem>>, vector<128xf32>
    %broadcast_in_dim3A_30 = vector.shape_cast %get3A_29 : vector<128xf32> to vector<1x128xf32>
    %add3A_31 = vector.broadcast %broadcast_in_dim3A_30 : vector<1x128xf32> to vector<1000x128xf32>
    %add3A_32 = arith.addf %mul3A_27, %add3A_31 : vector<1000x128xf32>
    %max3A = arith.constant 0.000000e+00 : f32
    %max3A_33 = vector.broadcast %max3A : f32 to vector<1000x128xf32>
    %max3A_34 = arith.maximumf %add3A_32, %max3A_33 : vector<1000x128xf32>
    %get3A_35 = arith.constant 0 : index
    %get3A_36 = arith.constant 0 : index
    %get3A_37 = vector.load %arg6[%get3A_35, %get3A_36] : memref<128x64xf32, #tpu.memory_space<vmem>>, vector<128x64xf32>
    %dot_general3A = arith.constant dense<0.000000e+00> : vector<1000x64xf32>
    %dot_general3A_38 = tpu.matmul %max3A_34, %get3A_37, %dot_general3A {dimension_numbers = #tpu.dot_dimension_numbers<[1], [0], [0], [1], [0, 0, 1, 1], [], []>, transpose_lhs_hint = false} : vector<1000x128xf32>, vector<128x64xf32>, vector<1000x64xf32> -> vector<1000x64xf32>
    %get3A_39 = arith.constant 0 : index
    %get3A_40 = vector.load %arg7[%get3A_39] : memref<64xf32, #tpu.memory_space<vmem>>, vector<64xf32>
    %broadcast_in_dim3A_41 = vector.shape_cast %get3A_40 : vector<64xf32> to vector<1x64xf32>
    %add3A_42 = vector.broadcast %broadcast_in_dim3A_41 : vector<1x64xf32> to vector<1000x64xf32>
    %add3A_43 = arith.addf %dot_general3A_38, %add3A_42 : vector<1000x64xf32>
    %swap3A = arith.constant 0 : index
    %swap3A_44 = arith.constant 0 : index
    %swap3A_45 = vector.load %arg8[%swap3A, %swap3A_44] : memref<1000x64xf32, #tpu.memory_space<vmem>>, vector<1000x64xf32>
    tpu.vector_store %arg8[%swap3A, %swap3A_44], %add3A_43 {strides = array<i32>} : memref<1000x64xf32, #tpu.memory_space<vmem>>, vector<1000x64xf32>,
    return
  }
  func.func @transform_0(%arg0: i32) -> (i32, i32, i32) {
    %c0_i32 = arith.constant 0 : i32
    %c0_i32_0 = arith.constant 0 : i32
    %c0_i32_1 = arith.constant 0 : i32
    return %c0_i32, %arg0, %c0_i32_0 : i32, i32, i32
  }
  func.func @transform_1(%arg0: i32) -> (i32, i32, i32) {
    %c1_i32 = arith.constant 1 : i32
    %c0_i32 = arith.constant 0 : i32
    %c0_i32_0 = arith.constant 0 : i32
    return %c1_i32, %arg0, %c0_i32 : i32, i32, i32
  }
  func.func @transform_2(%arg0: i32) -> (i32, i32) {
    %c0_i32 = arith.constant 0 : i32
    %c0_i32_0 = arith.constant 0 : i32
    return %arg0, %c0_i32 : i32, i32
  }
  func.func @transform_3(%arg0: i32) -> (i32, i32) {
    %c0_i32 = arith.constant 0 : i32
    %c0_i32_0 = arith.constant 0 : i32
    return %arg0, %c0_i32 : i32, i32
  }
  func.func @transform_4(%arg0: i32) -> i32 {
    %c0_i32 = arith.constant 0 : i32
    %c0_i32_0 = arith.constant 0 : i32
    return %c0_i32 : i32
  }
  func.func @transform_5(%arg0: i32) -> (i32, i32) {
    %c0_i32 = arith.constant 0 : i32
    %c0_i32_0 = arith.constant 0 : i32
    %c0_i32_1 = arith.constant 0 : i32
    return %c0_i32, %c0_i32_0 : i32, i32
  }
  func.func @transform_6(%arg0: i32) -> i32 {
    %c0_i32 = arith.constant 0 : i32
    %c0_i32_0 = arith.constant 0 : i32
    return %c0_i32 : i32
  }
  func.func @transform_7(%arg0: i32) -> (i32, i32) {
    %c0_i32 = arith.constant 0 : i32
    %c0_i32_0 = arith.constant 0 : i32
    return %arg0, %c0_i32 : i32, i32
  }
}

</mosaic_0001>

<sc_bundles>
// kernel: kernel.6.cloned.1.call-start
scs
__scs_entry_jumppad:
0x0: {  	(pc) =	sbr.rel $0x88, $3  }
0x1: {  	(tag) =	ssettag $0x0;
	lr =	simm.s32 $0x1  }
0x2: {  	[smem:$0x3F9B] =	sst lr;
	_ =	strace $0xD0000000  }
0x3: {  	_ = 	snop  }
0x4: {  	_ = 	snop  }
0x5: {  	_ = 	snop  }
0x6: {  	_ = 	snop  }
0x7: {  	_ = 	snop  }
__scs_overlays_trampoline_lowered:
0x8: {  	[smem:$0x3FAA] =	sst s0  }
0x9: {  	[smem:$0x3FAB] =	sst s1  }
0xa: {  	[smem:$0x3FAC] =	sst s2  }
0xb: {  	[smem:$0x3FAD] =	sst s3  }
0xc: {  	[smem:$0x3FAE] =	sst s4  }
0xd: {  	[smem:$0x3FAF] =	sst s5  }
0xe: {  	[smem:$0x3FB0] =	sst s6  }
0xf: {  	[smem:$0x3FB1] =	sst s7  }
0x10: {  	[smem:$0x3FB2] =	sst s8  }
0x11: {  	[smem:$0x3FB3] =	sst s9;
	s0 =	simm.s32 @!p0 $0x0  }
0x12: {  	s1 =	sld [smem:$0x3F99];
	s0 =	simm.s32 @p0 $0x1  }
0x13: {  	[smem:$0x3FB4] =	sst s0;
	s0 =	simm.s32 @!p1 $0x0  }
0x14: {  	s2 =	sld [smem:$0x3F98];
	s0 =	simm.s32 @p1 $0x1  }
0x15: {  	[smem:$0x3FB5] =	sst s0;
	s0 =	simm.s32 @!p2 $0x0  }
0x16: {  	s3 =	sld [smem:$0x3FDB];
	s0 =	simm.s32 @p2 $0x1  }
0x17: {  	s4 =	simm.s32 $0x1BF5;
	[smem:$0x3FB7] =	sst s0  }
0x18: {  	s0 =	sld [smem:$0x3F9A];
	_ =	swait.ge [sflag:s4], $0x0  }
0x19: {  	s7 =	sld [smem:$0x3F9B]  }
0x1a: {  	s8 =	sadd.s32 $0xFFFFE003, lr  }
0x1b: {  	s9 =	sadd.s32 $0xFFFFFEF7, lr;
	s5 =	simm.s32 $0xFFFFFFFF;
	p2 =	slt.u32 s8, $0xFFFFF086  }
0x1c: {  	p1 =	slt.u32 s9, $0xF7A;
	s5 =	simm.s32 @!p2 $0x0  }
0x1d: {  	s5 =	simm.s32 @p1 $0x1;
	p0 =	seq.s32 s7, s2  }
0x1e: {  	s7 =	smul.u32 @!p0 $0xF7A, s2;
	p2 =	seq.s32 @!p0 s5, $0x0  }
0x1f: {  	s9 =	smul.u32 $0xF7A, s1;
	s8 =	simm.s32 @!p0 $0x1BF5;
	p2 =	por !p2, p0  }
0x20: {  	[sflag:s8] =	ssyncset.s32 @!p0 $0xFFFFF086;
	s6 =	sadd.s32 @!p0 s3, s7;
	s7 =	simm.s32 @!p0 $0x108  }
0x21: {  	s3 =	sadd.s32 s3, s9;
	s6 =	sadd.s32 @!p0 $0x88, s6;
	s7 =	simm.s32 @p2 $0x1082  }
0x22: {  	[simem:s7], [sflag:s8] =	dma.local @!p0 [hbm:s6], $0xF7A  }
0x23: {  	s9 =	sor.u32 $0xD0000000, s2;
	s6 =	simm.s32 $0x108;
	_ =	swait.ge @!p0 [sflag:s8], $0x0  }
0x24: {  	s3 =	sadd.s32 $0x88, s3;
	s6 =	simm.s32 @!p1 $0x1082;
	[sflag:s4] =	ssyncset.s32 $0xFFFFF086  }
0x25: {  	[simem:s6], [sflag:s4] =	dma.local [hbm:s3], $0xF7A  }
0x26: {  	[smem:$0x3F9B] =	sst s1;
	(tag) =	ssettag s2;
	_ =	strace s9  }
0x27: {  	s1 =	sld [smem:$0x3FAB]  }
0x28: {  	s2 =	sld [smem:$0x3FAC]  }
0x29: {  	s4 =	sld [smem:$0x3FAE]  }
0x2a: {  	p0 =	seq.s32 s5, $0x0;
	s5 =	sld [smem:$0x3FAF]  }
0x2b: {  	s6 =	sld [smem:$0x3FB0]  }
0x2c: {  	s7 =	sld [smem:$0x3FB1]  }
0x2d: {  	s3 =	simm.s32 $0x108;
	s8 =	sld [smem:$0x3FB2]  }
0x2e: {  	s3 =	simm.s32 @!p0 $0x1082;
	s9 =	sld [smem:$0x3FB3]  }
0x2f: {  	lr =	sadd.s32 s0, s3;
	s0 =	sld [smem:$0x3FAA]  }
0x30: {  	s3 =	sld [smem:$0x3FAD]  }
0x31: {  	[smem:$0x3FB6] =	sst s10  }
0x32: {  	s10 =	sld [smem:$0x3FB4];
	_ =	sdelay $0x3  }
0x33: {  	p0 =	seq.s32 s10, $0x1;
	s10 =	sld [smem:$0x3FB6];
	_ =	sdelay $0x3  }
0x34: {  	[smem:$0x3FB6] =	sst s10  }
0x35: {  	s10 =	sld [smem:$0x3FB5];
	_ =	sdelay $0x3  }
0x36: {  	p1 =	seq.s32 s10, $0x1;
	s10 =	sld [smem:$0x3FB6];
	_ =	sdelay $0x3  }
0x37: {  	[smem:$0x3FB6] =	sst s10  }
0x38: {  	s10 =	sld [smem:$0x3FB7]  }
0x39: {  	_ = 	snop;
	(pc) =	sbr.ind lr, $3  }
0x3a: {  	_ = 	snop  }
0x3b: {  	_ = 	snop  }
0x3c: {  	p2 =	seq.s32 s10, $0x1;
	s10 =	sld [smem:$0x3FB6]  }
0x3d: {  	_ =	shalt  }
0x3e: {  	_ =	shalt  }
0x3f: {  	_ =	shalt  }
0x40: {  	_ =	shalt  }
0x41: {  	_ =	shalt  }
0x42: {  	_ =	shalt  }
0x43: {  	_ =	shalt  }
0x44: {  	_ =	shalt  }
0x45: {  	_ =	shalt  }
0x46: {  	_ =	shalt  }
0x47: {  	_ =	shalt  }
0x48: {  	_ =	shalt  }
0x49: {  	_ =	shalt  }
0x4a: {  	_ =	shalt  }
0x4b: {  	_ =	shalt  }
0x4c: {  	_ =	shalt  }
0x4d: {  	_ =	shalt  }
0x4e: {  	_ =	shalt  }
0x4f: {  	_ =	shalt  }
0x50: {  	_ =	shalt  }
0x51: {  	_ =	shalt  }
0x52: {  	_ =	shalt  }
0x53: {  	_ =	shalt  }
0x54: {  	_ =	shalt  }
0x55: {  	_ =	shalt  }
0x56: {  	_ =	shalt  }
0x57: {  	_ =	shalt  }
0x58: {  	_ =	shalt  }
0x59: {  	_ =	shalt  }
0x5a: {  	_ =	shalt  }
0x5b: {  	_ =	shalt  }
0x5c: {  	_ =	shalt  }
0x5d: {  	_ =	shalt  }
0x5e: {  	_ =	shalt  }
0x5f: {  	_ =	shalt  }
0x60: {  	_ =	shalt  }
0x61: {  	_ =	shalt  }
0x62: {  	_ =	shalt  }
0x63: {  	_ =	shalt  }
0x64: {  	_ =	shalt  }
0x65: {  	_ =	shalt  }
0x66: {  	_ =	shalt  }
0x67: {  	_ =	shalt  }
0x68: {  	_ =	shalt  }
0x69: {  	_ =	shalt  }
0x6a: {  	_ =	shalt  }
0x6b: {  	_ =	shalt  }
0x6c: {  	_ =	shalt  }
0x6d: {  	_ =	shalt  }
0x6e: {  	_ =	shalt  }
0x6f: {  	_ =	shalt  }
0x70: {  	_ =	shalt  }
0x71: {  	_ =	shalt  }
0x72: {  	_ =	shalt  }
0x73: {  	_ =	shalt  }
0x74: {  	_ =	shalt  }
0x75: {  	_ =	shalt  }
0x76: {  	_ =	shalt  }
0x77: {  	_ =	shalt  }
0x78: {  	_ =	shalt  }
0x79: {  	_ =	shalt  }
0x7a: {  	_ =	shalt  }
0x7b: {  	_ =	shalt  }
0x7c: {  	_ =	shalt  }
0x7d: {  	_ =	shalt  }
0x7e: {  	_ =	shalt  }
0x7f: {  	_ =	shalt  }
0x80: {  	_ =	shalt  }
0x81: {  	_ =	shalt  }
0x82: {  	_ =	shalt  }
0x83: {  	_ =	shalt  }
0x84: {  	_ =	shalt  }
0x85: {  	_ =	shalt  }
0x86: {  	_ =	shalt  }
0x87: {  	_ =	shalt  }
.Lfunc_end0:
.L_simem_size_0:
called_computation_lowered:
.L_overlay_start_0:
0x88: {  	s2 =	sld [smem:$0x3FD9]  }
0x89: {  	s3 =	sld [smem:$0x3FFE];
	_ =	sdelay $0x1  }
0x8a: {  	s1 =	srdreg.scid  }
0x8b: {  	s0 =	sand.u32 $0x1, s1  }
0x8c: {  	s16 =	sshll.u32 s0, $0xA;
	s2 =	sadd.s32 s3, s2  }
0x8d: {  	s2 =	sadd.s32 s2, s16  }
0x8e: {  	[smem:$0x3FC2] =	sst s2  }
0x8f: {  	_ = 	snop  }
0x90: {  	(tm) =	ssettm $0x1  }
0x91: {  	s17 =	sld [smem:$0x3FFB];
	_ =	sdelay $0x3  }
0x92: {  	_ =	strace s17  }
0x93: {  	s2 =	sld [smem:$0x3FFC];
	_ =	sdelay $0x3  }
0x94: {  	_ =	strace s2  }
0x95: {  	s2 =	sld [smem:$0x3FFD];
	_ =	sdelay $0x3  }
0x96: {  	_ =	strace s2  }
0x97: {  	_ =	strace $0x8FFFFFFF  }
0x98: {  	s18 =	sld [smem:$0x3FDB];
	_ =	sdelay $0x1  }
0x99: {  	s19 =	simm.s32 $_scs_section_size  }
0x9a: {  	s4 =	simm.s32 $_size__tile_overlayer_lowered;
	s5 =	simm.s32 $_tile_overlayer_lowered  }
0x9b: {  	s22 =	simm.s32 $0x1BFF;
	s21 =	sshll.u32 s5, $0x1;
	s2 =	sadd.s32 s19, s18  }
0x9c: {  	s6 =	simm.s32 $0x0;
	s20 =	sshll.u32 s4, $0x1;
	s4 =	sadd.s32 s21, s2  }
0x9d: {  	[timem:s6], [sflag:s22] =	dma.local [hbm:s4], s20  }
0x9e: {  	_ =	swait.ge [sflag:s22], s20  }
0x9f: {  	s3 =	ssub.s32 $0x0, s20;
	[sflag:s22] =	ssyncset.done $0x0  }
0xa0: {  	[sflag:s22] =	ssyncadd.s32 s3;
	_ =	sdelay $0x1  }
0xa1: {  	s23 =	simm.s32 $0x1B8B  }
0xa2: {  	_ =	swait.ge [sflag:s23], $0x1  }
0xa3: {  	[sflag:s23] =	ssyncset.done $0x0  }
0xa4: {  	s25 =	simm.s32 $0x1B8E;
	s24 =	sld [smem:$0x3FFE];
	[sflag:s23] =	ssyncadd.s32 $0xFFFFFFFF  }
0xa5: {  	s26 =	simm.s32 $execute0_lowered;
	[smem:$0x3FD2] =	sst s25  }
0xa6: {  	s4 =	sshll.u32 s26, $0x1;
	_ =	strace $0x80000046;
	[dreg:$0x1] =	wrdreg $0xFFFFFFFF  }
0xa7: {  	s28 =	simm.s32 $_size_execute0_lowered;
	s2 =	sadd.s32 s2, s4;
	[dreg:$0x0] =	wrdreg $0x0  }
0xa8: {  	s4 =	sshll.u32 s28, $0x1;
	[dreg:$0x2] =	wrdreg s2  }
0xa9: {  	[dreg:$0x3] =	wrdreg s4  }
0xaa: {  	[dreg:$0x4] =	wrdreg $0xC0  }
0xab: {  	_ =	task [dreg:s6], $0x5FFFF  }
0xac: {  	[dreg:$0x1] =	wrdreg $0xFFFFFFFF  }
0xad: {  	[dreg:$0x0] =	wrdreg $0x60  }
0xae: {  	[dreg:$0x2] =	wrdreg s24  }
0xaf: {  	[dreg:$0x3] =	wrdreg $0x5000  }
0xb0: {  	[dreg:$0x4] =	wrdreg $0x9  }
0xb1: {  	_ =	task.clear_ibuf [dreg:s6], $0x5FFFF;
	_ =	strace $0x90000046  }
0xb2: {  	s29 =	simm.s32 $0x9;
	_ =	strace $0x80000048  }
0xb3: {  	_ =	swait.ge [sflag:s29], $0x1  }
0xb4: {  	[sflag:s29] =	ssyncadd.s32 $0xFFFFFFFF  }
0xb5: {  	_ =	strace $0x90000048  }
0xb6: {  	_ =	sfence  }
0xb7: {  	s30 =	sld [smem:$0x0];
	_ =	sdelay $0x2  }
0xb8: {  	s31 =	sshll.u32 s1, $0xD;
	s1 =	sshrl.u32 s1, $0x2  }
0xb9: {  	s3 =	sand.u32 $0x4000, s31;
	s1 =	sadd.s32 s1, s30  }
0xba: {  	s0 =	sor.u32 s3, s0;
	s1 =	sshll.u32 s1, $0x11  }
0xbb: {  	s0 =	sor.u32 s1, s0  }
0xbc: {  	s0 =	sadd.s32 $0x8F2B, s0  }
0xbd: {  	[sflag:s0] =	ssyncadd.remote.s32 $0x1  }
0xbe: {  	_ =	sfence.sel $0xFFFF  }
0xbf: {  	[dreg:$0x0] =	wrdreg $0xFFFFFFFF;
	(pc) =	sbr.abs _section_cstart, $3  }
0xc0: {  	[dreg:$0x1] =	wrdreg $0xFFFFFFFF  }
0xc1: {  	_ =	task.clear_ibuf [dreg:s6], $0x2FFFF;
	_ =	strace $0x9FFFFFFF  }
0xc2: {  	(tm) =	ssettm $0x7FFFFFFF  }
0xc3: {  	_ =	shalt  }
tec
execute0_lowered:
.L_overlay_start_1:
0x0: {  	(tag) =	ssettag $0x1  }
0x1: {  	s4 =	rddreg [dreg:$0x0];
	s0 =	srdreg.scid  }
0x2: {  	s2 =	rddreg [dreg:$0x1];
	s1 =	stileid.u32  }
0x3: {  	s3 =	simm.s32 $0x0;
	s15 =	simm.s32 $0x80;
	s16 =	simm.s32 $0x1  }
0x4: {  	s17 =	simm.s32 $0x200;
	s18 =	simm.s32 $0x100;
	s19 =	simm.s32 $0x180  }
0x5: {  	s20 =	simm.s32 $0x2;
	s21 =	simm.s32 $0x3;
	s22 =	simm.s32 $0x0  }
0x6: {  	s5 =	sand.u32 $0x1, s0;
	s0 =	rddreg [dreg:$0x2];
	s6 =	smul.u32 $0x280, s1  }
0x7: {  	[smem:$0x7FF] =	sst s3;
	s10 =	smul.u32 $0x2800, s1;
	s12 =	sadd.s32 $0x1400, s4  }
0x8: {  	s7 =	sshll.u32 s5, $0x4;
	s8 =	smul.u32 $0x2800, s5;
	_ =	strace $0x80000047  }
0x9: {  	s9 =	smul.u32 $0x28000, s5;
	s5 =	ssub.s32 $0x2, s5;
	s7 =	sor.u32 s1, s7  }
0xa: {  	s26 =	sshrl.u32 s5, $0x1;
	s7 =	smul.u32 $0x2800, s7;
	s8 =	sadd.s32 s6, s8  }
0xb: {  	s11 =	ssub.s32 s5, s26;
	s10 =	sadd.s32 s10, s9;
	s8 =	sshrl.u32 s8, $0x3  }
0xc: {  	s9 =	sor.u32 $0x280, s10;
	s29 =	sor.u32 $0x200, s10;
	s13 =	sor.u32 $0x180, s10  }
0xd: {  	s14 =	sor.u32 $0x100, s10;
	s8 =	sadd.s32 s8, s4;
	s28 =	sshrl.u32 s7, $0x3  }
0xe: {  	s4 =	sadd.s32 s6, s2;
	s9 =	sshrl.u32 s9, $0x3;
	s30 =	sshrl.u32 s13, $0x3  }
0xf: {  	s31 =	sshrl.u32 s14, $0x3;
	s13 =	simm.s32 $0x280;
	s14 =	simm.s32 $0x4  }
0x10: {  	s5 =	sadd.s32 s12, s28;
	s7 =	sadd.s32 $0xB600, s8;
	s8 =	smax.u32 s11, $0x1  }
0x11: {  	s9 =	sadd.s32 s9, s12;
	s11 =	sshrl.u32 s29, $0x3;
	s6 =	sadd.s32 $0x10, s5  }
0x12: {  	v0 =	vimm.f32 $1.000000000e+00;
	v1 =	vimm.f32 $0.0e+00;
	s10 =	sadd.s32 s11, s12;
	s11 =	sadd.s32 s30, s12;
	s12 =	sadd.s32 s31, s12  }
.LBB2_1:
0x13: {  	[tilespmem:$0x200] =	vst v0  }
0x14: {  	[tilespmem:$0x210] =	vst v0  }
0x15: {  	[tilespmem:$0x220] =	vst v0  }
0x16: {  	[tilespmem:$0x230] =	vst v0  }
0x17: {  	[tilespmem:$0x240] =	vst v0  }
0x18: {  	[tilespmem:$0x250] =	vst v0  }
0x19: {  	[tilespmem:$0x260] =	vst v0  }
0x1a: {  	[tilespmem:$0x270] =	vst v0  }
0x1b: {  	[tilespmem:$0x280] =	vst v1  }
0x1c: {  	[tilespmem:$0x290] =	vst v1  }
0x1d: {  	[tilespmem:$0x2A0] =	vst v1  }
0x1e: {  	[tilespmem:$0x2B0] =	vst v1  }
0x1f: {  	[tilespmem:$0x2C0] =	vst v1  }
0x20: {  	[tilespmem:$0x2D0] =	vst v1  }
0x21: {  	[tilespmem:$0x2E0] =	vst v1  }
0x22: {  	[tilespmem:$0x2F0] =	vst v1  }
0x23: {  	[tilespmem:$0x300] =	vst v1  }
0x24: {  	[tilespmem:$0x310] =	vst v1  }
0x25: {  	[tilespmem:$0x320] =	vst v1  }
0x26: {  	[tilespmem:$0x330] =	vst v1  }
0x27: {  	[tilespmem:$0x340] =	vst v1  }
0x28: {  	[tilespmem:$0x350] =	vst v1  }
0x29: {  	[tilespmem:$0x360] =	vst v1  }
0x2a: {  	[tilespmem:$0x370] =	vst v1  }
0x2b: {  	[tilespmem:$0x380] =	vst v1  }
0x2c: {  	[tilespmem:$0x390] =	vst v1  }
0x2d: {  	[tilespmem:$0x3A0] =	vst v1  }
0x2e: {  	[tilespmem:$0x3B0] =	vst v1  }
0x2f: {  	[tilespmem:$0x3C0] =	vst v1  }
0x30: {  	[tilespmem:$0x3D0] =	vst v1  }
0x31: {  	[tilespmem:$0x3E0] =	vst v1  }
0x32: {  	[tilespmem:$0x3F0] =	vst v1  }
0x33: {  	[tilespmem:$0x400] =	vst v1  }
0x34: {  	[tilespmem:$0x410] =	vst v1  }
0x35: {  	[tilespmem:$0x420] =	vst v1  }
0x36: {  	[tilespmem:$0x430] =	vst v1  }
0x37: {  	[tilespmem:$0x440] =	vst v1  }
0x38: {  	[tilespmem:$0x450] =	vst v1  }
0x39: {  	[tilespmem:$0x460] =	vst v1  }
0x3a: {  	[tilespmem:$0x470] =	vst v1  }
0x3b: {  	[tilespmem:$0x480] =	vst v1  }
0x3c: {  	[tilespmem:$0x490] =	vst v1  }
0x3d: {  	[tilespmem:$0x4A0] =	vst v1  }
0x3e: {  	[tilespmem:$0x4B0] =	vst v1  }
0x3f: {  	[tilespmem:$0x4C0] =	vst v1  }
0x40: {  	[tilespmem:$0x4D0] =	vst v1  }
0x41: {  	[tilespmem:$0x4E0] =	vst v1  }
0x42: {  	[tilespmem:$0x4F0] =	vst v1  }
0x43: {  	[spmem:s4] =	stream.linear.scatter [tilespmem:s13], [sflag:$0x4], $0x280, $0x38;
	[tilespmem:$0x780] =	vst v63  }
0x44: {  	_ =	swait.ge [sflag:s14], $0x280  }
0x45: {  	[sflag:s14] =	ssyncset.done $0x0  }
0x46: {  	[sflag:s14] =	ssyncadd.s32 $0xFFFFFD80  }
0x47: {  	[bflag:$0x0] =	sbarrier.arrive $0xFFFF  }
0x48: {  	[tilespmem:s3], [sflag:$0x1] =	stream.linear.gather [hbm4b:s5+s3], $0x80, $0x38;
	[tilespmem:$0x780] =	vst v63  }
0x49: {  	_ = 	snop  }
0x4a: {  	[tilespmem:s15], [sflag:$0x1] =	stream.linear.gather [hbm4b:s6+s3], $0x80, $0x38;
	[tilespmem:$0x780] =	vst v63  }
0x4b: {  	_ =	swait.ge [sflag:s16], $0x80  }
0x4c: {  	[sflag:s16] =	ssyncset.done $0x0  }
0x4d: {  	[sflag:s16] =	ssyncadd.s32 $0xFFFFFF80  }
0x4e: {  	_ =	swait.ge [sflag:s16], $0x80  }
0x4f: {  	[sflag:s16] =	ssyncset.done $0x0  }
0x50: {  	[sflag:s16] =	ssyncadd.s32 $0xFFFFFF80  }
0x51: {  	[spmem:s2] =	stream.indirect.scatter.add.f32 [tilespmem:s17], [sflag:$0x2], $0x1, s3, s15, $0xb8;
	[tilespmem:$0x780] =	vst v63  }
0x52: {  	_ = 	snop  }
0x53: {  	[spmem:s2] =	stream.indirect.scatter.add.f32 [tilespmem:s17], [sflag:$0x3], $0x1, s15, s15, $0xb8;
	[tilespmem:$0x780] =	vst v63  }
0x54: {  	s23 =	sadd.s32 $0x0, s12  }
0x55: {  	[tilespmem:s18], [sflag:$0x1] =	stream.linear.gather [hbm4b:s23+s3], $0x80, $0x38;
	[tilespmem:$0x780] =	vst v63  }
0x56: {  	s29 =	sadd.s32 $0x0, s11  }
0x57: {  	[tilespmem:s19], [sflag:$0x1] =	stream.linear.gather [hbm4b:s29+s3], $0x80, $0x38;
	[tilespmem:$0x780] =	vst v63  }
0x58: {  	_ =	swait.ge [sflag:s20], $0x80  }
0x59: {  	[sflag:s20] =	ssyncset.done $0x0  }
0x5a: {  	[sflag:s20] =	ssyncadd.s32 $0xFFFFFF80  }
0x5b: {  	_ =	swait.ge [sflag:s21], $0x80  }
0x5c: {  	[sflag:s21] =	ssyncset.done $0x0  }
0x5d: {  	[sflag:s21] =	ssyncadd.s32 $0xFFFFFF80  }
0x5e: {  	_ =	swait.ge [sflag:s16], $0x80  }
0x5f: {  	[sflag:s16] =	ssyncset.done $0x0  }
0x60: {  	[sflag:s16] =	ssyncadd.s32 $0xFFFFFF80  }
0x61: {  	_ =	swait.ge [sflag:s16], $0x80  }
0x62: {  	[sflag:s16] =	ssyncset.done $0x0  }
0x63: {  	[sflag:s16] =	ssyncadd.s32 $0xFFFFFF80  }
0x64: {  	[spmem:s2] =	stream.indirect.scatter.add.f32 [tilespmem:s17], [sflag:$0x2], $0x1, s18, s15, $0xb8;
	[tilespmem:$0x780] =	vst v63  }
0x65: {  	_ = 	snop  }
0x66: {  	[spmem:s2] =	stream.indirect.scatter.add.f32 [tilespmem:s17], [sflag:$0x3], $0x1, s19, s15, $0xb8;
	[tilespmem:$0x780] =	vst v63  }
0x67: {  	s30 =	sadd.s32 $0x0, s10  }
0x68: {  	[tilespmem:s3], [sflag:$0x1] =	stream.linear.gather [hbm4b:s30+s3], $0x80, $0x38;
	[tilespmem:$0x780] =	vst v63  }
0x69: {  	s31 =	sadd.s32 $0x0, s9  }
0x6a: {  	[tilespmem:s15], [sflag:$0x1] =	stream.linear.gather [hbm4b:s31+s3], $0x80, $0x38;
	[tilespmem:$0x780] =	vst v63  }
0x6b: {  	_ =	swait.ge [sflag:s20], $0x80  }
0x6c: {  	[sflag:s20] =	ssyncset.done $0x0  }
0x6d: {  	[sflag:s20] =	ssyncadd.s32 $0xFFFFFF80  }
0x6e: {  	_ =	swait.ge [sflag:s21], $0x80  }
0x6f: {  	s23 =	simm.s32 $0x40;
	[sflag:s21] =	ssyncset.done $0x0  }
.LBB2_2:
0x70: {  	p0 =	sne.s32 s23, $0x4C0  }
0x71: {  	[sflag:s21] =	ssyncadd.s32 $0xFFFFFF80;
	s24 =	smov.u32 s23;
	s23 =	sadd.s32 $0x40, s23  }
0x72: {  	_ =	swait.ge [sflag:s16], $0x80  }
0x73: {  	[sflag:s16] =	ssyncset.done $0x0  }
0x74: {  	[sflag:s16] =	ssyncadd.s32 $0xFFFFFF80  }
0x75: {  	_ =	swait.ge [sflag:s16], $0x80  }
0x76: {  	[sflag:s16] =	ssyncset.done $0x0  }
0x77: {  	[sflag:s16] =	ssyncadd.s32 $0xFFFFFF80  }
0x78: {  	[spmem:s2] =	stream.indirect.scatter.add.f32 [tilespmem:s17], [sflag:$0x2], $0x1, s3, s15, $0xb8;
	[tilespmem:$0x780] =	vst v63  }
0x79: {  	_ = 	snop  }
0x7a: {  	[spmem:s2] =	stream.indirect.scatter.add.f32 [tilespmem:s17], [sflag:$0x3], $0x1, s15, s15, $0xb8;
	[tilespmem:$0x780] =	vst v63  }
0x7b: {  	s25 =	sadd.s32 s24, s12  }
0x7c: {  	[tilespmem:s18], [sflag:$0x1] =	stream.linear.gather [hbm4b:s25+s3], $0x80, $0x38;
	[tilespmem:$0x780] =	vst v63  }
0x7d: {  	s25 =	sadd.s32 s24, s11  }
0x7e: {  	[tilespmem:s19], [sflag:$0x1] =	stream.linear.gather [hbm4b:s25+s3], $0x80, $0x38;
	[tilespmem:$0x780] =	vst v63  }
0x7f: {  	_ =	swait.ge [sflag:s20], $0x80  }
0x80: {  	[sflag:s20] =	ssyncset.done $0x0  }
0x81: {  	[sflag:s20] =	ssyncadd.s32 $0xFFFFFF80  }
0x82: {  	_ =	swait.ge [sflag:s21], $0x80  }
0x83: {  	[sflag:s21] =	ssyncset.done $0x0  }
0x84: {  	[sflag:s21] =	ssyncadd.s32 $0xFFFFFF80  }
0x85: {  	_ =	swait.ge [sflag:s16], $0x80  }
0x86: {  	[sflag:s16] =	ssyncset.done $0x0  }
0x87: {  	[sflag:s16] =	ssyncadd.s32 $0xFFFFFF80  }
0x88: {  	_ =	swait.ge [sflag:s16], $0x80  }
0x89: {  	[sflag:s16] =	ssyncset.done $0x0  }
0x8a: {  	[sflag:s16] =	ssyncadd.s32 $0xFFFFFF80  }
0x8b: {  	[spmem:s2] =	stream.indirect.scatter.add.f32 [tilespmem:s17], [sflag:$0x2], $0x1, s18, s15, $0xb8;
	[tilespmem:$0x780] =	vst v63  }
0x8c: {  	_ = 	snop  }
0x8d: {  	[spmem:s2] =	stream.indirect.scatter.add.f32 [tilespmem:s17], [sflag:$0x3], $0x1, s19, s15, $0xb8;
	[tilespmem:$0x780] =	vst v63  }
0x8e: {  	s25 =	sadd.s32 s24, s10  }
0x8f: {  	[tilespmem:s3], [sflag:$0x1] =	stream.linear.gather [hbm4b:s25+s3], $0x80, $0x38;
	[tilespmem:$0x780] =	vst v63  }
0x90: {  	s24 =	sadd.s32 s24, s9  }
0x91: {  	[tilespmem:s15], [sflag:$0x1] =	stream.linear.gather [hbm4b:s24+s3], $0x80, $0x38;
	[tilespmem:$0x780] =	vst v63  }
.Ltmp0:
0x92: {  	_ =	swait.ge [sflag:s20], $0x80;
	(pc) =	sbr.rel @p0 .LBB2_2-.Ltmp0, $4  }
0x93: {  	[sflag:s20] =	ssyncset.done $0x0  }
0x94: {  	[sflag:s20] =	ssyncadd.s32 $0xFFFFFF80  }
0x95: {  	_ =	swait.ge [sflag:s21], $0x80  }
0x96: {  	[sflag:s21] =	ssyncset.done $0x0  }
0x97: {  	[sflag:s21] =	ssyncadd.s32 $0xFFFFFF80  }
0x98: {  	_ =	swait.ge [sflag:s16], $0x80  }
0x99: {  	[sflag:s16] =	ssyncset.done $0x0  }
0x9a: {  	[sflag:s16] =	ssyncadd.s32 $0xFFFFFF80  }
0x9b: {  	_ =	swait.ge [sflag:s16], $0x80  }
0x9c: {  	[sflag:s16] =	ssyncset.done $0x0  }
0x9d: {  	[sflag:s16] =	ssyncadd.s32 $0xFFFFFF80  }
0x9e: {  	[bflag:$0x0] =	sbarrier.arrive $0xFFFF  }
0x9f: {  	[tilespmem:s13], [sflag:$0x4] =	stream.linear.gather [spmem:s4], $0x280, $0x38;
	[tilespmem:$0x780] =	vst v63  }
0xa0: {  	s22 =	sadd.s32 $0x1, s22;
	_ =	swait.ge [sflag:s14], $0x280  }
0xa1: {  	p0 =	sne.s32 s22, s8;
	[sflag:s14] =	ssyncset.done $0x0  }
.Ltmp1:
0xa2: {  	[sflag:s14] =	ssyncadd.s32 $0xFFFFFD80;
	(pc) =	sbr.rel @p0 .LBB2_1-.Ltmp1, $4  }
0xa3: {  	[hbm4b:s7+s3] =	stream.linear.scatter [tilespmem:s13], [sflag:$0x4], $0x280, $0x38;
	[tilespmem:$0x780] =	vst v63  }
0xa4: {  	_ =	swait.ge [sflag:s14], $0x280  }
0xa5: {  	[sflag:s14] =	ssyncset.done $0x0  }
0xa6: {  	[sflag:s14] =	ssyncadd.s32 $0xFFFFFD80  }
0xa7: {  	_ =	sfence.sel $0x180000  }
0xa8: {  	[bflag:$0x0] =	sbarrier.arrive $0xFFFF  }
0xa9: {  	p0 =	sne.s32 s1, $0x0;
	_ =	strace $0x90000047  }
0xaa: {  	s0 =	sadd.s32 @!p0 $0x100000, s0;
	[bflag:$0x2] =	sbarrier.arrive $0xFFFF  }
0xab: {  	[sflag:s0] =	ssyncadd.tile.s32 @!p0 $0x1;
	_ =	shalt  }
.Lfunc_end2:
_tile_overlayer_lowered:
.L_overlay_start_2:
0xac: {  	(tag) =	ssettag $0x2  }
0xad: {  	s0 =	rddreg [dreg:$0x0];
	s2 =	stileid.u32  }
0xae: {  	s1 =	rddreg [dreg:$0x1];
	p0 =	sne.s32 s2, $0x0  }
0xaf: {  	s3 =	rddreg [dreg:$0x2];
	[bflag:$0x3] =	sbarrier.arrive $0xFFFF;
	s2 =	simm.s32 @!p0 $0x1C04  }
0xb0: {  	[timem:s3], [sflag:s2] =	dma.local @!p0 [hbm:s0], s1  }
0xb1: {  	s0 =	simm.s32 @!p0 $0x4  }
0xb2: {  	_ =	swait.ge @!p0 [sflag:s0], s1  }
0xb3: {  	s1 =	ssub.s32 @!p0 $0x0, s1;
	[sflag:s0] =	ssyncset.done @!p0 $0x0  }
0xb4: {  	[sflag:s0] =	ssyncadd.s32 @!p0 s1  }
0xb5: {  	[bflag:$0x3] =	sbarrier.arrive $0xFFFF  }
0xb6: {  	_ =	shalt  }

// kernel: kernel.9.cloned.1.call-start
scs
__scs_entry_jumppad:
0x0: {  	(pc) =	sbr.rel $0x88, $3  }
0x1: {  	(tag) =	ssettag $0x0;
	lr =	simm.s32 $0x1  }
0x2: {  	[smem:$0x3F9B] =	sst lr;
	_ =	strace $0xD0000000  }
0x3: {  	_ = 	snop  }
0x4: {  	_ = 	snop  }
0x5: {  	_ = 	snop  }
0x6: {  	_ = 	snop  }
0x7: {  	_ = 	snop  }
__scs_overlays_trampoline_lowered:
0x8: {  	[smem:$0x3FAA] =	sst s0  }
0x9: {  	[smem:$0x3FAB] =	sst s1  }
0xa: {  	[smem:$0x3FAC] =	sst s2  }
0xb: {  	[smem:$0x3FAD] =	sst s3  }
0xc: {  	[smem:$0x3FAE] =	sst s4  }
0xd: {  	[smem:$0x3FAF] =	sst s5  }
0xe: {  	[smem:$0x3FB0] =	sst s6  }
0xf: {  	[smem:$0x3FB1] =	sst s7  }
0x10: {  	[smem:$0x3FB2] =	sst s8  }
0x11: {  	[smem:$0x3FB3] =	sst s9;
	s0 =	simm.s32 @!p0 $0x0  }
0x12: {  	s1 =	sld [smem:$0x3F99];
	s0 =	simm.s32 @p0 $0x1  }
0x13: {  	[smem:$0x3FB4] =	sst s0;
	s0 =	simm.s32 @!p1 $0x0  }
0x14: {  	s2 =	sld [smem:$0x3F98];
	s0 =	simm.s32 @p1 $0x1  }
0x15: {  	[smem:$0x3FB5] =	sst s0;
	s0 =	simm.s32 @!p2 $0x0  }
0x16: {  	s3 =	sld [smem:$0x3FDB];
	s0 =	simm.s32 @p2 $0x1  }
0x17: {  	s4 =	simm.s32 $0x1BF5;
	[smem:$0x3FB7] =	sst s0  }
0x18: {  	s0 =	sld [smem:$0x3F9A];
	_ =	swait.ge [sflag:s4], $0x0  }
0x19: {  	s7 =	sld [smem:$0x3F9B]  }
0x1a: {  	s8 =	sadd.s32 $0xFFFFE003, lr  }
0x1b: {  	s9 =	sadd.s32 $0xFFFFFEF7, lr;
	s5 =	simm.s32 $0xFFFFFFFF;
	p2 =	slt.u32 s8, $0xFFFFF086  }
0x1c: {  	p1 =	slt.u32 s9, $0xF7A;
	s5 =	simm.s32 @!p2 $0x0  }
0x1d: {  	s5 =	simm.s32 @p1 $0x1;
	p0 =	seq.s32 s7, s2  }
0x1e: {  	s7 =	smul.u32 @!p0 $0xF7A, s2;
	p2 =	seq.s32 @!p0 s5, $0x0  }
0x1f: {  	s9 =	smul.u32 $0xF7A, s1;
	s8 =	simm.s32 @!p0 $0x1BF5;
	p2 =	por !p2, p0  }
0x20: {  	[sflag:s8] =	ssyncset.s32 @!p0 $0xFFFFF086;
	s6 =	sadd.s32 @!p0 s3, s7;
	s7 =	simm.s32 @!p0 $0x108  }
0x21: {  	s3 =	sadd.s32 s3, s9;
	s6 =	sadd.s32 @!p0 $0x88, s6;
	s7 =	simm.s32 @p2 $0x1082  }
0x22: {  	[simem:s7], [sflag:s8] =	dma.local @!p0 [hbm:s6], $0xF7A  }
0x23: {  	s9 =	sor.u32 $0xD0000000, s2;
	s6 =	simm.s32 $0x108;
	_ =	swait.ge @!p0 [sflag:s8], $0x0  }
0x24: {  	s3 =	sadd.s32 $0x88, s3;
	s6 =	simm.s32 @!p1 $0x1082;
	[sflag:s4] =	ssyncset.s32 $0xFFFFF086  }
0x25: {  	[simem:s6], [sflag:s4] =	dma.local [hbm:s3], $0xF7A  }
0x26: {  	[smem:$0x3F9B] =	sst s1;
	(tag) =	ssettag s2;
	_ =	strace s9  }
0x27: {  	s1 =	sld [smem:$0x3FAB]  }
0x28: {  	s2 =	sld [smem:$0x3FAC]  }
0x29: {  	s4 =	sld [smem:$0x3FAE]  }
0x2a: {  	p0 =	seq.s32 s5, $0x0;
	s5 =	sld [smem:$0x3FAF]  }
0x2b: {  	s6 =	sld [smem:$0x3FB0]  }
0x2c: {  	s7 =	sld [smem:$0x3FB1]  }
0x2d: {  	s3 =	simm.s32 $0x108;
	s8 =	sld [smem:$0x3FB2]  }
0x2e: {  	s3 =	simm.s32 @!p0 $0x1082;
	s9 =	sld [smem:$0x3FB3]  }
0x2f: {  	lr =	sadd.s32 s0, s3;
	s0 =	sld [smem:$0x3FAA]  }
0x30: {  	s3 =	sld [smem:$0x3FAD]  }
0x31: {  	[smem:$0x3FB6] =	sst s10  }
0x32: {  	s10 =	sld [smem:$0x3FB4];
	_ =	sdelay $0x3  }
0x33: {  	p0 =	seq.s32 s10, $0x1;
	s10 =	sld [smem:$0x3FB6];
	_ =	sdelay $0x3  }
0x34: {  	[smem:$0x3FB6] =	sst s10  }
0x35: {  	s10 =	sld [smem:$0x3FB5];
	_ =	sdelay $0x3  }
0x36: {  	p1 =	seq.s32 s10, $0x1;
	s10 =	sld [smem:$0x3FB6];
	_ =	sdelay $0x3  }
0x37: {  	[smem:$0x3FB6] =	sst s10  }
0x38: {  	s10 =	sld [smem:$0x3FB7]  }
0x39: {  	_ = 	snop;
	(pc) =	sbr.ind lr, $3  }
0x3a: {  	_ = 	snop  }
0x3b: {  	_ = 	snop  }
0x3c: {  	p2 =	seq.s32 s10, $0x1;
	s10 =	sld [smem:$0x3FB6]  }
0x3d: {  	_ =	shalt  }
0x3e: {  	_ =	shalt  }
0x3f: {  	_ =	shalt  }
0x40: {  	_ =	shalt  }
0x41: {  	_ =	shalt  }
0x42: {  	_ =	shalt  }
0x43: {  	_ =	shalt  }
0x44: {  	_ =	shalt  }
0x45: {  	_ =	shalt  }
0x46: {  	_ =	shalt  }
0x47: {  	_ =	shalt  }
0x48: {  	_ =	shalt  }
0x49: {  	_ =	shalt  }
0x4a: {  	_ =	shalt  }
0x4b: {  	_ =	shalt  }
0x4c: {  	_ =	shalt  }
0x4d: {  	_ =	shalt  }
0x4e: {  	_ =	shalt  }
0x4f: {  	_ =	shalt  }
0x50: {  	_ =	shalt  }
0x51: {  	_ =	shalt  }
0x52: {  	_ =	shalt  }
0x53: {  	_ =	shalt  }
0x54: {  	_ =	shalt  }
0x55: {  	_ =	shalt  }
0x56: {  	_ =	shalt  }
0x57: {  	_ =	shalt  }
0x58: {  	_ =	shalt  }
0x59: {  	_ =	shalt  }
0x5a: {  	_ =	shalt  }
0x5b: {  	_ =	shalt  }
0x5c: {  	_ =	shalt  }
0x5d: {  	_ =	shalt  }
0x5e: {  	_ =	shalt  }
0x5f: {  	_ =	shalt  }
0x60: {  	_ =	shalt  }
0x61: {  	_ =	shalt  }
0x62: {  	_ =	shalt  }
0x63: {  	_ =	shalt  }
0x64: {  	_ =	shalt  }
0x65: {  	_ =	shalt  }
0x66: {  	_ =	shalt  }
0x67: {  	_ =	shalt  }
0x68: {  	_ =	shalt  }
0x69: {  	_ =	shalt  }
0x6a: {  	_ =	shalt  }
0x6b: {  	_ =	shalt  }
0x6c: {  	_ =	shalt  }
0x6d: {  	_ =	shalt  }
0x6e: {  	_ =	shalt  }
0x6f: {  	_ =	shalt  }
0x70: {  	_ =	shalt  }
0x71: {  	_ =	shalt  }
0x72: {  	_ =	shalt  }
0x73: {  	_ =	shalt  }
0x74: {  	_ =	shalt  }
0x75: {  	_ =	shalt  }
0x76: {  	_ =	shalt  }
0x77: {  	_ =	shalt  }
0x78: {  	_ =	shalt  }
0x79: {  	_ =	shalt  }
0x7a: {  	_ =	shalt  }
0x7b: {  	_ =	shalt  }
0x7c: {  	_ =	shalt  }
0x7d: {  	_ =	shalt  }
0x7e: {  	_ =	shalt  }
0x7f: {  	_ =	shalt  }
0x80: {  	_ =	shalt  }
0x81: {  	_ =	shalt  }
0x82: {  	_ =	shalt  }
0x83: {  	_ =	shalt  }
0x84: {  	_ =	shalt  }
0x85: {  	_ =	shalt  }
0x86: {  	_ =	shalt  }
0x87: {  	_ =	shalt  }
.Lfunc_end0:
.L_simem_size_0:
called_computation.1_lowered:
.L_overlay_start_0:
0x88: {  	s2 =	sld [smem:$0x3FD9]  }
0x89: {  	s3 =	sld [smem:$0x3FFE];
	_ =	sdelay $0x1  }
0x8a: {  	s1 =	srdreg.scid  }
0x8b: {  	s0 =	sand.u32 $0x1, s1  }
0x8c: {  	s17 =	sshll.u32 s0, $0xA;
	s2 =	sadd.s32 s3, s2  }
0x8d: {  	s2 =	sadd.s32 s2, s17  }
0x8e: {  	[smem:$0x3FC2] =	sst s2  }
0x8f: {  	_ = 	snop  }
0x90: {  	s2 =	sld [smem:$0x3FD0];
	(tm) =	ssettm $0x1  }
0x91: {  	s18 =	sld [smem:$0x3FFB];
	_ =	sdelay $0x3  }
0x92: {  	_ =	strace s18  }
0x93: {  	s3 =	sld [smem:$0x3FFC];
	_ =	sdelay $0x3  }
0x94: {  	_ =	strace s3  }
0x95: {  	s3 =	sld [smem:$0x3FFD];
	_ =	sdelay $0x3  }
0x96: {  	_ =	strace s3  }
0x97: {  	_ =	strace $0x8FFFFFFF  }
0x98: {  	s19 =	sld [smem:$0x3FDB];
	_ =	sdelay $0x1  }
0x99: {  	s4 =	simm.s32 $_scs_section_size  }
0x9a: {  	s5 =	simm.s32 $_size__tile_overlayer_lowered;
	s6 =	simm.s32 $_tile_overlayer_lowered  }
0x9b: {  	s22 =	simm.s32 $0x1BFF;
	s21 =	sshll.u32 s6, $0x1;
	s3 =	sadd.s32 s4, s19  }
0x9c: {  	s7 =	simm.s32 $0x0;
	s20 =	sshll.u32 s5, $0x1;
	s5 =	sadd.s32 s21, s3  }
0x9d: {  	[timem:s7], [sflag:s22] =	dma.local [hbm:s5], s20  }
0x9e: {  	_ =	swait.ge [sflag:s22], s20  }
0x9f: {  	s4 =	ssub.s32 $0x0, s20;
	[sflag:s22] =	ssyncset.done $0x0  }
0xa0: {  	[sflag:s22] =	ssyncadd.s32 s4;
	_ =	sdelay $0x1  }
0xa1: {  	s23 =	simm.s32 $0x1B8B  }
0xa2: {  	_ =	swait.ge [sflag:s23], $0x1  }
0xa3: {  	[sflag:s23] =	ssyncset.done $0x0  }
0xa4: {  	s25 =	simm.s32 $0x1B8E;
	s24 =	sld [smem:$0x3FFE];
	[sflag:s23] =	ssyncadd.s32 $0xFFFFFFFF  }
0xa5: {  	s26 =	simm.s32 $execute0_lowered;
	[smem:$0x3FD2] =	sst s25  }
0xa6: {  	s5 =	sshll.u32 s26, $0x1;
	_ =	strace $0x80000049;
	[dreg:$0x1] =	wrdreg $0xFFFFFFFF  }
0xa7: {  	s28 =	simm.s32 $_size_execute0_lowered;
	s3 =	sadd.s32 s3, s5;
	[dreg:$0x0] =	wrdreg $0x0  }
0xa8: {  	s5 =	sshll.u32 s28, $0x1;
	[dreg:$0x2] =	wrdreg s3  }
0xa9: {  	[dreg:$0x3] =	wrdreg s5  }
0xaa: {  	[dreg:$0x4] =	wrdreg $0xC0  }
0xab: {  	_ =	task [dreg:s7], $0x5FFFF  }
0xac: {  	[dreg:$0x1] =	wrdreg $0xFFFFFFFF  }
0xad: {  	[dreg:$0x0] =	wrdreg $0x60  }
0xae: {  	[dreg:$0x2] =	wrdreg s2  }
0xaf: {  	[dreg:$0x3] =	wrdreg s24  }
0xb0: {  	[dreg:$0x4] =	wrdreg $0x84000  }
0xb1: {  	[dreg:$0x5] =	wrdreg $0x9  }
0xb2: {  	_ =	task.clear_ibuf [dreg:s7], $0x6FFFF;
	_ =	strace $0x90000049  }
0xb3: {  	s29 =	simm.s32 $0x9;
	_ =	strace $0x8000004B  }
0xb4: {  	_ =	swait.ge [sflag:s29], $0x1  }
0xb5: {  	[sflag:s29] =	ssyncadd.s32 $0xFFFFFFFF  }
0xb6: {  	_ =	strace $0x9000004B  }
0xb7: {  	_ =	sfence  }
0xb8: {  	s30 =	sld [smem:$0x0];
	_ =	sdelay $0x2  }
0xb9: {  	s31 =	sshll.u32 s1, $0xD;
	s1 =	sshrl.u32 s1, $0x2  }
0xba: {  	s3 =	sand.u32 $0x4000, s31;
	s1 =	sadd.s32 s1, s30  }
0xbb: {  	s0 =	sor.u32 s3, s0;
	s1 =	sshll.u32 s1, $0x11  }
0xbc: {  	s0 =	sor.u32 s1, s0  }
0xbd: {  	s0 =	sadd.s32 $0x8F2B, s0  }
0xbe: {  	[sflag:s0] =	ssyncadd.remote.s32 $0x1  }
0xbf: {  	_ =	sfence.sel $0xFFFF  }
0xc0: {  	[dreg:$0x0] =	wrdreg $0xFFFFFFFF;
	(pc) =	sbr.abs _section_cstart, $3  }
0xc1: {  	[dreg:$0x1] =	wrdreg $0xFFFFFFFF  }
0xc2: {  	_ =	task.clear_ibuf [dreg:s7], $0x2FFFF;
	_ =	strace $0x9FFFFFFF  }
0xc3: {  	(tm) =	ssettm $0x7FFFFFFF  }
tec
execute0_lowered:
.L_overlay_start_1:
0x0: {  	(tag) =	ssettag $0x1  }
0x1: {  	s0 =	rddreg [dreg:$0x0]  }
0x2: {  	s2 =	rddreg [dreg:$0x1]  }
0x3: {  	s1 =	rddreg [dreg:$0x2];
	s21 =	stileid.u32  }
0x4: {  	s3 =	simm.s32 $0x0;
	s4 =	srdreg.scid;
	s6 =	smul.u32 $0x280, s21  }
0x5: {  	s28 =	simm.s32 $0x2;
	s29 =	simm.s32 $0x3;
	s9 =	smul.u32 $0x50000, s21  }
0x6: {  	s30 =	simm.s32 $0x4;
	s31 =	simm.s32 $0x0;
	s10 =	smul.u32 $0x4600, s21  }
0x7: {  	[smem:$0x7FF] =	sst s3;
	s4 =	sand.u32 $0x1, s4;
	s12 =	smul.u32 $0xA00, s21  }
0x8: {  	s7 =	sadd.s32 $0x1400, s2;
	s15 =	smul.u32 $0x8C0, s21;
	s5 =	ssub.s32 $0x2, s4  }
0x9: {  	_ =	strace $0x8000004A;
	p0 =	seq.s32 s4, $0x1;
	s8 =	sshrl.u32 s5, $0x1  }
0xa: {  	s4 =	sadd.s32 $0x80, s6;
	s17 =	sshrl.u32 s9, $0x2;
	s9 =	sadd.s32 $0x100, s6  }
0xb: {  	s10 =	sshrl.u32 s10, $0x3;
	s13 =	sadd.s32 $0x180, s6;
	s22 =	sshrl.u32 s12, $0x3  }
0xc: {  	s6 =	sadd.s32 $0x200, s6;
	s8 =	ssub.s32 s5, s8;
	s18 =	sshll.u32 s4, $0x7  }
0xd: {  	s5 =	sadd.s32 s17, s1;
	s11 =	sshll.u32 s9, $0x7;
	s14 =	sadd.s32 s0, s10  }
0xe: {  	s19 =	sor.u32 $0x10, s10;
	s10 =	sadd.s32 s7, s10;
	[dreg:$0x4] =	wrdreg s5  }
0xf: {  	s24 =	sadd.s32 $0x8C00, s22;
	s17 =	smul.u32 $0x140, s21;
	[dreg:$0x6] =	wrdreg s14  }
0x10: {  	s5 =	sadd.s32 s18, s1;
	[dreg:$0x7] =	wrdreg s10;
	s20 =	sadd.s32 s0, s19  }
0x11: {  	s23 =	sadd.s32 s7, s19;
	s25 =	sadd.s32 s0, s24;
	s10 =	sadd.s32 $0x8C10, s22  }
0x12: {  	s12 =	sadd.s32 s7, s24;
	s14 =	sadd.s32 s15, s7;
	[dreg:$0x8] =	wrdreg s20  }
0x13: {  	s15 =	sadd.s32 s15, s0;
	s18 =	sadd.s32 s11, s1;
	[dreg:$0x9] =	wrdreg s23  }
0x14: {  	s11 =	sshll.u32 s6, $0x7;
	s24 =	sshll.u32 s13, $0x4;
	[dreg:$0xa] =	wrdreg s25  }
0x15: {  	s6 =	sshll.u32 s6, $0x4;
	s22 =	sadd.s32 $0xB600, s2;
	[dreg:$0xb] =	wrdreg s12  }
0x16: {  	s26 =	sadd.s32 s0, s10;
	s10 =	sadd.s32 s7, s10;
	[dreg:$0x5] =	wrdreg s5  }
0x17: {  	s16 =	sadd.s32 s17, s7;
	s17 =	sadd.s32 s17, s0;
	[dreg:$0xc] =	wrdreg s26  }
0x18: {  	s12 =	sshll.u32 s4, $0x4;
	s25 =	sadd.s32 $0x32800, s2;
	[dreg:$0xd] =	wrdreg s10  }
0x19: {  	s2 =	sadd.s32 $0x5A800, s2;
	s26 =	sadd.s32 s25, s12;
	[dreg:$0xe] =	wrdreg s25  }
0x1a: {  	s23 =	sshll.u32 s9, $0x4;
	s0 =	sadd.s32 s12, s2;
	[dreg:$0xf] =	wrdreg s26  }
0x1b: {  	s20 =	sadd.s32 s11, s1;
	s11 =	sadd.s32 s25, s23;
	[dreg:$0x10] =	wrdreg s0  }
0x1c: {  	s7 =	simm.s32 $0x400;
	s4 =	sadd.s32 s23, s2;
	[dreg:$0x11] =	wrdreg s11  }
0x1d: {  	s10 =	sshll.u32 s13, $0x7;
	s13 =	sadd.s32 s25, s24;
	[dreg:$0x12] =	wrdreg s4  }
0x1e: {  	s9 =	simm.s32 $0x200;
	s23 =	sadd.s32 s24, s2;
	[dreg:$0x13] =	wrdreg s13  }
0x1f: {  	s12 =	smul.u32 $0x14000, s21;
	s2 =	sadd.s32 s6, s2;
	[dreg:$0x14] =	wrdreg s23  }
0x20: {  	s24 =	sadd.s32 s25, s6;
	s25 =	smax.u32 s8, $0x1;
	[dreg:$0x15] =	wrdreg s2  }
0x21: {  	s8 =	simm.s32 $0x5;
	[dreg:$0x16] =	wrdreg s24;
	s26 =	smul.u32 $0x2800, s21  }
.Ltmp0:
0x22: {  	s19 =	sadd.s32 s10, s1;
	[dreg:$0x18] =	wrdreg s25;
	(pc) =	sbr.rel .LBB2_1-.Ltmp0, $4  }
0x23: {  	s10 =	simm.s32 $0x80;
	s11 =	simm.s32 $0x280;
	s13 =	simm.s32 $0x100  }
0x24: {  	s23 =	simm.s32 $0x300;
	s24 =	simm.s32 $0x180;
	s0 =	sshrl.u32 s12, $0x3  }
0x25: {  	s25 =	simm.s32 $0x380;
	s0 =	sadd.s32 $0x28000, s0;
	[dreg:$0x19] =	wrdreg s26  }
0x26: {  	v0 =	vimm.f32 $0.0e+00;
	s12 =	simm.s32 $0x4400;
	s26 =	simm.s32 $0x1;
	[dreg:$0x17] =	wrdreg s0  }
.LBB2_9:
0x27: {  	s4 =	rddreg [dreg:$0x17]  }
0x28: {  	s21 =	rddreg [dreg:$0x10]  }
0x29: {  	s6 =	rddreg [dreg:$0x12]  }
0x2a: {  	s2 =	rddreg [dreg:$0x14]  }
0x2b: {  	[sflag:s30] =	ssyncadd.s32 $0xFFFFC000;
	s0 =	rddreg [dreg:$0x15]  }
.LBB2_10:
0x2c: {  	_ =	swait.ge [sflag:s8], $0x80  }
0x2d: {  	[sflag:s8] =	ssyncset.done $0x0  }
0x2e: {  	[sflag:s8] =	ssyncadd.s32 $0xFFFFFF80  }
0x2f: {  	_ =	swait.ge [sflag:s8], $0x80  }
0x30: {  	[sflag:s8] =	ssyncset.done $0x0  }
0x31: {  	[sflag:s8] =	ssyncadd.s32 $0xFFFFFF80  }
0x32: {  	_ =	swait.ge [sflag:s8], $0x80  }
0x33: {  	[sflag:s8] =	ssyncset.done $0x0  }
0x34: {  	[sflag:s8] =	ssyncadd.s32 $0xFFFFFF80  }
0x35: {  	_ =	swait.ge [sflag:s8], $0x80  }
0x36: {  	[sflag:s8] =	ssyncset.done $0x0  }
0x37: {  	[sflag:s8] =	ssyncadd.s32 $0xFFFFFF80  }
0x38: {  	[bflag:$0x0] =	sbarrier.arrive $0xFFFF  }
0x39: {  	s5 =	rddreg [dreg:$0x4]  }
0x3a: {  	[tilespmem:s7], [sflag:$0x1] =	stream.linear.gather [spmem:s5], $0x4000, $0x38;
	[tilespmem:$0x1C400] =	vst v63  }
0x3b: {  	_ =	swait.ge [sflag:s26], $0x4000  }
0x3c: {  	[sflag:s26] =	ssyncset.done $0x0;
	s5 =	rddreg [dreg:$0xe]  }
0x3d: {  	s4 =	sadd.s32 s5, s4;
	[sflag:s26] =	ssyncadd.s32 $0xFFFFC000  }
0x3e: {  	[hbm4b:s4+s3] =	stream.linear.scatter [tilespmem:s7], [sflag:$0x3], $0x4000, $0x38;
	[tilespmem:$0x1C400] =	vst v63  }
0x3f: {  	s5 =	rddreg [dreg:$0x5]  }
0x40: {  	[tilespmem:s12], [sflag:$0x2] =	stream.linear.gather [spmem:s5], $0x4000, $0x38;
	[tilespmem:$0x1C400] =	vst v63  }
0x41: {  	_ =	swait.ge [sflag:s28], $0x4000  }
0x42: {  	[sflag:s28] =	ssyncset.done $0x0  }
0x43: {  	[sflag:s28] =	ssyncadd.s32 $0xFFFFC000  }
0x44: {  	[hbm4b:s21+s3] =	stream.linear.scatter [tilespmem:s12], [sflag:$0x4], $0x4000, $0x38;
	[tilespmem:$0x1C400] =	vst v63  }
0x45: {  	_ =	swait.ge [sflag:s29], $0x4000  }
0x46: {  	[sflag:s29] =	ssyncset.done $0x0  }
0x47: {  	[sflag:s29] =	ssyncadd.s32 $0xFFFFC000  }
0x48: {  	[tilespmem:s7], [sflag:$0x1] =	stream.linear.gather [spmem:s18], $0x4000, $0x38;
	[tilespmem:$0x1C400] =	vst v63  }
0x49: {  	_ =	swait.ge [sflag:s26], $0x4000  }
0x4a: {  	[sflag:s26] =	ssyncset.done $0x0  }
0x4b: {  	[sflag:s26] =	ssyncadd.s32 $0xFFFFC000  }
0x4c: {  	[hbm4b:s6+s3] =	stream.linear.scatter [tilespmem:s7], [sflag:$0x3], $0x4000, $0x38;
	[tilespmem:$0x1C400] =	vst v63  }
0x4d: {  	_ =	swait.ge [sflag:s30], $0x4000  }
0x4e: {  	[sflag:s30] =	ssyncset.done $0x0  }
0x4f: {  	[sflag:s30] =	ssyncadd.s32 $0xFFFFC000  }
0x50: {  	[tilespmem:s12], [sflag:$0x2] =	stream.linear.gather [spmem:s19], $0x4000, $0x38;
	[tilespmem:$0x1C400] =	vst v63  }
0x51: {  	_ =	swait.ge [sflag:s28], $0x4000  }
0x52: {  	[sflag:s28] =	ssyncset.done $0x0  }
0x53: {  	[sflag:s28] =	ssyncadd.s32 $0xFFFFC000  }
0x54: {  	[hbm4b:s2+s3] =	stream.linear.scatter [tilespmem:s12], [sflag:$0x4], $0x4000, $0x38;
	[tilespmem:$0x1C400] =	vst v63  }
0x55: {  	_ =	swait.ge [sflag:s29], $0x4000  }
0x56: {  	[sflag:s29] =	ssyncset.done $0x0  }
0x57: {  	[sflag:s29] =	ssyncadd.s32 $0xFFFFC000  }
0x58: {  	[tilespmem:s7], [sflag:$0x1] =	stream.linear.gather [spmem:s20], $0x4000, $0x38;
	[tilespmem:$0x1C400] =	vst v63  }
0x59: {  	_ =	swait.ge [sflag:s26], $0x4000  }
0x5a: {  	[sflag:s26] =	ssyncset.done $0x0  }
0x5b: {  	[sflag:s26] =	ssyncadd.s32 $0xFFFFC000  }
0x5c: {  	[hbm4b:s0+s3] =	stream.linear.scatter [tilespmem:s7], [sflag:$0x3], $0x4000, $0x38;
	[tilespmem:$0x1C400] =	vst v63  }
0x5d: {  	_ =	swait.ge [sflag:s30], $0x4000  }
0x5e: {  	[sflag:s30] =	ssyncset.done $0x0  }
0x5f: {  	[sflag:s30] =	ssyncadd.s32 $0xFFFFC000  }
0x60: {  	_ =	swait.ge [sflag:s29], $0x4000  }
0x61: {  	s31 =	sadd.s32 $0x1, s31;
	s21 =	rddreg [dreg:$0x18]  }
0x62: {  	p1 =	sne.s32 s31, s21  }
.Ltmp1:
0x63: {  	_ = 	snop;
	(pc) =	sbr.rel @!p1 .LBB2_11-.Ltmp1, $3  }
0x64: {  	_ =	sdelay $0x1  }
0x65: {  	[sflag:s29] =	ssyncset.done $0x0  }
0x66: {  	[sflag:s29] =	ssyncadd.s32 $0xFFFFC000  }
.LBB2_1:
.Ltmp2:
0x67: {  	(pc) =	sbr.rel @!p0 .LBB2_2-.Ltmp2, $4  }
0x68: {  	_ = 	snop  }
0x69: {  	s0 =	sand.u32 $0xFE00, s3  }
0x6a: {  	s2 =	sand.u32 $0x70, s3;
	s4 =	sshrl.u32 s0, $0x2  }
0x6b: {  	s0 =	simm.s32 $0x40;
	s4 =	sor.u32 s2, s4;
	s2 =	simm.s32 $0x0  }
.LBB2_6:
0x6c: {  	p1 =	sne.s32 s0, $0xFFC0  }
0x6d: {  	[tilespmem:s4+$0x400] =	vst v0;
	s2 =	sadd.s32 $0x10, s2;
	s4 =	smov.u32 s0;
	s0 =	sadd.s32 $0x40, s0  }
.Ltmp3:
0x6e: {  	(pc) =	sbr.rel @p1 .LBB2_6-.Ltmp3, $4  }
0x6f: {  	_ = 	snop  }
0x70: {  	s4 =	sand.u32 $0xFE00, s4  }
0x71: {  	s6 =	sand.u32 $0x70, s2;
	s4 =	sshrl.u32 s4, $0x2  }
0x72: {  	s4 =	sor.u32 s6, s4  }
0x73: {  	[tilespmem:s4+$0x400] =	vst v0;
	s0 =	rddreg [dreg:$0x4]  }
0x74: {  	[spmem:s0] =	stream.linear.scatter [tilespmem:s7], [sflag:$0x5], $0x4000, $0x38;
	[tilespmem:$0x1C400] =	vst v63  }
0x75: {  	_ = 	snop  }
0x76: {  	[spmem:s5] =	stream.linear.scatter [tilespmem:s7], [sflag:$0x5], $0x4000, $0x38;
	[tilespmem:$0x1C400] =	vst v63  }
0x77: {  	_ = 	snop  }
0x78: {  	[spmem:s18] =	stream.linear.scatter [tilespmem:s7], [sflag:$0x5], $0x4000, $0x38;
	[tilespmem:$0x1C400] =	vst v63  }
0x79: {  	_ = 	snop  }
0x7a: {  	[spmem:s19] =	stream.linear.scatter [tilespmem:s7], [sflag:$0x5], $0x4000, $0x38;
	[tilespmem:$0x1C400] =	vst v63  }
0x7b: {  	_ = 	snop  }
0x7c: {  	[spmem:s20] =	stream.linear.scatter [tilespmem:s7], [sflag:$0x5], $0x4000, $0x38;
	[tilespmem:$0x1C400] =	vst v63  }
0x7d: {  	_ =	swait.ge [sflag:s8], $0x4000  }
0x7e: {  	[sflag:s8] =	ssyncset.done $0x0  }
0x7f: {  	[sflag:s8] =	ssyncadd.s32 $0xFFFFC000  }
0x80: {  	_ =	swait.ge [sflag:s8], $0x4000  }
0x81: {  	[sflag:s8] =	ssyncset.done $0x0  }
0x82: {  	[sflag:s8] =	ssyncadd.s32 $0xFFFFC000  }
0x83: {  	_ =	swait.ge [sflag:s8], $0x4000  }
0x84: {  	[sflag:s8] =	ssyncset.done $0x0  }
0x85: {  	[sflag:s8] =	ssyncadd.s32 $0xFFFFC000  }
0x86: {  	_ =	swait.ge [sflag:s8], $0x4000  }
0x87: {  	[sflag:s8] =	ssyncset.done $0x0  }
0x88: {  	[sflag:s8] =	ssyncadd.s32 $0xFFFFC000  }
0x89: {  	_ =	swait.ge [sflag:s8], $0x4000  }
0x8a: {  	[sflag:s8] =	ssyncset.done $0x0  }
0x8b: {  	[sflag:s8] =	ssyncadd.s32 $0xFFFFC000  }
0x8c: {  	[bflag:$0x0] =	sbarrier.arrive $0xFFFF  }
0x8d: {  	s21 =	simm.s32 $0x0;
	s2 =	rddreg [dreg:$0xa]  }
0x8e: {  	[tilespmem:s21], [sflag:$0x5] =	stream.linear.gather [hbm4b:s2+s21], $0x80, $0x38;
	[tilespmem:$0x1C400] =	vst v63  }
0x8f: {  	s4 =	rddreg [dreg:$0xb]  }
0x90: {  	[tilespmem:s9], [sflag:$0x5] =	stream.linear.gather [hbm4b:s4+s21], $0x80, $0x38;
	[tilespmem:$0x1C400] =	vst v63  }
0x91: {  	s5 =	rddreg [dreg:$0xc]  }
0x92: {  	[tilespmem:s10], [sflag:$0x5] =	stream.linear.gather [hbm4b:s5+s21], $0x80, $0x38;
	[tilespmem:$0x1C400] =	vst v63  }
0x93: {  	s6 =	rddreg [dreg:$0xd]  }
0x94: {  	[tilespmem:s11], [sflag:$0x5] =	stream.linear.gather [hbm4b:s6+s21], $0x80, $0x38;
	[tilespmem:$0x1C400] =	vst v63  }
0x95: {  	_ =	swait.ge [sflag:s8], $0x80  }
0x96: {  	[sflag:s8] =	ssyncset.done $0x0  }
0x97: {  	[sflag:s8] =	ssyncadd.s32 $0xFFFFFF80  }
0x98: {  	_ =	swait.ge [sflag:s8], $0x80  }
0x99: {  	[sflag:s8] =	ssyncset.done $0x0  }
0x9a: {  	[sflag:s8] =	ssyncadd.s32 $0xFFFFFF80  }
0x9b: {  	_ =	swait.ge [sflag:s8], $0x80  }
0x9c: {  	[sflag:s8] =	ssyncset.done $0x0  }
0x9d: {  	[sflag:s8] =	ssyncadd.s32 $0xFFFFFF80  }
0x9e: {  	_ =	swait.ge [sflag:s8], $0x80  }
0x9f: {  	[sflag:s8] =	ssyncset.done $0x0  }
0xa0: {  	[sflag:s8] =	ssyncadd.s32 $0xFFFFFF80  }
0xa1: {  	[tilespmem:s7], [sflag:$0x1] =	stream.indirect.gather [hbm4b:s22+s10], $0x80, s3, s10, $0xb8;
	[tilespmem:$0x1C400] =	vst v63  }
0xa2: {  	s0 =	sadd.s32 $0x0, s17  }
0xa3: {  	[tilespmem:s12], [sflag:$0x2] =	stream.indirect.gather [hbm4b:s22+s10], $0x80, s10, s10, $0xb8;
	[tilespmem:$0x1C400] =	vst v63  }
0xa4: {  	s4 =	sadd.s32 $0x0, s16;
	s21 =	sadd.s32 $0x8C20, s0  }
0xa5: {  	[tilespmem:s13], [sflag:$0x5] =	stream.linear.gather [hbm4b:s21+s3], $0x80, $0x38;
	[tilespmem:$0x1C400] =	vst v63  }
0xa6: {  	s5 =	sadd.s32 $0x8C20, s4  }
0xa7: {  	[tilespmem:s23], [sflag:$0x5] =	stream.linear.gather [hbm4b:s5+s3], $0x80, $0x38;
	[tilespmem:$0x1C400] =	vst v63  }
0xa8: {  	s6 =	sadd.s32 $0x8C30, s0  }
0xa9: {  	[tilespmem:s24], [sflag:$0x5] =	stream.linear.gather [hbm4b:s6+s3], $0x80, $0x38;
	[tilespmem:$0x1C400] =	vst v63  }
0xaa: {  	s21 =	sadd.s32 $0x8C30, s4  }
0xab: {  	[tilespmem:s25], [sflag:$0x5] =	stream.linear.gather [hbm4b:s21+s3], $0x80, $0x38;
	[tilespmem:$0x1C400] =	vst v63  }
0xac: {  	_ =	swait.ge [sflag:s26], $0x4000  }
0xad: {  	[sflag:s26] =	ssyncset.done $0x0  }
0xae: {  	[sflag:s26] =	ssyncadd.s32 $0xFFFFC000  }
0xaf: {  	[spmem:s1] =	stream.indirect.scatter.add.f32 [tilespmem:s7], [sflag:$0x3], $0x80, s9, s10, $0xb8;
	[tilespmem:$0x1C400] =	vst v63  }
0xb0: {  	_ =	swait.ge [sflag:s28], $0x4000  }
0xb1: {  	[sflag:s28] =	ssyncset.done $0x0  }
0xb2: {  	[sflag:s28] =	ssyncadd.s32 $0xFFFFC000  }
0xb3: {  	[spmem:s1] =	stream.indirect.scatter.add.f32 [tilespmem:s12], [sflag:$0x4], $0x80, s11, s10, $0xb8;
	[tilespmem:$0x1C400] =	vst v63  }
0xb4: {  	_ =	swait.ge [sflag:s29], $0x4000  }
0xb5: {  	[sflag:s29] =	ssyncset.done $0x0  }
0xb6: {  	[sflag:s29] =	ssyncadd.s32 $0xFFFFC000  }
0xb7: {  	_ =	swait.ge [sflag:s30], $0x4000  }
0xb8: {  	[sflag:s30] =	ssyncset.done $0x0  }
0xb9: {  	[sflag:s30] =	ssyncadd.s32 $0xFFFFC000  }
0xba: {  	_ =	swait.ge [sflag:s8], $0x80  }
0xbb: {  	[sflag:s8] =	ssyncset.done $0x0  }
0xbc: {  	[sflag:s8] =	ssyncadd.s32 $0xFFFFFF80  }
0xbd: {  	_ =	swait.ge [sflag:s8], $0x80  }
0xbe: {  	[sflag:s8] =	ssyncset.done $0x0  }
0xbf: {  	[sflag:s8] =	ssyncadd.s32 $0xFFFFFF80  }
0xc0: {  	_ =	swait.ge [sflag:s8], $0x80  }
0xc1: {  	[sflag:s8] =	ssyncset.done $0x0  }
0xc2: {  	[sflag:s8] =	ssyncadd.s32 $0xFFFFFF80  }
0xc3: {  	_ =	swait.ge [sflag:s8], $0x80  }
0xc4: {  	[sflag:s8] =	ssyncset.done $0x0  }
0xc5: {  	[sflag:s8] =	ssyncadd.s32 $0xFFFFFF80  }
0xc6: {  	[tilespmem:s7], [sflag:$0x1] =	stream.indirect.gather [hbm4b:s22+s10], $0x80, s13, s10, $0xb8;
	[tilespmem:$0x1C400] =	vst v63  }
0xc7: {  	_ = 	snop  }
0xc8: {  	[tilespmem:s12], [sflag:$0x2] =	stream.indirect.gather [hbm4b:s22+s10], $0x80, s24, s10, $0xb8;
	[tilespmem:$0x1C400] =	vst v63  }
0xc9: {  	s5 =	sadd.s32 $0x8C40, s0  }
0xca: {  	[tilespmem:s3], [sflag:$0x5] =	stream.linear.gather [hbm4b:s5+s3], $0x80, $0x38;
	[tilespmem:$0x1C400] =	vst v63  }
0xcb: {  	s6 =	sadd.s32 $0x8C40, s4  }
0xcc: {  	[tilespmem:s9], [sflag:$0x5] =	stream.linear.gather [hbm4b:s6+s3], $0x80, $0x38;
	[tilespmem:$0x1C400] =	vst v63  }
0xcd: {  	s0 =	sadd.s32 $0x8C50, s0  }
0xce: {  	[tilespmem:s10], [sflag:$0x5] =	stream.linear.gather [hbm4b:s0+s3], $0x80, $0x38;
	[tilespmem:$0x1C400] =	vst v63  }
0xcf: {  	s21 =	sadd.s32 $0x8C50, s4  }
0xd0: {  	[tilespmem:s11], [sflag:$0x5] =	stream.linear.gather [hbm4b:s21+s3], $0x80, $0x38;
	[tilespmem:$0x1C400] =	vst v63  }
0xd1: {  	_ =	swait.ge [sflag:s26], $0x4000  }
0xd2: {  	[sflag:s26] =	ssyncset.done $0x0  }
0xd3: {  	[sflag:s26] =	ssyncadd.s32 $0xFFFFC000  }
0xd4: {  	[spmem:s1] =	stream.indirect.scatter.add.f32 [tilespmem:s7], [sflag:$0x3], $0x80, s23, s10, $0xb8;
	[tilespmem:$0x1C400] =	vst v63  }
0xd5: {  	_ =	swait.ge [sflag:s28], $0x4000  }
0xd6: {  	[sflag:s28] =	ssyncset.done $0x0  }
0xd7: {  	[sflag:s28] =	ssyncadd.s32 $0xFFFFC000  }
0xd8: {  	[spmem:s1] =	stream.indirect.scatter.add.f32 [tilespmem:s12], [sflag:$0x4], $0x80, s25, s10, $0xb8;
	[tilespmem:$0x1C400] =	vst v63  }
0xd9: {  	_ =	swait.ge [sflag:s29], $0x4000  }
0xda: {  	[sflag:s29] =	ssyncset.done $0x0  }
0xdb: {  	[sflag:s29] =	ssyncadd.s32 $0xFFFFC000  }
0xdc: {  	_ =	swait.ge [sflag:s30], $0x4000  }
0xdd: {  	s0 =	simm.s32 $0x40;
	[sflag:s30] =	ssyncset.done $0x0  }
.LBB2_8:
0xde: {  	p1 =	sne.s32 s0, $0x100  }
0xdf: {  	[sflag:s30] =	ssyncadd.s32 $0xFFFFC000;
	s2 =	smov.u32 s0;
	s0 =	sadd.s32 $0x40, s0  }
0xe0: {  	_ =	swait.ge [sflag:s8], $0x80  }
0xe1: {  	[sflag:s8] =	ssyncset.done $0x0  }
0xe2: {  	[sflag:s8] =	ssyncadd.s32 $0xFFFFFF80  }
0xe3: {  	_ =	swait.ge [sflag:s8], $0x80  }
0xe4: {  	[sflag:s8] =	ssyncset.done $0x0  }
0xe5: {  	[sflag:s8] =	ssyncadd.s32 $0xFFFFFF80  }
0xe6: {  	_ =	swait.ge [sflag:s8], $0x80  }
0xe7: {  	[sflag:s8] =	ssyncset.done $0x0  }
0xe8: {  	[sflag:s8] =	ssyncadd.s32 $0xFFFFFF80  }
0xe9: {  	_ =	swait.ge [sflag:s8], $0x80  }
0xea: {  	[sflag:s8] =	ssyncset.done $0x0  }
0xeb: {  	[sflag:s8] =	ssyncadd.s32 $0xFFFFFF80  }
0xec: {  	[tilespmem:s7], [sflag:$0x1] =	stream.indirect.gather [hbm4b:s22+s10], $0x80, s3, s10, $0xb8;
	[tilespmem:$0x1C400] =	vst v63  }
0xed: {  	s6 =	sadd.s32 s2, s17  }
0xee: {  	[tilespmem:s12], [sflag:$0x2] =	stream.indirect.gather [hbm4b:s22+s10], $0x80, s10, s10, $0xb8;
	[tilespmem:$0x1C400] =	vst v63  }
0xef: {  	s2 =	sadd.s32 s2, s16;
	s4 =	sadd.s32 $0x8C20, s6  }
0xf0: {  	[tilespmem:s13], [sflag:$0x5] =	stream.linear.gather [hbm4b:s4+s3], $0x80, $0x38;
	[tilespmem:$0x1C400] =	vst v63  }
0xf1: {  	s4 =	sadd.s32 $0x8C20, s2  }
0xf2: {  	[tilespmem:s23], [sflag:$0x5] =	stream.linear.gather [hbm4b:s4+s3], $0x80, $0x38;
	[tilespmem:$0x1C400] =	vst v63  }
0xf3: {  	s4 =	sadd.s32 $0x8C30, s6  }
0xf4: {  	[tilespmem:s24], [sflag:$0x5] =	stream.linear.gather [hbm4b:s4+s3], $0x80, $0x38;
	[tilespmem:$0x1C400] =	vst v63  }
0xf5: {  	s4 =	sadd.s32 $0x8C30, s2  }
0xf6: {  	[tilespmem:s25], [sflag:$0x5] =	stream.linear.gather [hbm4b:s4+s3], $0x80, $0x38;
	[tilespmem:$0x1C400] =	vst v63  }
0xf7: {  	_ =	swait.ge [sflag:s26], $0x4000  }
0xf8: {  	[sflag:s26] =	ssyncset.done $0x0  }
0xf9: {  	[sflag:s26] =	ssyncadd.s32 $0xFFFFC000  }
0xfa: {  	[spmem:s1] =	stream.indirect.scatter.add.f32 [tilespmem:s7], [sflag:$0x3], $0x80, s9, s10, $0xb8;
	[tilespmem:$0x1C400] =	vst v63  }
0xfb: {  	_ =	swait.ge [sflag:s28], $0x4000  }
0xfc: {  	[sflag:s28] =	ssyncset.done $0x0  }
0xfd: {  	[sflag:s28] =	ssyncadd.s32 $0xFFFFC000  }
0xfe: {  	[spmem:s1] =	stream.indirect.scatter.add.f32 [tilespmem:s12], [sflag:$0x4], $0x80, s11, s10, $0xb8;
	[tilespmem:$0x1C400] =	vst v63  }
0xff: {  	_ =	swait.ge [sflag:s29], $0x4000  }
0x100: {  	[sflag:s29] =	ssyncset.done $0x0  }
0x101: {  	[sflag:s29] =	ssyncadd.s32 $0xFFFFC000  }
0x102: {  	_ =	swait.ge [sflag:s30], $0x4000  }
0x103: {  	[sflag:s30] =	ssyncset.done $0x0  }
0x104: {  	[sflag:s30] =	ssyncadd.s32 $0xFFFFC000  }
0x105: {  	_ =	swait.ge [sflag:s8], $0x80  }
0x106: {  	[sflag:s8] =	ssyncset.done $0x0  }
0x107: {  	[sflag:s8] =	ssyncadd.s32 $0xFFFFFF80  }
0x108: {  	_ =	swait.ge [sflag:s8], $0x80  }
0x109: {  	[sflag:s8] =	ssyncset.done $0x0  }
0x10a: {  	[sflag:s8] =	ssyncadd.s32 $0xFFFFFF80  }
0x10b: {  	_ =	swait.ge [sflag:s8], $0x80  }
0x10c: {  	[sflag:s8] =	ssyncset.done $0x0  }
0x10d: {  	[sflag:s8] =	ssyncadd.s32 $0xFFFFFF80  }
0x10e: {  	_ =	swait.ge [sflag:s8], $0x80  }
0x10f: {  	[sflag:s8] =	ssyncset.done $0x0  }
0x110: {  	[sflag:s8] =	ssyncadd.s32 $0xFFFFFF80  }
0x111: {  	[tilespmem:s7], [sflag:$0x1] =	stream.indirect.gather [hbm4b:s22+s10], $0x80, s13, s10, $0xb8;
	[tilespmem:$0x1C400] =	vst v63  }
0x112: {  	_ = 	snop  }
0x113: {  	[tilespmem:s12], [sflag:$0x2] =	stream.indirect.gather [hbm4b:s22+s10], $0x80, s24, s10, $0xb8;
	[tilespmem:$0x1C400] =	vst v63  }
0x114: {  	s4 =	sadd.s32 $0x8C40, s6  }
0x115: {  	[tilespmem:s3], [sflag:$0x5] =	stream.linear.gather [hbm4b:s4+s3], $0x80, $0x38;
	[tilespmem:$0x1C400] =	vst v63  }
0x116: {  	s4 =	sadd.s32 $0x8C40, s2  }
0x117: {  	[tilespmem:s9], [sflag:$0x5] =	stream.linear.gather [hbm4b:s4+s3], $0x80, $0x38;
	[tilespmem:$0x1C400] =	vst v63  }
0x118: {  	s4 =	sadd.s32 $0x8C50, s6  }
0x119: {  	[tilespmem:s10], [sflag:$0x5] =	stream.linear.gather [hbm4b:s4+s3], $0x80, $0x38;
	[tilespmem:$0x1C400] =	vst v63  }
0x11a: {  	s2 =	sadd.s32 $0x8C50, s2  }
0x11b: {  	[tilespmem:s11], [sflag:$0x5] =	stream.linear.gather [hbm4b:s2+s3], $0x80, $0x38;
	[tilespmem:$0x1C400] =	vst v63  }
0x11c: {  	_ =	swait.ge [sflag:s26], $0x4000  }
0x11d: {  	[sflag:s26] =	ssyncset.done $0x0  }
0x11e: {  	[sflag:s26] =	ssyncadd.s32 $0xFFFFC000  }
0x11f: {  	[spmem:s1] =	stream.indirect.scatter.add.f32 [tilespmem:s7], [sflag:$0x3], $0x80, s23, s10, $0xb8;
	[tilespmem:$0x1C400] =	vst v63  }
0x120: {  	_ =	swait.ge [sflag:s28], $0x4000  }
0x121: {  	[sflag:s28] =	ssyncset.done $0x0  }
0x122: {  	[sflag:s28] =	ssyncadd.s32 $0xFFFFC000  }
0x123: {  	[spmem:s1] =	stream.indirect.scatter.add.f32 [tilespmem:s12], [sflag:$0x4], $0x80, s25, s10, $0xb8;
	[tilespmem:$0x1C400] =	vst v63  }
.Ltmp4:
0x124: {  	_ =	swait.ge [sflag:s29], $0x4000;
	(pc) =	sbr.rel @p1 .LBB2_8-.Ltmp4, $4  }
0x125: {  	[sflag:s29] =	ssyncset.done $0x0  }
0x126: {  	[sflag:s29] =	ssyncadd.s32 $0xFFFFC000  }
0x127: {  	_ =	swait.ge [sflag:s30], $0x4000  }
0x128: {  	[sflag:s30] =	ssyncset.done $0x0  }
.Ltmp5:
0x129: {  	_ = 	snop;
	(pc) =	sbr.rel .LBB2_9-.Ltmp5, $1  }
0x12a: {  	_ =	sdelay $0x3  }
.LBB2_2:
0x12b: {  	p1 =	sne.s32 s0, $0xFFC0  }
0x12c: {  	[tilespmem:s4+$0x400] =	vst v0;
	s2 =	sadd.s32 $0x10, s2;
	s4 =	smov.u32 s0;
	s0 =	sadd.s32 $0x40, s0  }
.Ltmp6:
0x12d: {  	(pc) =	sbr.rel @p1 .LBB2_2-.Ltmp6, $4  }
0x12e: {  	_ = 	snop  }
0x12f: {  	s4 =	sand.u32 $0xFE00, s4  }
0x130: {  	s6 =	sand.u32 $0x70, s2;
	s4 =	sshrl.u32 s4, $0x2  }
0x131: {  	s4 =	sor.u32 s6, s4  }
0x132: {  	[tilespmem:s4+$0x400] =	vst v0;
	s0 =	rddreg [dreg:$0x4]  }
0x133: {  	[spmem:s0] =	stream.linear.scatter [tilespmem:s7], [sflag:$0x5], $0x4000, $0x38;
	[tilespmem:$0x1C400] =	vst v63  }
0x134: {  	_ = 	snop  }
0x135: {  	[spmem:s5] =	stream.linear.scatter [tilespmem:s7], [sflag:$0x5], $0x4000, $0x38;
	[tilespmem:$0x1C400] =	vst v63  }
0x136: {  	_ = 	snop  }
0x137: {  	[spmem:s18] =	stream.linear.scatter [tilespmem:s7], [sflag:$0x5], $0x4000, $0x38;
	[tilespmem:$0x1C400] =	vst v63  }
0x138: {  	_ = 	snop  }
0x139: {  	[spmem:s19] =	stream.linear.scatter [tilespmem:s7], [sflag:$0x5], $0x4000, $0x38;
	[tilespmem:$0x1C400] =	vst v63  }
0x13a: {  	_ = 	snop  }
0x13b: {  	[spmem:s20] =	stream.linear.scatter [tilespmem:s7], [sflag:$0x5], $0x4000, $0x38;
	[tilespmem:$0x1C400] =	vst v63  }
0x13c: {  	_ =	swait.ge [sflag:s8], $0x4000  }
0x13d: {  	[sflag:s8] =	ssyncset.done $0x0  }
0x13e: {  	[sflag:s8] =	ssyncadd.s32 $0xFFFFC000  }
0x13f: {  	_ =	swait.ge [sflag:s8], $0x4000  }
0x140: {  	[sflag:s8] =	ssyncset.done $0x0  }
0x141: {  	[sflag:s8] =	ssyncadd.s32 $0xFFFFC000  }
0x142: {  	_ =	swait.ge [sflag:s8], $0x4000  }
0x143: {  	[sflag:s8] =	ssyncset.done $0x0  }
0x144: {  	[sflag:s8] =	ssyncadd.s32 $0xFFFFC000  }
0x145: {  	_ =	swait.ge [sflag:s8], $0x4000  }
0x146: {  	[sflag:s8] =	ssyncset.done $0x0  }
0x147: {  	[sflag:s8] =	ssyncadd.s32 $0xFFFFC000  }
0x148: {  	_ =	swait.ge [sflag:s8], $0x4000  }
0x149: {  	[sflag:s8] =	ssyncset.done $0x0  }
0x14a: {  	[sflag:s8] =	ssyncadd.s32 $0xFFFFC000  }
0x14b: {  	[bflag:$0x0] =	sbarrier.arrive $0xFFFF  }
0x14c: {  	s21 =	simm.s32 $0x0;
	s2 =	rddreg [dreg:$0x6]  }
0x14d: {  	[tilespmem:s21], [sflag:$0x5] =	stream.linear.gather [hbm4b:s2+s21], $0x80, $0x38;
	[tilespmem:$0x1C400] =	vst v63  }
0x14e: {  	s4 =	rddreg [dreg:$0x7]  }
0x14f: {  	[tilespmem:s9], [sflag:$0x5] =	stream.linear.gather [hbm4b:s4+s21], $0x80, $0x38;
	[tilespmem:$0x1C400] =	vst v63  }
0x150: {  	s5 =	rddreg [dreg:$0x8]  }
0x151: {  	[tilespmem:s10], [sflag:$0x5] =	stream.linear.gather [hbm4b:s5+s21], $0x80, $0x38;
	[tilespmem:$0x1C400] =	vst v63  }
0x152: {  	s6 =	rddreg [dreg:$0x9]  }
0x153: {  	[tilespmem:s11], [sflag:$0x5] =	stream.linear.gather [hbm4b:s6+s21], $0x80, $0x38;
	[tilespmem:$0x1C400] =	vst v63  }
0x154: {  	_ =	swait.ge [sflag:s8], $0x80  }
0x155: {  	[sflag:s8] =	ssyncset.done $0x0  }
0x156: {  	[sflag:s8] =	ssyncadd.s32 $0xFFFFFF80  }
0x157: {  	_ =	swait.ge [sflag:s8], $0x80  }
0x158: {  	[sflag:s8] =	ssyncset.done $0x0  }
0x159: {  	[sflag:s8] =	ssyncadd.s32 $0xFFFFFF80  }
0x15a: {  	_ =	swait.ge [sflag:s8], $0x80  }
0x15b: {  	[sflag:s8] =	ssyncset.done $0x0  }
0x15c: {  	[sflag:s8] =	ssyncadd.s32 $0xFFFFFF80  }
0x15d: {  	_ =	swait.ge [sflag:s8], $0x80  }
0x15e: {  	[sflag:s8] =	ssyncset.done $0x0  }
0x15f: {  	[sflag:s8] =	ssyncadd.s32 $0xFFFFFF80  }
0x160: {  	[tilespmem:s7], [sflag:$0x1] =	stream.indirect.gather [hbm4b:s22+s10], $0x80, s3, s10, $0xb8;
	[tilespmem:$0x1C400] =	vst v63  }
0x161: {  	s0 =	sadd.s32 $0x0, s15  }
0x162: {  	[tilespmem:s12], [sflag:$0x2] =	stream.indirect.gather [hbm4b:s22+s10], $0x80, s10, s10, $0xb8;
	[tilespmem:$0x1C400] =	vst v63  }
0x163: {  	s4 =	sadd.s32 $0x0, s14;
	s21 =	sadd.s32 $0x20, s0  }
0x164: {  	[tilespmem:s13], [sflag:$0x5] =	stream.linear.gather [hbm4b:s21+s3], $0x80, $0x38;
	[tilespmem:$0x1C400] =	vst v63  }
0x165: {  	s5 =	sadd.s32 $0x20, s4  }
0x166: {  	[tilespmem:s23], [sflag:$0x5] =	stream.linear.gather [hbm4b:s5+s3], $0x80, $0x38;
	[tilespmem:$0x1C400] =	vst v63  }
0x167: {  	s6 =	sadd.s32 $0x30, s0  }
0x168: {  	[tilespmem:s24], [sflag:$0x5] =	stream.linear.gather [hbm4b:s6+s3], $0x80, $0x38;
	[tilespmem:$0x1C400] =	vst v63  }
0x169: {  	s21 =	sadd.s32 $0x30, s4  }
0x16a: {  	[tilespmem:s25], [sflag:$0x5] =	stream.linear.gather [hbm4b:s21+s3], $0x80, $0x38;
	[tilespmem:$0x1C400] =	vst v63  }
0x16b: {  	_ =	swait.ge [sflag:s26], $0x4000  }
0x16c: {  	[sflag:s26] =	ssyncset.done $0x0  }
0x16d: {  	[sflag:s26] =	ssyncadd.s32 $0xFFFFC000  }
0x16e: {  	[spmem:s1] =	stream.indirect.scatter.add.f32 [tilespmem:s7], [sflag:$0x3], $0x80, s9, s10, $0xb8;
	[tilespmem:$0x1C400] =	vst v63  }
0x16f: {  	_ =	swait.ge [sflag:s28], $0x4000  }
0x170: {  	[sflag:s28] =	ssyncset.done $0x0  }
0x171: {  	[sflag:s28] =	ssyncadd.s32 $0xFFFFC000  }
0x172: {  	[spmem:s1] =	stream.indirect.scatter.add.f32 [tilespmem:s12], [sflag:$0x4], $0x80, s11, s10, $0xb8;
	[tilespmem:$0x1C400] =	vst v63  }
0x173: {  	_ =	swait.ge [sflag:s29], $0x4000  }
0x174: {  	[sflag:s29] =	ssyncset.done $0x0  }
0x175: {  	[sflag:s29] =	ssyncadd.s32 $0xFFFFC000  }
0x176: {  	_ =	swait.ge [sflag:s30], $0x4000  }
0x177: {  	[sflag:s30] =	ssyncset.done $0x0  }
0x178: {  	[sflag:s30] =	ssyncadd.s32 $0xFFFFC000  }
0x179: {  	_ =	swait.ge [sflag:s8], $0x80  }
0x17a: {  	[sflag:s8] =	ssyncset.done $0x0  }
0x17b: {  	[sflag:s8] =	ssyncadd.s32 $0xFFFFFF80  }
0x17c: {  	_ =	swait.ge [sflag:s8], $0x80  }
0x17d: {  	[sflag:s8] =	ssyncset.done $0x0  }
0x17e: {  	[sflag:s8] =	ssyncadd.s32 $0xFFFFFF80  }
0x17f: {  	_ =	swait.ge [sflag:s8], $0x80  }
0x180: {  	[sflag:s8] =	ssyncset.done $0x0  }
0x181: {  	[sflag:s8] =	ssyncadd.s32 $0xFFFFFF80  }
0x182: {  	_ =	swait.ge [sflag:s8], $0x80  }
0x183: {  	[sflag:s8] =	ssyncset.done $0x0  }
0x184: {  	[sflag:s8] =	ssyncadd.s32 $0xFFFFFF80  }
0x185: {  	[tilespmem:s7], [sflag:$0x1] =	stream.indirect.gather [hbm4b:s22+s10], $0x80, s13, s10, $0xb8;
	[tilespmem:$0x1C400] =	vst v63  }
0x186: {  	_ = 	snop  }
0x187: {  	[tilespmem:s12], [sflag:$0x2] =	stream.indirect.gather [hbm4b:s22+s10], $0x80, s24, s10, $0xb8;
	[tilespmem:$0x1C400] =	vst v63  }
0x188: {  	s5 =	sadd.s32 $0x40, s0  }
0x189: {  	[tilespmem:s3], [sflag:$0x5] =	stream.linear.gather [hbm4b:s5+s3], $0x80, $0x38;
	[tilespmem:$0x1C400] =	vst v63  }
0x18a: {  	s6 =	sadd.s32 $0x40, s4  }
0x18b: {  	[tilespmem:s9], [sflag:$0x5] =	stream.linear.gather [hbm4b:s6+s3], $0x80, $0x38;
	[tilespmem:$0x1C400] =	vst v63  }
0x18c: {  	s0 =	sadd.s32 $0x50, s0  }
0x18d: {  	[tilespmem:s10], [sflag:$0x5] =	stream.linear.gather [hbm4b:s0+s3], $0x80, $0x38;
	[tilespmem:$0x1C400] =	vst v63  }
0x18e: {  	s21 =	sadd.s32 $0x50, s4  }
0x18f: {  	[tilespmem:s11], [sflag:$0x5] =	stream.linear.gather [hbm4b:s21+s3], $0x80, $0x38;
	[tilespmem:$0x1C400] =	vst v63  }
0x190: {  	_ =	swait.ge [sflag:s26], $0x4000  }
0x191: {  	[sflag:s26] =	ssyncset.done $0x0  }
0x192: {  	[sflag:s26] =	ssyncadd.s32 $0xFFFFC000  }
0x193: {  	[spmem:s1] =	stream.indirect.scatter.add.f32 [tilespmem:s7], [sflag:$0x3], $0x80, s23, s10, $0xb8;
	[tilespmem:$0x1C400] =	vst v63  }
0x194: {  	_ =	swait.ge [sflag:s28], $0x4000  }
0x195: {  	[sflag:s28] =	ssyncset.done $0x0  }
0x196: {  	[sflag:s28] =	ssyncadd.s32 $0xFFFFC000  }
0x197: {  	[spmem:s1] =	stream.indirect.scatter.add.f32 [tilespmem:s12], [sflag:$0x4], $0x80, s25, s10, $0xb8;
	[tilespmem:$0x1C400] =	vst v63  }
0x198: {  	_ =	swait.ge [sflag:s29], $0x4000  }
0x199: {  	[sflag:s29] =	ssyncset.done $0x0  }
0x19a: {  	[sflag:s29] =	ssyncadd.s32 $0xFFFFC000  }
0x19b: {  	_ =	swait.ge [sflag:s30], $0x4000  }
0x19c: {  	s0 =	simm.s32 $0x40;
	[sflag:s30] =	ssyncset.done $0x0  }
.LBB2_4:
0x19d: {  	p1 =	seq.s32 s0, $0x880  }
0x19e: {  	[sflag:s30] =	ssyncadd.s32 $0xFFFFC000;
	s2 =	smov.u32 s0;
	s0 =	sadd.s32 $0x40, s0  }
0x19f: {  	_ =	swait.ge [sflag:s8], $0x80  }
0x1a0: {  	[sflag:s8] =	ssyncset.done $0x0  }
0x1a1: {  	[sflag:s8] =	ssyncadd.s32 $0xFFFFFF80  }
0x1a2: {  	_ =	swait.ge [sflag:s8], $0x80  }
0x1a3: {  	[sflag:s8] =	ssyncset.done $0x0  }
0x1a4: {  	[sflag:s8] =	ssyncadd.s32 $0xFFFFFF80  }
0x1a5: {  	_ =	swait.ge [sflag:s8], $0x80  }
0x1a6: {  	[sflag:s8] =	ssyncset.done $0x0  }
0x1a7: {  	[sflag:s8] =	ssyncadd.s32 $0xFFFFFF80  }
0x1a8: {  	_ =	swait.ge [sflag:s8], $0x80  }
0x1a9: {  	[sflag:s8] =	ssyncset.done $0x0  }
0x1aa: {  	[sflag:s8] =	ssyncadd.s32 $0xFFFFFF80  }
0x1ab: {  	[tilespmem:s7], [sflag:$0x1] =	stream.indirect.gather [hbm4b:s22+s10], $0x80, s3, s10, $0xb8;
	[tilespmem:$0x1C400] =	vst v63  }
0x1ac: {  	s6 =	sadd.s32 s2, s15  }
0x1ad: {  	[tilespmem:s12], [sflag:$0x2] =	stream.indirect.gather [hbm4b:s22+s10], $0x80, s10, s10, $0xb8;
	[tilespmem:$0x1C400] =	vst v63  }
0x1ae: {  	s2 =	sadd.s32 s2, s14;
	s4 =	sadd.s32 $0x20, s6  }
0x1af: {  	[tilespmem:s13], [sflag:$0x5] =	stream.linear.gather [hbm4b:s4+s3], $0x80, $0x38;
	[tilespmem:$0x1C400] =	vst v63  }
0x1b0: {  	s4 =	sadd.s32 $0x20, s2  }
0x1b1: {  	[tilespmem:s23], [sflag:$0x5] =	stream.linear.gather [hbm4b:s4+s3], $0x80, $0x38;
	[tilespmem:$0x1C400] =	vst v63  }
0x1b2: {  	s4 =	sadd.s32 $0x30, s6  }
0x1b3: {  	[tilespmem:s24], [sflag:$0x5] =	stream.linear.gather [hbm4b:s4+s3], $0x80, $0x38;
	[tilespmem:$0x1C400] =	vst v63  }
0x1b4: {  	s4 =	sadd.s32 $0x30, s2  }
0x1b5: {  	[tilespmem:s25], [sflag:$0x5] =	stream.linear.gather [hbm4b:s4+s3], $0x80, $0x38;
	[tilespmem:$0x1C400] =	vst v63  }
0x1b6: {  	_ =	swait.ge [sflag:s26], $0x4000  }
0x1b7: {  	[sflag:s26] =	ssyncset.done $0x0  }
0x1b8: {  	[sflag:s26] =	ssyncadd.s32 $0xFFFFC000  }
0x1b9: {  	[spmem:s1] =	stream.indirect.scatter.add.f32 [tilespmem:s7], [sflag:$0x3], $0x80, s9, s10, $0xb8;
	[tilespmem:$0x1C400] =	vst v63  }
0x1ba: {  	_ =	swait.ge [sflag:s28], $0x4000  }
0x1bb: {  	[sflag:s28] =	ssyncset.done $0x0  }
0x1bc: {  	[sflag:s28] =	ssyncadd.s32 $0xFFFFC000  }
0x1bd: {  	[spmem:s1] =	stream.indirect.scatter.add.f32 [tilespmem:s12], [sflag:$0x4], $0x80, s11, s10, $0xb8;
	[tilespmem:$0x1C400] =	vst v63  }
0x1be: {  	_ =	swait.ge [sflag:s29], $0x4000  }
0x1bf: {  	[sflag:s29] =	ssyncset.done $0x0  }
0x1c0: {  	[sflag:s29] =	ssyncadd.s32 $0xFFFFC000  }
0x1c1: {  	_ =	swait.ge [sflag:s30], $0x4000  }
0x1c2: {  	[sflag:s30] =	ssyncset.done $0x0  }
0x1c3: {  	[sflag:s30] =	ssyncadd.s32 $0xFFFFC000  }
0x1c4: {  	_ =	swait.ge [sflag:s8], $0x80  }
0x1c5: {  	[sflag:s8] =	ssyncset.done $0x0  }
0x1c6: {  	[sflag:s8] =	ssyncadd.s32 $0xFFFFFF80  }
0x1c7: {  	_ =	swait.ge [sflag:s8], $0x80  }
0x1c8: {  	[sflag:s8] =	ssyncset.done $0x0  }
0x1c9: {  	[sflag:s8] =	ssyncadd.s32 $0xFFFFFF80  }
0x1ca: {  	_ =	swait.ge [sflag:s8], $0x80  }
0x1cb: {  	[sflag:s8] =	ssyncset.done $0x0  }
0x1cc: {  	[sflag:s8] =	ssyncadd.s32 $0xFFFFFF80  }
0x1cd: {  	_ =	swait.ge [sflag:s8], $0x80  }
0x1ce: {  	[sflag:s8] =	ssyncset.done $0x0  }
0x1cf: {  	[sflag:s8] =	ssyncadd.s32 $0xFFFFFF80  }
0x1d0: {  	[tilespmem:s7], [sflag:$0x1] =	stream.indirect.gather [hbm4b:s22+s10], $0x80, s13, s10, $0xb8;
	[tilespmem:$0x1C400] =	vst v63  }
0x1d1: {  	_ = 	snop  }
0x1d2: {  	[tilespmem:s12], [sflag:$0x2] =	stream.indirect.gather [hbm4b:s22+s10], $0x80, s24, s10, $0xb8;
	[tilespmem:$0x1C400] =	vst v63  }
0x1d3: {  	s4 =	sadd.s32 $0x40, s6  }
0x1d4: {  	[tilespmem:s3], [sflag:$0x5] =	stream.linear.gather [hbm4b:s4+s3], $0x80, $0x38;
	[tilespmem:$0x1C400] =	vst v63  }
0x1d5: {  	s4 =	sadd.s32 $0x40, s2  }
0x1d6: {  	[tilespmem:s9], [sflag:$0x5] =	stream.linear.gather [hbm4b:s4+s3], $0x80, $0x38;
	[tilespmem:$0x1C400] =	vst v63  }
0x1d7: {  	s4 =	sadd.s32 $0x50, s6  }
0x1d8: {  	[tilespmem:s10], [sflag:$0x5] =	stream.linear.gather [hbm4b:s4+s3], $0x80, $0x38;
	[tilespmem:$0x1C400] =	vst v63  }
0x1d9: {  	s2 =	sadd.s32 $0x50, s2  }
0x1da: {  	[tilespmem:s11], [sflag:$0x5] =	stream.linear.gather [hbm4b:s2+s3], $0x80, $0x38;
	[tilespmem:$0x1C400] =	vst v63  }
0x1db: {  	_ =	swait.ge [sflag:s26], $0x4000  }
0x1dc: {  	[sflag:s26] =	ssyncset.done $0x0  }
0x1dd: {  	[sflag:s26] =	ssyncadd.s32 $0xFFFFC000  }
0x1de: {  	[spmem:s1] =	stream.indirect.scatter.add.f32 [tilespmem:s7], [sflag:$0x3], $0x80, s23, s10, $0xb8;
	[tilespmem:$0x1C400] =	vst v63  }
0x1df: {  	_ =	swait.ge [sflag:s28], $0x4000  }
0x1e0: {  	[sflag:s28] =	ssyncset.done $0x0  }
0x1e1: {  	[sflag:s28] =	ssyncadd.s32 $0xFFFFC000  }
0x1e2: {  	[spmem:s1] =	stream.indirect.scatter.add.f32 [tilespmem:s12], [sflag:$0x4], $0x80, s25, s10, $0xb8;
	[tilespmem:$0x1C400] =	vst v63  }
.Ltmp7:
0x1e3: {  	_ =	swait.ge [sflag:s29], $0x4000;
	(pc) =	sbr.rel @!p1 .LBB2_4-.Ltmp7, $4  }
0x1e4: {  	[sflag:s29] =	ssyncset.done $0x0  }
0x1e5: {  	[sflag:s29] =	ssyncadd.s32 $0xFFFFC000  }
0x1e6: {  	_ =	swait.ge [sflag:s30], $0x4000  }
0x1e7: {  	[sflag:s30] =	ssyncset.done $0x0  }
.Ltmp8:
0x1e8: {  	s4 =	rddreg [dreg:$0x19];
	(pc) =	sbr.rel .LBB2_10-.Ltmp8, $4  }
0x1e9: {  	s21 =	rddreg [dreg:$0xf]  }
0x1ea: {  	s6 =	rddreg [dreg:$0x11]  }
0x1eb: {  	s2 =	rddreg [dreg:$0x13]  }
0x1ec: {  	[sflag:s30] =	ssyncadd.s32 $0xFFFFC000;
	s0 =	rddreg [dreg:$0x16]  }
.LBB2_11:
0x1ed: {  	_ =	sfence.sel $0x180000  }
0x1ee: {  	[bflag:$0x0] =	sbarrier.arrive $0xFFFF  }
0x1ef: {  	_ =	strace $0x9000004A  }
0x1f0: {  	s0 =	stileid.u32;
	[bflag:$0x2] =	sbarrier.arrive $0xFFFF  }
0x1f1: {  	p0 =	sne.s32 s0, $0x0;
	s0 =	rddreg [dreg:$0x3]  }
0x1f2: {  	s0 =	sadd.s32 @!p0 $0x100000, s0  }
0x1f3: {  	[sflag:s0] =	ssyncadd.tile.s32 @!p0 $0x1;
	_ =	shalt  }
.Lfunc_end2:
_tile_overlayer_lowered:
.L_overlay_start_2:
0x1f4: {  	(tag) =	ssettag $0x2  }
0x1f5: {  	s0 =	rddreg [dreg:$0x0];
	s2 =	stileid.u32  }
0x1f6: {  	s1 =	rddreg [dreg:$0x1];
	p0 =	sne.s32 s2, $0x0  }
0x1f7: {  	s3 =	rddreg [dreg:$0x2];
	[bflag:$0x3] =	sbarrier.arrive $0xFFFF;
	s2 =	simm.s32 @!p0 $0x1C06  }
0x1f8: {  	[timem:s3], [sflag:s2] =	dma.local @!p0 [hbm:s0], s1  }
0x1f9: {  	s0 =	simm.s32 @!p0 $0x6  }
0x1fa: {  	_ =	swait.ge @!p0 [sflag:s0], s1  }
0x1fb: {  	s1 =	ssub.s32 @!p0 $0x0, s1;
	[sflag:s0] =	ssyncset.done @!p0 $0x0  }
0x1fc: {  	[sflag:s0] =	ssyncadd.s32 @!p0 s1  }
0x1fd: {  	[bflag:$0x3] =	sbarrier.arrive $0xFFFF  }
0x1fe: {  	_ =	shalt  }

</sc_bundles>
